<compile_context>
chip_gen: v7x
topology: tpu7x:2x2x1
jax: 0.10.2.dev20260603
libtpu: 0.0.44.dev20260713+nightly
codegen_flags: <defaults>
</compile_context>

<pallas_src>
import functools

import jax
import jax.numpy as jnp
from jax import lax
from jax.experimental import pallas as pl
from jax.experimental.pallas import tpu as pltpu

N = 262144
C = 128
STRIDE = 2
CODE_DEPTH = 10
NUM_BUCKETS = 8
NUM_BATCH = 8
G = 32
M = NUM_BATCH * G * G * G * NUM_BUCKETS
KEYS_PER_BATCH = G * G * G * NUM_BUCKETS

_ROWS = 2048
EW = 8


def _key_body(gx, gy, gz, b, s, key_out):
    nx = gx[...] >> 1
    ny = gy[...] >> 1
    nz = gz[...] >> 1
    bucket = jnp.clip((s[...] * NUM_BUCKETS).astype(jnp.int32), 0, NUM_BUCKETS - 1)
    k = ((b[...] * G + nx) * G + ny) * G + nz
    key_out[...] = k * NUM_BUCKETS + bucket


def _compute_keys(gx, gy, gz, b, s):
    return pl.pallas_call(
        _key_body,
        out_shape=jax.ShapeDtypeStruct((_ROWS, C), jnp.int32),
    )(gx, gy, gz, b, s)


_PB = 1024
_PA = M // _PB
_PRB = 256


def _tri(nrow, ncol, strict):
    r = lax.broadcasted_iota(jnp.int32, (nrow, ncol), 0)
    c = lax.broadcasted_iota(jnp.int32, (nrow, ncol), 1)
    return (r < c if strict else r <= c).astype(jnp.float32)


def _prefix_body(minidx_ref, inc_ref, carry):
    @pl.when(pl.program_id(0) == 0)
    def _():
        carry[0] = 0.0

    x = (minidx_ref[...] < N).astype(jnp.float32)
    y = jnp.dot(x, _tri(_PB, _PB, strict=False),
                preferred_element_type=jnp.float32)
    r = y[:, _PB - 1:_PB]
    ri = lax.broadcasted_iota(jnp.int32, (_PRB, _PRB), 0)
    ci = lax.broadcasted_iota(jnp.int32, (_PRB, _PRB), 1)
    tl = (ci < ri).astype(jnp.float32)
    p = jnp.dot(tl, r, preferred_element_type=jnp.float32)
    c = carry[0]
    inc_ref[...] = (y + p + c).astype(jnp.int32)
    carry[0] = c + jnp.sum(x)


def _prefix_stage(minidx):
    return pl.pallas_call(
        _prefix_body,
        grid=(_PA // _PRB,),
        in_specs=[pl.BlockSpec((_PRB, _PB), lambda i: (i, i * 0))],
        out_specs=pl.BlockSpec((_PRB, _PB), lambda i: (i, i * 0)),
        out_shape=jax.ShapeDtypeStruct((_PA, _PB), jnp.int32),
        scratch_shapes=[pltpu.SMEM((1,), jnp.float32)],
    )(minidx.reshape(_PA, _PB))


def _erf(x):
    a1, a2, a3, a4, a5 = 0.254829592, -0.284496736, 1.421413741, -1.453152027, 1.061405429
    p = 0.3275911
    ax = jnp.abs(x)
    t = 1.0 / (1.0 + p * ax)
    poly = ((((a5 * t + a4) * t + a3) * t + a2) * t + a1) * t
    y = 1.0 - poly * jnp.exp(-ax * ax)
    return jnp.sign(x) * y


def _dense_body(comb, extras, w, gamma, beta, feat_out, score_out):
    sums = comb[...]
    ssums = extras[:, 0:1]
    cnt = extras[:, 1:2]
    valid = cnt > 0.0
    denom = jnp.maximum(cnt, 1.0)
    pooled = sums / denom
    h = lax.dot_general(pooled, w[...], (((1,), (1,)), ((), ())),
                        preferred_element_type=jnp.float32)
    mu = jnp.mean(h, axis=1, keepdims=True)
    hc = h - mu
    var = jnp.mean(hc * hc, axis=1, keepdims=True)
    hn = hc * lax.rsqrt(var + 1e-5) * gamma[...] + beta[...]
    g = 0.5 * hn * (1.0 + _erf(hn * 0.7071067811865476))
    feat_out[...] = jnp.where(valid, g, 0.0)
    score_out[...] = jnp.where(valid, ssums / denom, 0.0)


def _dense_stage(comb, extras, w, gamma, beta):
    blk = 2048
    grid = N // blk
    return pl.pallas_call(
        _dense_body,
        grid=(grid,),
        in_specs=[
            pl.BlockSpec((blk, C), lambda i: (i, i * 0)),
            pl.BlockSpec((blk, EW), lambda i: (i, i * 0)),
            pl.BlockSpec((C, C), lambda i: (i * 0, i * 0)),
            pl.BlockSpec((1, C), lambda i: (i * 0, i * 0)),
            pl.BlockSpec((1, C), lambda i: (i * 0, i * 0)),
        ],
        out_specs=[
            pl.BlockSpec((blk, C), lambda i: (i, i * 0)),
            pl.BlockSpec((blk, 1), lambda i: (i, i * 0)),
        ],
        out_shape=[
            jax.ShapeDtypeStruct((N, C), jnp.float32),
            jax.ShapeDtypeStruct((N, 1), jnp.float32),
        ],
    )(comb, extras, w, gamma, beta)


def kernel(feat, coord, grid_coord, scores, batch, W, gamma, beta):
    n = N
    gc32 = grid_coord.astype(jnp.int32)
    b32 = batch.astype(jnp.int32)
    gx = gc32[:, 0].reshape(_ROWS, C)
    gy = gc32[:, 1].reshape(_ROWS, C)
    gz = gc32[:, 2].reshape(_ROWS, C)
    brs = b32.reshape(_ROWS, C)
    srs = scores[:, 0].reshape(_ROWS, C)

    key = _compute_keys(gx, gy, gz, brs, srs).reshape(n)

    idx32 = jnp.arange(n, dtype=jnp.int32)
    minidx = jnp.full((M,), n, jnp.int32).at[key].min(idx32)
    inc = _prefix_stage(minidx).reshape(M)
    k_total = inc[M - 1]

    table = jnp.stack([inc, minidx], axis=1)
    tg = table[key]
    cluster = tg[:, 0] - 1
    is_rep = tg[:, 1] == idx32

    comb = jnp.zeros((n, C), jnp.float32).at[cluster].add(feat)
    ex_rows = jnp.concatenate([
        scores,
        jnp.ones((n, 1), jnp.float32),
        jnp.where(is_rep, idx32, 0).astype(jnp.float32)[:, None],
        jnp.zeros((n, EW - 3), jnp.float32),
    ], axis=1)
    extras = jnp.zeros((n, EW), jnp.float32).at[cluster].add(ex_rows)

    uix_core = extras[:, 2].astype(jnp.int32)
    uix = jnp.where(idx32 < k_total, uix_core, uix_core[0])

    new_feat, new_scores = _dense_stage(
        comb, extras,
        W.astype(jnp.float32), gamma.astype(jnp.float32).reshape(1, C),
        beta.astype(jnp.float32).reshape(1, C))

    new_feat = new_feat.astype(jnp.float64)

    attrs = jnp.concatenate([
        (gc32 >> 1),
        b32[:, None],
        lax.bitcast_convert_type(coord, jnp.int32),
    ], axis=1)
    ga = attrs[uix]
    new_grid = ga[:, :3].astype(jnp.int64)
    new_coord = lax.bitcast_convert_type(ga[:, 4:7], jnp.float32)
    new_batch = ga[:, 3].astype(jnp.int64)

    boundaries = (jnp.arange(NUM_BATCH, dtype=jnp.int32) + 1) * KEYS_PER_BATCH - 1
    offset = inc[boundaries].astype(jnp.int64)

    seq = jnp.arange(n, dtype=jnp.int64)
    new_code = (new_batch.astype(jnp.int64) << (CODE_DEPTH * 3)) + seq
    new_order = seq[None, :]
    new_inverse = seq[None, :]
    return (new_feat, new_scores, new_grid, new_coord, new_batch, offset,
            cluster.astype(jnp.int64), new_code[None, :], new_order, new_inverse)

# --- scband reference (transcript-rebuilt; emitter-appended) ---
"""Pipeline reference for scband-semantic-grid-pooling-layer-20083267076195 (READ-ONLY COPY).

The authoritative reference and input builder live on the scoring server;
editing this copy changes nothing except your own understanding.
"""

import jax
jax.config.update("jax_enable_x64", True)
import jax.numpy as jnp
import numpy as np

N = 262144
C_IN = 128
C_OUT = 128
STRIDE = 2
CODE_DEPTH = 10
NUM_BUCKETS = 8
NUM_BATCH = 8
GRID_MAX = 64


def setup_inputs(seed: int = 0):
    key = jax.random.key(seed)
    k0, k1, k2, k3, k4, k5 = jax.random.split(key, 6)
    feat = jax.random.normal(k0, (N, C_IN), jnp.float32)
    coord = jax.random.normal(k1, (N, 3), jnp.float32)
    grid_coord = jax.random.randint(k2, (N, 3), 0, GRID_MAX).astype(jnp.int64)
    scores = jax.random.uniform(k3, (N, 1), dtype=jnp.float32)
    batch = jnp.sort(jax.random.randint(k4, (N,), 0, NUM_BATCH)).astype(jnp.int64)
    W = jax.random.normal(k5, (C_OUT, C_IN), jnp.float32) * (1.0 / np.sqrt(C_IN))
    gamma = jnp.ones((C_OUT,), jnp.float32)
    beta = jnp.zeros((C_OUT,), jnp.float32)
    return {"feat": feat, "coord": coord, "grid_coord": grid_coord, "scores": scores,
            "batch": batch, "W": W, "gamma": gamma, "beta": beta}


def reference(feat, coord, grid_coord, scores, batch, W, gamma, beta):
    n = feat.shape[0]
    # new_grid_coord = floor(grid_coord / stride)
    new_grid = grid_coord // STRIDE
    s = scores[:, 0]
    buckets = jnp.clip((s * NUM_BUCKETS).astype(jnp.int64), 0, NUM_BUCKETS - 1)
    # semantic_grid_coord = [new_grid, bucket]; encode (batch, gx, gy, gz, bucket) into one int64 key
    G = GRID_MAX // STRIDE
    key_ = ((batch * G + new_grid[:, 0]) * G + new_grid[:, 1]) * G + new_grid[:, 2]
    key_ = key_ * NUM_BUCKETS + buckets
    # unique_and_cluster: cluster_idx maps point -> cluster, unique_idx is representative point per cluster
    uniq_vals, unique_idx, cluster_idx = jnp.unique(
        key_, size=n, fill_value=-1, return_index=True, return_inverse=True)
    counts = jax.ops.segment_sum(jnp.ones((n,), jnp.float32), cluster_idx, num_segments=n)
    valid = counts > 0
    denom = jnp.clip(counts, 1.0)[:, None]
    # scatter_mean of features over clusters
    sums = jax.ops.segment_sum(feat, cluster_idx, num_segments=n)
    pooled = sums / denom
    # proj -> LayerNorm -> GELU (torch defaults: eps=1e-5, exact erf GELU)
    h = pooled @ W.T
    mu = jnp.mean(h, axis=-1, keepdims=True)
    var = jnp.var(h, axis=-1, keepdims=True)
    hn = (h - mu) / jnp.sqrt(var + 1e-5) * gamma + beta
    new_feat = jax.nn.gelu(hn, approximate=False)
    new_feat = jnp.where(valid[:, None], new_feat, 0.0)
    # scatter_mean of scores
    score_sums = jax.ops.segment_sum(scores, cluster_idx, num_segments=n)
    new_scores = jnp.where(valid[:, None], score_sums / denom, 0.0)
    # gather representative attributes (indices clamped; invalid rows are padding)
    uix = jnp.clip(unique_idx, 0, n - 1)
    new_grid_out = new_grid[uix]
    new_coord = coord[uix]
    new_batch = batch[uix]
    # compute_offset: cumulative per-batch counts over valid clusters
    offset = jnp.cumsum(jnp.bincount(new_batch, weights=valid.astype(jnp.float32),
                                     length=NUM_BATch if False else NUM_BATCH)).astype(jnp.int64)
    # serialized codes
    seq = jnp.arange(n, dtype=jnp.int64)
    new_code = (new_batch.astype(jnp.int64) << (CODE_DEPTH * 3)) + seq
    new_order = seq[None, :]
    new_inverse = seq[None, :]
    return (new_feat, new_scores, new_grid_out, new_coord, new_batch, offset,
            cluster_idx, new_code[None, :], new_order, new_inverse)

if __name__ == "__main__":
    import jax
    _d = setup_inputs()
    print(jax.jit(kernel)(*tuple(_d.values())))

</pallas_src>

<mosaic_0001>
module attributes {stable_mosaic.version = 14 : i64} {
  func.func @_key_body(%arg0: memref<2048x128xi32, #tpu.memory_space<vmem>>, %arg1: memref<2048x128xi32, #tpu.memory_space<vmem>>, %arg2: memref<2048x128xi32, #tpu.memory_space<vmem>>, %arg3: memref<2048x128xi32, #tpu.memory_space<vmem>>, %arg4: memref<2048x128xf32, #tpu.memory_space<vmem>>, %arg5: memref<2048x128xi32, #tpu.memory_space<vmem>>) attributes {dimension_semantics = [], scalar_prefetch = 0 : i64, scratch_operands = 0 : i64, tpu.core_type = #tpu.core_type<tc>} {
    %get3A = arith.constant 0 : index
    %get3A_0 = arith.constant 0 : index
    %get3A_1 = vector.load %arg0[%get3A, %get3A_0] : memref<2048x128xi32, #tpu.memory_space<vmem>>, vector<2048x128xi32>
    %shift_right_arithmetic3A = arith.constant 1 : i32
    %shift_right_arithmetic3A_2 = vector.broadcast %shift_right_arithmetic3A : i32 to vector<2048x128xi32>
    %shift_right_arithmetic3A_3 = arith.shrsi %get3A_1, %shift_right_arithmetic3A_2 : vector<2048x128xi32>
    %get3A_4 = arith.constant 0 : index
    %get3A_5 = arith.constant 0 : index
    %get3A_6 = vector.load %arg1[%get3A_4, %get3A_5] : memref<2048x128xi32, #tpu.memory_space<vmem>>, vector<2048x128xi32>
    %shift_right_arithmetic3A_7 = arith.constant 1 : i32
    %shift_right_arithmetic3A_8 = vector.broadcast %shift_right_arithmetic3A_7 : i32 to vector<2048x128xi32>
    %shift_right_arithmetic3A_9 = arith.shrsi %get3A_6, %shift_right_arithmetic3A_8 : vector<2048x128xi32>
    %get3A_10 = arith.constant 0 : index
    %get3A_11 = arith.constant 0 : index
    %get3A_12 = vector.load %arg2[%get3A_10, %get3A_11] : memref<2048x128xi32, #tpu.memory_space<vmem>>, vector<2048x128xi32>
    %shift_right_arithmetic3A_13 = arith.constant 1 : i32
    %shift_right_arithmetic3A_14 = vector.broadcast %shift_right_arithmetic3A_13 : i32 to vector<2048x128xi32>
    %shift_right_arithmetic3A_15 = arith.shrsi %get3A_12, %shift_right_arithmetic3A_14 : vector<2048x128xi32>
    %get3A_16 = arith.constant 0 : index
    %get3A_17 = arith.constant 0 : index
    %get3A_18 = vector.load %arg4[%get3A_16, %get3A_17] : memref<2048x128xf32, #tpu.memory_space<vmem>>, vector<2048x128xf32>
    %mul3A = arith.constant 8.000000e+00 : f32
    %mul3A_19 = vector.broadcast %mul3A : f32 to vector<2048x128xf32>
    %mul3A_20 = arith.mulf %get3A_18, %mul3A_19 : vector<2048x128xf32>
    %convert_element_type3A = arith.fptosi %mul3A_20 : vector<2048x128xf32> to vector<2048x128xi32>
    %jit3A = arith.constant 0 : i64
    %jit3A_21 = arith.constant 7 : i64
    %convert_element_type3A_22 = arith.trunci %jit3A : i64 to i32
    %max3A = vector.broadcast %convert_element_type3A_22 : i32 to vector<2048x128xi32>
    %max3A_23 = arith.maxsi %max3A, %convert_element_type3A : vector<2048x128xi32>
    %convert_element_type3A_24 = arith.trunci %jit3A_21 : i64 to i32
    %min3A = vector.broadcast %convert_element_type3A_24 : i32 to vector<2048x128xi32>
    %min3A_25 = arith.minsi %min3A, %max3A_23 : vector<2048x128xi32>
    %get3A_26 = arith.constant 0 : index
    %get3A_27 = arith.constant 0 : index
    %get3A_28 = vector.load %arg3[%get3A_26, %get3A_27] : memref<2048x128xi32, #tpu.memory_space<vmem>>, vector<2048x128xi32>
    %mul3A_29 = arith.constant 32 : i32
    %mul3A_30 = vector.broadcast %mul3A_29 : i32 to vector<2048x128xi32>
    %mul3A_31 = arith.muli %get3A_28, %mul3A_30 : vector<2048x128xi32>
    %add3A = arith.addi %mul3A_31, %shift_right_arithmetic3A_3 : vector<2048x128xi32>
    %mul3A_32 = arith.constant 32 : i32
    %mul3A_33 = vector.broadcast %mul3A_32 : i32 to vector<2048x128xi32>
    %mul3A_34 = arith.muli %add3A, %mul3A_33 : vector<2048x128xi32>
    %add3A_35 = arith.addi %mul3A_34, %shift_right_arithmetic3A_9 : vector<2048x128xi32>
    %mul3A_36 = arith.constant 32 : i32
    %mul3A_37 = vector.broadcast %mul3A_36 : i32 to vector<2048x128xi32>
    %mul3A_38 = arith.muli %add3A_35, %mul3A_37 : vector<2048x128xi32>
    %add3A_39 = arith.addi %mul3A_38, %shift_right_arithmetic3A_15 : vector<2048x128xi32>
    %mul3A_40 = arith.constant 8 : i32
    %mul3A_41 = vector.broadcast %mul3A_40 : i32 to vector<2048x128xi32>
    %mul3A_42 = arith.muli %add3A_39, %mul3A_41 : vector<2048x128xi32>
    %add3A_43 = arith.addi %mul3A_42, %min3A_25 : vector<2048x128xi32>
    %swap3A = arith.constant 0 : index
    %swap3A_44 = arith.constant 0 : index
    %swap3A_45 = vector.load %arg5[%swap3A, %swap3A_44] : memref<2048x128xi32, #tpu.memory_space<vmem>>, vector<2048x128xi32>
    tpu.vector_store %arg5[%swap3A, %swap3A_44], %add3A_43 {strides = array<i32>} : memref<2048x128xi32, #tpu.memory_space<vmem>>, vector<2048x128xi32>,
    return
  }
}

module attributes {stable_mosaic.version = 14 : i64} {
  func.func @_prefix_body(%arg0: i32, %arg1: memref<256x1024xi32, #tpu.memory_space<vmem>>, %arg2: memref<256x1024xi32, #tpu.memory_space<vmem>>, %arg3: memref<1xf32, #tpu.memory_space<smem>>) attributes {dimension_semantics = [#tpu.dimension_semantics<arbitrary>], iteration_bounds = array<i64: 8>, scalar_prefetch = 0 : i64, scratch_operands = 1 : i64, tpu.core_type = #tpu.core_type<tc>, window_params = [{transform_indices = @transform_0, window_bounds = array<i64: 256, 1024>}, {transform_indices = @transform_1, window_bounds = array<i64: 256, 1024>}]} {
    %eq3A = arith.constant 0 : i32
    %eq3A_0 = arith.cmpi eq, %arg0, %eq3A : i32
    %convert_element_type3A = arith.extui %eq3A_0 : i1 to i32
    %cond3A = arith.constant 0 : i32
    %cond3A_1 = arith.cmpi ne, %convert_element_type3A, %cond3A : i32
    scf.if %cond3A_1 {
      %swap3A_34 = arith.constant 0.000000e+00 : f32
      %swap3A_35 = arith.constant 0 : index
      %swap3A_36 = memref.load %arg3[%swap3A_35] : memref<1xf32, #tpu.memory_space<smem>>
      memref.store %swap3A_34, %arg3[%swap3A_35] : memref<1xf32, #tpu.memory_space<smem>>
    } else {
    }
    %get3A = arith.constant 0 : index
    %get3A_2 = arith.constant 0 : index
    %get3A_3 = vector.load %arg1[%get3A, %get3A_2] : memref<256x1024xi32, #tpu.memory_space<vmem>>, vector<256x1024xi32>
    %lt3A = arith.constant 262144 : i32
    %lt3A_4 = vector.broadcast %lt3A : i32 to vector<256x1024xi32>
    %lt3A_5 = arith.cmpi slt, %get3A_3, %lt3A_4 : vector<256x1024xi32>
    %convert_element_type3A_6 = arith.extui %lt3A_5 : vector<256x1024xi1> to vector<256x1024xi32>
    %convert_element_type3A_7 = arith.sitofp %convert_element_type3A_6 : vector<256x1024xi32> to vector<256x1024xf32>
    %iota3A = tpu.iota {dimensions = array<i32: 0>} : vector<1024x1024xi32>
    %iota3A_8 = tpu.iota {dimensions = array<i32: 1>} : vector<1024x1024xi32>
    %le3A = arith.cmpi sle, %iota3A, %iota3A_8 : vector<1024x1024xi32>
    %convert_element_type3A_9 = arith.extui %le3A : vector<1024x1024xi1> to vector<1024x1024xi32>
    %convert_element_type3A_10 = arith.sitofp %convert_element_type3A_9 : vector<1024x1024xi32> to vector<1024x1024xf32>
    %dot_general3A = arith.constant dense<0.000000e+00> : vector<256x1024xf32>
    %dot_general3A_11 = tpu.matmul %convert_element_type3A_7, %convert_element_type3A_10, %dot_general3A {dimension_numbers = #tpu.dot_dimension_numbers<[1], [0], [0], [1], [0, 0, 1, 1], [], []>, transpose_lhs_hint = false} : vector<256x1024xf32>, vector<1024x1024xf32>, vector<256x1024xf32> -> vector<256x1024xf32>
    %slice3A = vector.extract_strided_slice %dot_general3A_11 {offsets = [0, 1023], sizes = [256, 1], strides = [1, 1]} : vector<256x1024xf32> to vector<256x1xf32>
    %iota3A_12 = tpu.iota {dimensions = array<i32: 0>} : vector<256x256xi32>
    %iota3A_13 = tpu.iota {dimensions = array<i32: 1>} : vector<256x256xi32>
    %lt3A_14 = arith.cmpi slt, %iota3A_13, %iota3A_12 : vector<256x256xi32>
    %convert_element_type3A_15 = arith.extui %lt3A_14 : vector<256x256xi1> to vector<256x256xi32>
    %convert_element_type3A_16 = arith.sitofp %convert_element_type3A_15 : vector<256x256xi32> to vector<256x256xf32>
    %dot_general3A_17 = arith.constant dense<0.000000e+00> : vector<256x1xf32>
    %dot_general3A_18 = tpu.matmul %convert_element_type3A_16, %slice3A, %dot_general3A_17 {dimension_numbers = #tpu.dot_dimension_numbers<[1], [0], [0], [1], [0, 0, 1, 1], [], []>, transpose_lhs_hint = false} : vector<256x256xf32>, vector<256x1xf32>, vector<256x1xf32> -> vector<256x1xf32>
    %get3A_19 = arith.constant 0 : index
    %get3A_20 = memref.load %arg3[%get3A_19] : memref<1xf32, #tpu.memory_space<smem>>
    %add3A = vector.broadcast %dot_general3A_18 : vector<256x1xf32> to vector<256x1024xf32>
    %add3A_21 = arith.addf %dot_general3A_11, %add3A : vector<256x1024xf32>
    %add3A_22 = vector.broadcast %get3A_20 : f32 to vector<256x1024xf32>
    %add3A_23 = arith.addf %add3A_21, %add3A_22 : vector<256x1024xf32>
    %convert_element_type3A_24 = arith.fptosi %add3A_23 : vector<256x1024xf32> to vector<256x1024xi32>
    %swap3A = arith.constant 0 : index
    %swap3A_25 = arith.constant 0 : index
    %swap3A_26 = vector.load %arg2[%swap3A, %swap3A_25] : memref<256x1024xi32, #tpu.memory_space<vmem>>, vector<256x1024xi32>
    tpu.vector_store %arg2[%swap3A, %swap3A_25], %convert_element_type3A_24 {strides = array<i32>} : memref<256x1024xi32, #tpu.memory_space<vmem>>, vector<256x1024xi32>,
    %reduce_sum3A = vector.shape_cast %convert_element_type3A_7 : vector<256x1024xf32> to vector<1x256x1024xf32>
    %reduce_sum3A_27 = arith.constant dense<0.000000e+00> : vector<1xf32>
    %reduce_sum3A_28 = vector.multi_reduction <add>, %reduce_sum3A, %reduce_sum3A_27 [1, 2] : vector<1x256x1024xf32> to vector<1xf32>
    %reduce_sum3A_29 = vector.shape_cast %reduce_sum3A_28 : vector<1xf32> to vector<1x1x1xf32>
    %reduce_sum3A_30 = vector.extract %reduce_sum3A_29[0, 0, 0] : f32 from vector<1x1x1xf32>
    %add3A_31 = arith.addf %get3A_20, %reduce_sum3A_30 : f32
    %swap3A_32 = arith.constant 0 : index
    %swap3A_33 = memref.load %arg3[%swap3A_32] : memref<1xf32, #tpu.memory_space<smem>>
    memref.store %add3A_31, %arg3[%swap3A_32] : memref<1xf32, #tpu.memory_space<smem>>
    return
  }
  func.func @transform_0(%arg0: i32) -> (i32, i32) {
    %mul3A = arith.constant 0 : i32
    %mul3A_0 = arith.muli %arg0, %mul3A : i32
    %c0_i32 = arith.constant 0 : i32
    return %arg0, %mul3A_0 : i32, i32
  }
  func.func @transform_1(%arg0: i32) -> (i32, i32) {
    %mul3A = arith.constant 0 : i32
    %mul3A_0 = arith.muli %arg0, %mul3A : i32
    %c0_i32 = arith.constant 0 : i32
    return %arg0, %mul3A_0 : i32, i32
  }
}

module attributes {stable_mosaic.version = 14 : i64} {
  func.func @_dense_body(%arg0: i32, %arg1: memref<2048x128xf32, #tpu.memory_space<vmem>>, %arg2: memref<2048x8xf32, #tpu.memory_space<vmem>>, %arg3: memref<128x128xf32, #tpu.memory_space<vmem>>, %arg4: memref<1x128xf32, #tpu.memory_space<vmem>>, %arg5: memref<1x128xf32, #tpu.memory_space<vmem>>, %arg6: memref<2048x128xf32, #tpu.memory_space<vmem>>, %arg7: memref<2048x1xf32, #tpu.memory_space<vmem>>) attributes {dimension_semantics = [#tpu.dimension_semantics<arbitrary>], iteration_bounds = array<i64: 128>, scalar_prefetch = 0 : i64, scratch_operands = 0 : i64, tpu.core_type = #tpu.core_type<tc>, window_params = [{transform_indices = @transform_0, window_bounds = array<i64: 2048, 128>}, {transform_indices = @transform_1, window_bounds = array<i64: 2048, 8>}, {transform_indices = @transform_2, window_bounds = array<i64: 128, 128>}, {transform_indices = @transform_3, window_bounds = array<i64: 1, 128>}, {transform_indices = @transform_4, window_bounds = array<i64: 1, 128>}, {transform_indices = @transform_5, window_bounds = array<i64: 2048, 128>}, {transform_indices = @transform_6, window_bounds = array<i64: 2048, 1>}]} {
    %get3A = arith.constant 0 : index
    %get3A_0 = arith.constant 0 : index
    %get3A_1 = vector.load %arg1[%get3A, %get3A_0] : memref<2048x128xf32, #tpu.memory_space<vmem>>, vector<2048x128xf32>
    %get3A_2 = arith.constant 0 : index
    %get3A_3 = arith.constant 0 : index
    %get3A_4 = vector.load %arg2[%get3A_2, %get3A_3] : memref<2048x8xf32, #tpu.memory_space<vmem>>, vector<2048x1xf32>
    %get3A_5 = arith.constant 0 : index
    %get3A_6 = arith.constant 1 : index
    %get3A_7 = vector.load %arg2[%get3A_5, %get3A_6] : memref<2048x8xf32, #tpu.memory_space<vmem>>, vector<2048x1xf32>
    %gt3A = arith.constant 0.000000e+00 : f32
    %gt3A_8 = vector.broadcast %gt3A : f32 to vector<2048x1xf32>
    %gt3A_9 = arith.cmpf ogt, %get3A_7, %gt3A_8 : vector<2048x1xf32>
    %max3A = arith.constant 1.000000e+00 : f32
    %max3A_10 = vector.broadcast %max3A : f32 to vector<2048x1xf32>
    %max3A_11 = arith.maximumf %get3A_7, %max3A_10 : vector<2048x1xf32>
    %div3A = vector.broadcast %max3A_11 : vector<2048x1xf32> to vector<2048x128xf32>
    %div3A_12 = arith.divf %get3A_1, %div3A : vector<2048x128xf32>
    %get3A_13 = arith.constant 0 : index
    %get3A_14 = arith.constant 0 : index
    %get3A_15 = vector.load %arg3[%get3A_13, %get3A_14] : memref<128x128xf32, #tpu.memory_space<vmem>>, vector<128x128xf32>
    %dot_general3A = arith.constant dense<0.000000e+00> : vector<2048x128xf32>
    %dot_general3A_16 = tpu.matmul %div3A_12, %get3A_15, %dot_general3A {dimension_numbers = #tpu.dot_dimension_numbers<[1], [1], [0], [0], [0, 0, 1, 0], [], []>, transpose_lhs_hint = false} : vector<2048x128xf32>, vector<128x128xf32>, vector<2048x128xf32> -> vector<2048x128xf32>
    %reduce_sum3A = arith.constant dense<0.000000e+00> : vector<2048xf32>
    %reduce_sum3A_17 = vector.multi_reduction <add>, %dot_general3A_16, %reduce_sum3A [1] : vector<2048x128xf32> to vector<2048xf32>
    %broadcast_in_dim3A = vector.shape_cast %reduce_sum3A_17 : vector<2048xf32> to vector<2048x1xf32>
    %div3A_18 = arith.constant 1.280000e+02 : f32
    %div3A_19 = vector.broadcast %div3A_18 : f32 to vector<2048x1xf32>
    %div3A_20 = arith.divf %broadcast_in_dim3A, %div3A_19 : vector<2048x1xf32>
    %sub3A = vector.broadcast %div3A_20 : vector<2048x1xf32> to vector<2048x128xf32>
    %sub3A_21 = arith.subf %dot_general3A_16, %sub3A : vector<2048x128xf32>
    %mul3A = arith.mulf %sub3A_21, %sub3A_21 : vector<2048x128xf32>
    %reduce_sum3A_22 = arith.constant dense<0.000000e+00> : vector<2048xf32>
    %reduce_sum3A_23 = vector.multi_reduction <add>, %mul3A, %reduce_sum3A_22 [1] : vector<2048x128xf32> to vector<2048xf32>
    %broadcast_in_dim3A_24 = vector.shape_cast %reduce_sum3A_23 : vector<2048xf32> to vector<2048x1xf32>
    %div3A_25 = arith.constant 1.280000e+02 : f32
    %div3A_26 = vector.broadcast %div3A_25 : f32 to vector<2048x1xf32>
    %div3A_27 = arith.divf %broadcast_in_dim3A_24, %div3A_26 : vector<2048x1xf32>
    %add3A = arith.constant 9.99999974E-6 : f32
    %add3A_28 = vector.broadcast %add3A : f32 to vector<2048x1xf32>
    %add3A_29 = arith.addf %div3A_27, %add3A_28 : vector<2048x1xf32>
    %rsqrt3A = math.rsqrt %add3A_29 : vector<2048x1xf32>
    %mul3A_30 = vector.broadcast %rsqrt3A : vector<2048x1xf32> to vector<2048x128xf32>
    %mul3A_31 = arith.mulf %sub3A_21, %mul3A_30 : vector<2048x128xf32>
    %get3A_32 = arith.constant 0 : index
    %get3A_33 = arith.constant 0 : index
    %get3A_34 = vector.load %arg4[%get3A_32, %get3A_33] : memref<1x128xf32, #tpu.memory_space<vmem>>, vector<1x128xf32>
    %mul3A_35 = vector.broadcast %get3A_34 : vector<1x128xf32> to vector<2048x128xf32>
    %mul3A_36 = arith.mulf %mul3A_31, %mul3A_35 : vector<2048x128xf32>
    %get3A_37 = arith.constant 0 : index
    %get3A_38 = arith.constant 0 : index
    %get3A_39 = vector.load %arg5[%get3A_37, %get3A_38] : memref<1x128xf32, #tpu.memory_space<vmem>>, vector<1x128xf32>
    %add3A_40 = vector.broadcast %get3A_39 : vector<1x128xf32> to vector<2048x128xf32>
    %add3A_41 = arith.addf %mul3A_36, %add3A_40 : vector<2048x128xf32>
    %mul3A_42 = arith.constant 5.000000e-01 : f32
    %mul3A_43 = vector.broadcast %mul3A_42 : f32 to vector<2048x128xf32>
    %mul3A_44 = arith.mulf %mul3A_43, %add3A_41 : vector<2048x128xf32>
    %mul3A_45 = arith.constant 0.707106769 : f32
    %mul3A_46 = vector.broadcast %mul3A_45 : f32 to vector<2048x128xf32>
    %mul3A_47 = arith.mulf %add3A_41, %mul3A_46 : vector<2048x128xf32>
    %abs3A = math.absf %mul3A_47 : vector<2048x128xf32>
    %mul3A_48 = arith.constant 0.327591091 : f32
    %mul3A_49 = vector.broadcast %mul3A_48 : f32 to vector<2048x128xf32>
    %mul3A_50 = arith.mulf %mul3A_49, %abs3A : vector<2048x128xf32>
    %add3A_51 = arith.constant 1.000000e+00 : f32
    %add3A_52 = vector.broadcast %add3A_51 : f32 to vector<2048x128xf32>
    %add3A_53 = arith.addf %add3A_52, %mul3A_50 : vector<2048x128xf32>
    %div3A_54 = arith.constant 1.000000e+00 : f32
    %div3A_55 = vector.broadcast %div3A_54 : f32 to vector<2048x128xf32>
    %div3A_56 = arith.divf %div3A_55, %add3A_53 : vector<2048x128xf32>
    %mul3A_57 = arith.constant 1.06140542 : f32
    %mul3A_58 = vector.broadcast %mul3A_57 : f32 to vector<2048x128xf32>
    %mul3A_59 = arith.mulf %mul3A_58, %div3A_56 : vector<2048x128xf32>
    %add3A_60 = arith.constant -1.45315206 : f32
    %add3A_61 = vector.broadcast %add3A_60 : f32 to vector<2048x128xf32>
    %add3A_62 = arith.addf %mul3A_59, %add3A_61 : vector<2048x128xf32>
    %mul3A_63 = arith.mulf %add3A_62, %div3A_56 : vector<2048x128xf32>
    %add3A_64 = arith.constant 1.42141378 : f32
    %add3A_65 = vector.broadcast %add3A_64 : f32 to vector<2048x128xf32>
    %add3A_66 = arith.addf %mul3A_63, %add3A_65 : vector<2048x128xf32>
    %mul3A_67 = arith.mulf %add3A_66, %div3A_56 : vector<2048x128xf32>
    %add3A_68 = arith.constant -0.284496725 : f32
    %add3A_69 = vector.broadcast %add3A_68 : f32 to vector<2048x128xf32>
    %add3A_70 = arith.addf %mul3A_67, %add3A_69 : vector<2048x128xf32>
    %mul3A_71 = arith.mulf %add3A_70, %div3A_56 : vector<2048x128xf32>
    %add3A_72 = arith.constant 0.254829586 : f32
    %add3A_73 = vector.broadcast %add3A_72 : f32 to vector<2048x128xf32>
    %add3A_74 = arith.addf %mul3A_71, %add3A_73 : vector<2048x128xf32>
    %mul3A_75 = arith.mulf %add3A_74, %div3A_56 : vector<2048x128xf32>
    %neg3A = arith.constant 0.000000e+00 : f32
    %neg3A_76 = vector.broadcast %neg3A : f32 to vector<2048x128xf32>
    %neg3A_77 = arith.subf %neg3A_76, %abs3A : vector<2048x128xf32>
    %mul3A_78 = arith.mulf %neg3A_77, %abs3A : vector<2048x128xf32>
    %exp3A = math.exp %mul3A_78 : vector<2048x128xf32>
    %mul3A_79 = arith.mulf %mul3A_75, %exp3A : vector<2048x128xf32>
    %sub3A_80 = arith.constant 1.000000e+00 : f32
    %sub3A_81 = vector.broadcast %sub3A_80 : f32 to vector<2048x128xf32>
    %sub3A_82 = arith.subf %sub3A_81, %mul3A_79 : vector<2048x128xf32>
    %sign3A = tpu.bitcast %mul3A_47 : vector<2048x128xf32> -> vector<2048x128xi32>
    %sign3A_83 = arith.constant -2147483648 : i32
    %sign3A_84 = vector.broadcast %sign3A_83 : i32 to vector<2048x128xi32>
    %sign3A_85 = arith.andi %sign3A, %sign3A_84 : vector<2048x128xi32>
    %sign3A_86 = arith.constant 1065353216 : i32
    %sign3A_87 = vector.broadcast %sign3A_86 : i32 to vector<2048x128xi32>
    %sign3A_88 = arith.ori %sign3A_87, %sign3A_85 : vector<2048x128xi32>
    %sign3A_89 = tpu.bitcast %sign3A_88 : vector<2048x128xi32> -> vector<2048x128xf32>
    %sign3A_90 = math.absf %mul3A_47 : vector<2048x128xf32>
    %sign3A_91 = arith.constant 0.000000e+00 : f32
    %sign3A_92 = vector.broadcast %sign3A_91 : f32 to vector<2048x128xf32>
    %sign3A_93 = arith.cmpf ogt, %sign3A_90, %sign3A_92 : vector<2048x128xf32>
    %sign3A_94 = arith.select %sign3A_93, %sign3A_89, %mul3A_47 : vector<2048x128xi1>, vector<2048x128xf32>
    %mul3A_95 = arith.mulf %sign3A_94, %sub3A_82 : vector<2048x128xf32>
    %add3A_96 = arith.constant 1.000000e+00 : f32
    %add3A_97 = vector.broadcast %add3A_96 : f32 to vector<2048x128xf32>
    %add3A_98 = arith.addf %add3A_97, %mul3A_95 : vector<2048x128xf32>
    %mul3A_99 = arith.mulf %mul3A_44, %add3A_98 : vector<2048x128xf32>
    %jit3A = arith.constant 0.000000e+00 : f64
    %convert_element_type3A = arith.truncf %jit3A : f64 to f32
    %broadcast_in_dim3A_100 = vector.shape_cast %gt3A_9 : vector<2048x1xi1> to vector<2048x1xi1>
    %broadcast_in_dim3A_101 = vector.broadcast %broadcast_in_dim3A_100 : vector<2048x1xi1> to vector<2048x128xi1>
    %broadcast_in_dim3A_102 = vector.broadcast %convert_element_type3A : f32 to vector<2048x128xf32>
    %select_n3A = arith.select %broadcast_in_dim3A_101, %mul3A_99, %broadcast_in_dim3A_102 : vector<2048x128xi1>, vector<2048x128xf32>
    %swap3A = arith.constant 0 : index
    %swap3A_103 = arith.constant 0 : index
    %swap3A_104 = vector.load %arg6[%swap3A, %swap3A_103] : memref<2048x128xf32, #tpu.memory_space<vmem>>, vector<2048x128xf32>
    tpu.vector_store %arg6[%swap3A, %swap3A_103], %select_n3A {strides = array<i32>} : memref<2048x128xf32, #tpu.memory_space<vmem>>, vector<2048x128xf32>,
    %div3A_105 = arith.divf %get3A_4, %max3A_11 : vector<2048x1xf32>
    %jit3A_106 = arith.constant 0.000000e+00 : f64
    %convert_element_type3A_107 = arith.truncf %jit3A_106 : f64 to f32
    %broadcast_in_dim3A_108 = vector.broadcast %convert_element_type3A_107 : f32 to vector<2048x1xf32>
    %select_n3A_109 = arith.select %gt3A_9, %div3A_105, %broadcast_in_dim3A_108 : vector<2048x1xi1>, vector<2048x1xf32>
    %swap3A_110 = arith.constant 0 : index
    %swap3A_111 = arith.constant 0 : index
    %swap3A_112 = vector.load %arg7[%swap3A_110, %swap3A_111] : memref<2048x1xf32, #tpu.memory_space<vmem>>, vector<2048x1xf32>
    tpu.vector_store %arg7[%swap3A_110, %swap3A_111], %select_n3A_109 {strides = array<i32>} : memref<2048x1xf32, #tpu.memory_space<vmem>>, vector<2048x1xf32>,
    return
  }
  func.func @transform_0(%arg0: i32) -> (i32, i32) {
    %mul3A = arith.constant 0 : i32
    %mul3A_0 = arith.muli %arg0, %mul3A : i32
    %c0_i32 = arith.constant 0 : i32
    return %arg0, %mul3A_0 : i32, i32
  }
  func.func @transform_1(%arg0: i32) -> (i32, i32) {
    %mul3A = arith.constant 0 : i32
    %mul3A_0 = arith.muli %arg0, %mul3A : i32
    %c0_i32 = arith.constant 0 : i32
    return %arg0, %mul3A_0 : i32, i32
  }
  func.func @transform_2(%arg0: i32) -> (i32, i32) {
    %mul3A = arith.constant 0 : i32
    %mul3A_0 = arith.muli %arg0, %mul3A : i32
    %mul3A_1 = arith.constant 0 : i32
    %mul3A_2 = arith.muli %arg0, %mul3A_1 : i32
    %c0_i32 = arith.constant 0 : i32
    return %mul3A_0, %mul3A_2 : i32, i32
  }
  func.func @transform_3(%arg0: i32) -> (i32, i32) {
    %mul3A = arith.constant 0 : i32
    %mul3A_0 = arith.muli %arg0, %mul3A : i32
    %mul3A_1 = arith.constant 0 : i32
    %mul3A_2 = arith.muli %arg0, %mul3A_1 : i32
    %c0_i32 = arith.constant 0 : i32
    return %mul3A_0, %mul3A_2 : i32, i32
  }
  func.func @transform_4(%arg0: i32) -> (i32, i32) {
    %mul3A = arith.constant 0 : i32
    %mul3A_0 = arith.muli %arg0, %mul3A : i32
    %mul3A_1 = arith.constant 0 : i32
    %mul3A_2 = arith.muli %arg0, %mul3A_1 : i32
    %c0_i32 = arith.constant 0 : i32
    return %mul3A_0, %mul3A_2 : i32, i32
  }
  func.func @transform_5(%arg0: i32) -> (i32, i32) {
    %mul3A = arith.constant 0 : i32
    %mul3A_0 = arith.muli %arg0, %mul3A : i32
    %c0_i32 = arith.constant 0 : i32
    return %arg0, %mul3A_0 : i32, i32
  }
  func.func @transform_6(%arg0: i32) -> (i32, i32) {
    %mul3A = arith.constant 0 : i32
    %mul3A_0 = arith.muli %arg0, %mul3A : i32
    %c0_i32 = arith.constant 0 : i32
    return %arg0, %mul3A_0 : i32, i32
  }
}

</mosaic_0001>

<sc_bundles>
// kernel: gather_offload_async_start.1
scs
__scs_entry_jumppad:
0x0: {  	(pc) =	sbr.rel $0x88, $3  }
0x1: {  	(tag) =	ssettag $0x0;
	lr =	simm.s32 $0x1  }
0x2: {  	[smem:$0x3F99] =	sst lr;
	_ =	strace $0xD0000000  }
0x3: {  	_ = 	snop  }
0x4: {  	_ = 	snop  }
0x5: {  	_ = 	snop  }
0x6: {  	_ = 	snop  }
0x7: {  	_ = 	snop  }
__scs_overlays_trampoline_lowered:
0x8: {  	[smem:$0x3FA8] =	sst s0  }
0x9: {  	[smem:$0x3FA9] =	sst s1  }
0xa: {  	[smem:$0x3FAA] =	sst s2  }
0xb: {  	[smem:$0x3FAB] =	sst s3  }
0xc: {  	[smem:$0x3FAC] =	sst s4  }
0xd: {  	[smem:$0x3FAD] =	sst s5  }
0xe: {  	[smem:$0x3FAE] =	sst s6  }
0xf: {  	[smem:$0x3FAF] =	sst s7  }
0x10: {  	[smem:$0x3FB0] =	sst s8  }
0x11: {  	[smem:$0x3FB1] =	sst s9;
	s0 =	simm.s32 @!p0 $0x0  }
0x12: {  	s1 =	sld [smem:$0x3F97];
	s0 =	simm.s32 @p0 $0x1  }
0x13: {  	[smem:$0x3FB2] =	sst s0;
	s0 =	simm.s32 @!p1 $0x0  }
0x14: {  	s2 =	sld [smem:$0x3F96];
	s0 =	simm.s32 @p1 $0x1  }
0x15: {  	[smem:$0x3FB3] =	sst s0;
	s0 =	simm.s32 @!p2 $0x0  }
0x16: {  	s3 =	sld [smem:$0x3FDB];
	s0 =	simm.s32 @p2 $0x1  }
0x17: {  	s4 =	simm.s32 $0x1BF5;
	[smem:$0x3FB5] =	sst s0  }
0x18: {  	s0 =	sld [smem:$0x3F98];
	_ =	swait.ge [sflag:s4], $0x0  }
0x19: {  	s7 =	sld [smem:$0x3F99]  }
0x1a: {  	s8 =	sadd.s32 $0xFFFFE003, lr  }
0x1b: {  	s9 =	sadd.s32 $0xFFFFFEF7, lr;
	s5 =	simm.s32 $0xFFFFFFFF;
	p2 =	slt.u32 s8, $0xFFFFF086  }
0x1c: {  	p1 =	slt.u32 s9, $0xF7A;
	s5 =	simm.s32 @!p2 $0x0  }
0x1d: {  	s5 =	simm.s32 @p1 $0x1;
	p0 =	seq.s32 s7, s2  }
0x1e: {  	s7 =	smul.u32 @!p0 $0xF7A, s2;
	p2 =	seq.s32 @!p0 s5, $0x0  }
0x1f: {  	s9 =	smul.u32 $0xF7A, s1;
	s8 =	simm.s32 @!p0 $0x1BF5;
	p2 =	por !p2, p0  }
0x20: {  	[sflag:s8] =	ssyncset.s32 @!p0 $0xFFFFF086;
	s6 =	sadd.s32 @!p0 s3, s7;
	s7 =	simm.s32 @!p0 $0x108  }
0x21: {  	s3 =	sadd.s32 s3, s9;
	s6 =	sadd.s32 @!p0 $0x88, s6;
	s7 =	simm.s32 @p2 $0x1082  }
0x22: {  	[simem:s7], [sflag:s8] =	dma.local @!p0 [hbm:s6], $0xF7A  }
0x23: {  	s9 =	sor.u32 $0xD0000000, s2;
	s6 =	simm.s32 $0x108;
	_ =	swait.ge @!p0 [sflag:s8], $0x0  }
0x24: {  	s3 =	sadd.s32 $0x88, s3;
	s6 =	simm.s32 @!p1 $0x1082;
	[sflag:s4] =	ssyncset.s32 $0xFFFFF086  }
0x25: {  	[simem:s6], [sflag:s4] =	dma.local [hbm:s3], $0xF7A  }
0x26: {  	[smem:$0x3F99] =	sst s1;
	(tag) =	ssettag s2;
	_ =	strace s9  }
0x27: {  	s1 =	sld [smem:$0x3FA9]  }
0x28: {  	s2 =	sld [smem:$0x3FAA]  }
0x29: {  	s4 =	sld [smem:$0x3FAC]  }
0x2a: {  	p0 =	seq.s32 s5, $0x0;
	s5 =	sld [smem:$0x3FAD]  }
0x2b: {  	s6 =	sld [smem:$0x3FAE]  }
0x2c: {  	s7 =	sld [smem:$0x3FAF]  }
0x2d: {  	s3 =	simm.s32 $0x108;
	s8 =	sld [smem:$0x3FB0]  }
0x2e: {  	s3 =	simm.s32 @!p0 $0x1082;
	s9 =	sld [smem:$0x3FB1]  }
0x2f: {  	lr =	sadd.s32 s0, s3;
	s0 =	sld [smem:$0x3FA8]  }
0x30: {  	s3 =	sld [smem:$0x3FAB]  }
0x31: {  	[smem:$0x3FB4] =	sst s10  }
0x32: {  	s10 =	sld [smem:$0x3FB2];
	_ =	sdelay $0x3  }
0x33: {  	p0 =	seq.s32 s10, $0x1;
	s10 =	sld [smem:$0x3FB4];
	_ =	sdelay $0x3  }
0x34: {  	[smem:$0x3FB4] =	sst s10  }
0x35: {  	s10 =	sld [smem:$0x3FB3];
	_ =	sdelay $0x3  }
0x36: {  	p1 =	seq.s32 s10, $0x1;
	s10 =	sld [smem:$0x3FB4];
	_ =	sdelay $0x3  }
0x37: {  	[smem:$0x3FB4] =	sst s10  }
0x38: {  	s10 =	sld [smem:$0x3FB5]  }
0x39: {  	_ = 	snop;
	(pc) =	sbr.ind lr, $3  }
0x3a: {  	_ = 	snop  }
0x3b: {  	_ = 	snop  }
0x3c: {  	p2 =	seq.s32 s10, $0x1;
	s10 =	sld [smem:$0x3FB4]  }
0x3d: {  	_ =	shalt  }
0x3e: {  	_ =	shalt  }
0x3f: {  	_ =	shalt  }
0x40: {  	_ =	shalt  }
0x41: {  	_ =	shalt  }
0x42: {  	_ =	shalt  }
0x43: {  	_ =	shalt  }
0x44: {  	_ =	shalt  }
0x45: {  	_ =	shalt  }
0x46: {  	_ =	shalt  }
0x47: {  	_ =	shalt  }
0x48: {  	_ =	shalt  }
0x49: {  	_ =	shalt  }
0x4a: {  	_ =	shalt  }
0x4b: {  	_ =	shalt  }
0x4c: {  	_ =	shalt  }
0x4d: {  	_ =	shalt  }
0x4e: {  	_ =	shalt  }
0x4f: {  	_ =	shalt  }
0x50: {  	_ =	shalt  }
0x51: {  	_ =	shalt  }
0x52: {  	_ =	shalt  }
0x53: {  	_ =	shalt  }
0x54: {  	_ =	shalt  }
0x55: {  	_ =	shalt  }
0x56: {  	_ =	shalt  }
0x57: {  	_ =	shalt  }
0x58: {  	_ =	shalt  }
0x59: {  	_ =	shalt  }
0x5a: {  	_ =	shalt  }
0x5b: {  	_ =	shalt  }
0x5c: {  	_ =	shalt  }
0x5d: {  	_ =	shalt  }
0x5e: {  	_ =	shalt  }
0x5f: {  	_ =	shalt  }
0x60: {  	_ =	shalt  }
0x61: {  	_ =	shalt  }
0x62: {  	_ =	shalt  }
0x63: {  	_ =	shalt  }
0x64: {  	_ =	shalt  }
0x65: {  	_ =	shalt  }
0x66: {  	_ =	shalt  }
0x67: {  	_ =	shalt  }
0x68: {  	_ =	shalt  }
0x69: {  	_ =	shalt  }
0x6a: {  	_ =	shalt  }
0x6b: {  	_ =	shalt  }
0x6c: {  	_ =	shalt  }
0x6d: {  	_ =	shalt  }
0x6e: {  	_ =	shalt  }
0x6f: {  	_ =	shalt  }
0x70: {  	_ =	shalt  }
0x71: {  	_ =	shalt  }
0x72: {  	_ =	shalt  }
0x73: {  	_ =	shalt  }
0x74: {  	_ =	shalt  }
0x75: {  	_ =	shalt  }
0x76: {  	_ =	shalt  }
0x77: {  	_ =	shalt  }
0x78: {  	_ =	shalt  }
0x79: {  	_ =	shalt  }
0x7a: {  	_ =	shalt  }
0x7b: {  	_ =	shalt  }
0x7c: {  	_ =	shalt  }
0x7d: {  	_ =	shalt  }
0x7e: {  	_ =	shalt  }
0x7f: {  	_ =	shalt  }
0x80: {  	_ =	shalt  }
0x81: {  	_ =	shalt  }
0x82: {  	_ =	shalt  }
0x83: {  	_ =	shalt  }
0x84: {  	_ =	shalt  }
0x85: {  	_ =	shalt  }
0x86: {  	_ =	shalt  }
0x87: {  	_ =	shalt  }
.Lfunc_end0:
.L_simem_size_0:
called_computation.4_lowered:
.L_overlay_start_0:
0x88: {  	s2 =	sld [smem:$0x3FD9]  }
0x89: {  	s3 =	sld [smem:$0x3FFE];
	_ =	sdelay $0x1  }
0x8a: {  	s1 =	srdreg.scid  }
0x8b: {  	s0 =	sand.u32 $0x1, s1  }
0x8c: {  	s14 =	sshll.u32 s0, $0xA;
	s2 =	sadd.s32 s3, s2  }
0x8d: {  	s2 =	sadd.s32 s2, s14  }
0x8e: {  	[smem:$0x3FC0] =	sst s2  }
0x8f: {  	_ = 	snop  }
0x90: {  	s2 =	sld [smem:$0x3FD0];
	_ =	sdelay $0x2  }
0x91: {  	s15 =	simm.s32 $0xC;
	s4 =	simm.s32 $0x10  }
0x92: {  	[smem:s4], [sflag:s15] =	dma.local [hbm:s2], $0x1  }
0x93: {  	_ =	swait.eq [sflag:s15], $0x1  }
0x94: {  	[sflag:s15] =	ssyncset.done $0x0  }
0x95: {  	[sflag:s15] =	ssyncadd.s32 $0xFFFFFFFF  }
0x96: {  	s16 =	sld [smem:$0x11];
	(tm) =	ssettm $0x1  }
0x97: {  	s17 =	sld [smem:$0x3FFB];
	_ =	sdelay $0x3  }
0x98: {  	_ =	strace s17  }
0x99: {  	s3 =	sld [smem:$0x3FFC];
	_ =	sdelay $0x3  }
0x9a: {  	_ =	strace s3  }
0x9b: {  	s3 =	sld [smem:$0x3FFD];
	_ =	sdelay $0x3  }
0x9c: {  	_ =	strace s3  }
0x9d: {  	_ =	strace $0x8FFFFFFF  }
0x9e: {  	s18 =	sld [smem:$0x3FDB];
	_ =	sdelay $0x1  }
0x9f: {  	s19 =	simm.s32 $_scs_section_size  }
0xa0: {  	s5 =	simm.s32 $_size__tile_overlayer_lowered;
	s6 =	simm.s32 $_tile_overlayer_lowered  }
0xa1: {  	s22 =	simm.s32 $0x1BFF;
	s21 =	sshll.u32 s6, $0x1;
	s3 =	sadd.s32 s19, s18  }
0xa2: {  	s7 =	simm.s32 $0x0;
	s20 =	sshll.u32 s5, $0x1;
	s5 =	sadd.s32 s21, s3  }
0xa3: {  	[timem:s7], [sflag:s22] =	dma.local [hbm:s5], s20  }
0xa4: {  	_ =	swait.ge [sflag:s22], s20  }
0xa5: {  	s4 =	ssub.s32 $0x0, s20;
	[sflag:s22] =	ssyncset.done $0x0  }
0xa6: {  	[sflag:s22] =	ssyncadd.s32 s4;
	_ =	sdelay $0x1  }
0xa7: {  	s23 =	simm.s32 $0x1B8B  }
0xa8: {  	_ =	swait.ge [sflag:s23], $0x1  }
0xa9: {  	[sflag:s23] =	ssyncset.done $0x0  }
0xaa: {  	s25 =	simm.s32 $0x1B8E;
	s24 =	sld [smem:$0x3FFE];
	[sflag:s23] =	ssyncadd.s32 $0xFFFFFFFF  }
0xab: {  	s26 =	simm.s32 $execute0_lowered;
	[smem:$0x3FD2] =	sst s25  }
0xac: {  	s5 =	sshll.u32 s26, $0x1;
	_ =	strace $0x8000004F;
	[dreg:$0x1] =	wrdreg $0xFFFFFFFF  }
0xad: {  	s28 =	simm.s32 $_size_execute0_lowered;
	s3 =	sadd.s32 s3, s5;
	[dreg:$0x0] =	wrdreg $0x0  }
0xae: {  	s5 =	sshll.u32 s28, $0x1;
	[dreg:$0x2] =	wrdreg s3  }
0xaf: {  	[dreg:$0x3] =	wrdreg s5  }
0xb0: {  	[dreg:$0x4] =	wrdreg $0xC0  }
0xb1: {  	_ =	task [dreg:s7], $0x5FFFF  }
0xb2: {  	[dreg:$0x1] =	wrdreg $0xFFFFFFFF  }
0xb3: {  	[dreg:$0x0] =	wrdreg $0x60  }
0xb4: {  	[dreg:$0x2] =	wrdreg s24  }
0xb5: {  	[dreg:$0x3] =	wrdreg s16  }
0xb6: {  	[dreg:$0x4] =	wrdreg $0xB  }
0xb7: {  	_ =	task.clear_ibuf [dreg:s7], $0x5FFFF;
	_ =	strace $0x9000004F  }
0xb8: {  	s29 =	simm.s32 $0xB;
	_ =	strace $0x80000051  }
0xb9: {  	_ =	swait.ge [sflag:s29], $0x1  }
0xba: {  	[sflag:s29] =	ssyncadd.s32 $0xFFFFFFFF  }
0xbb: {  	_ =	strace $0x90000051  }
0xbc: {  	_ =	sfence  }
0xbd: {  	s30 =	sld [smem:$0x0];
	_ =	sdelay $0x2  }
0xbe: {  	s31 =	sshll.u32 s1, $0xD;
	s1 =	sshrl.u32 s1, $0x2  }
0xbf: {  	s3 =	sand.u32 $0x4000, s31;
	s1 =	sadd.s32 s1, s30  }
0xc0: {  	s0 =	sor.u32 s3, s0;
	s1 =	sshll.u32 s1, $0x11  }
0xc1: {  	s0 =	sor.u32 s1, s0  }
0xc2: {  	s0 =	sadd.s32 $0x8F2B, s0  }
0xc3: {  	[sflag:s0] =	ssyncadd.remote.s32 $0x1  }
0xc4: {  	_ =	sfence.sel $0xFFFF  }
0xc5: {  	[dreg:$0x0] =	wrdreg $0xFFFFFFFF;
	(pc) =	sbr.abs _section_cstart, $3  }
0xc6: {  	[dreg:$0x1] =	wrdreg $0xFFFFFFFF  }
0xc7: {  	_ =	task.clear_ibuf [dreg:s7], $0x2FFFF;
	_ =	strace $0x9FFFFFFF  }
0xc8: {  	(tm) =	ssettm $0x7FFFFFFF  }
0xc9: {  	_ =	shalt  }
tec
execute0_lowered:
.L_overlay_start_1:
0x0: {  	(tag) =	ssettag $0x1  }
0x1: {  	s7 =	rddreg [dreg:$0x0]  }
0x2: {  	s2 =	rddreg [dreg:$0x1]  }
0x3: {  	s0 =	rddreg [dreg:$0x2]  }
0x4: {  	s1 =	srdreg.scid;
	_ =	strace $0x80000050;
	s4 =	simm.s32 $0x1  }
0x5: {  	s9 =	simm.s32 $0x3;
	s11 =	simm.s32 $0x0;
	s5 =	sshll.u32 s1, $0x4  }
.Ltmp0:
0x6: {  	s1 =	stileid.u32;
	s5 =	sand.u32 $0x10, s5;
	(pc) =	sbr.rel .LBB2_1-.Ltmp0, $4  }
0x7: {  	p0 =	por $0x0, $0x0;
	s3 =	sadd.s32 $0x452E00, s7;
	s6 =	sor.u32 s1, s5  }
0x8: {  	[sflag:s4] =	ssyncpa.u1 $0x0;
	s5 =	simm.s32 $0x2;
	s6 =	sshll.u32 s6, $0xD  }
0x9: {  	s7 =	sadd.s32 $0x852E00, s7;
	[sflag:s5] =	ssyncpa.u1 $0x0;
	s8 =	sadd.s32 $0x2000, s6  }
0xa: {  	vm0 =	vmmov $0xff;
	vm1 =	vcmask $0x3F20;
	[sflag:s9] =	ssyncpa.u1 $0x0;
	s10 =	smov.u32 s6;
	s9 =	simm.s32 $0x0  }
.LBB2_7:
0xb: {  	p1 =	slt.u32 s9, $0x2;
	s11 =	sadd.s32 $0x100, s10  }
0xc: {  	s13 =	smov.u32 s6;
	s9 =	sadd.s32 $0x1, s9;
	p2 =	slt.s32 s11, s8  }
0xd: {  	s13 =	smov.u32 @p2 s11;
	p2 =	sne.s32 s9, $0x22  }
.Ltmp1:
0xe: {  	_ = 	snop;
	(pc) =	sbr.rel @!p2 .LBB2_8-.Ltmp1, $4  }
0xf: {  	s12 =	simm.s32 @!p1 $0x3  }
0x10: {  	_ =	swait.ge @!p1 [sflag:s12], $0x8000  }
0x11: {  	p0 =	por !p0, !p0;
	[sflag:s12] =	ssyncset.done @!p1 $0x0  }
0x12: {  	s11 =	smov.u32 s10;
	s10 =	smov.u32 s13;
	[sflag:s12] =	ssyncadd.s32 @!p1 $0xFFFF8000  }
.LBB2_1:
0x13: {  	p1 =	sgt.u32 s9, $0x1F  }
0x14: {  	s12 =	sxor.u32 @!p1 $0xFFFFFFFF, s9  }
0x15: {  	s13 =	sshrl.u32 @!p1 s10, $0x3;
	s12 =	sshll.u32 @!p1 s12, $0x8  }
0x16: {  	s14 =	sand.u32 @!p1 $0x7, s10;
	s13 =	sadd.s32 @!p1 s2, s13;
	s12 =	sand.u32 @!p1 $0x100, s12  }
0x17: {  	[tilespmem:s12], [sflag:$0x2] =	stream.linear.gather @!p1 [hbm4b:s13+s14], $0x100, $0x38;
	[tilespmem:$0x10200] =	vst v63  }
0x18: {  	p1 =	seq.s32 s9, $0x0  }
0x19: {  	p2 =	seq.s32 @!p1 s9, $0x21  }
0x1a: {  	p1 =	por p1, p2  }
.Ltmp2:
0x1b: {  	_ = 	snop;
	(pc) =	sbr.rel @p1 .LBB2_7-.Ltmp2, $1  }
0x1c: {  	_ =	sdelay $0x3  }
0x1d: {  	s12 =	simm.s32 $0x1  }
0x1e: {  	_ =	swait.ge [sflag:s5], $0x100;
	s12 =	simm.s32 @!p0 $0x0  }
0x1f: {  	[sflag:s5] =	ssyncset.done $0x0;
	s14 =	sshll.u32 s12, $0x8  }
0x20: {  	[sflag:s5] =	ssyncadd.s32 $0xFFFFFF00;
	s13 =	sadd.s32 $0x0, s14  }
0x21: {  	v0 =	vld.msk [tilespmem:s13+$0x0 ss:$0x1], $0xffff;
	_ =	sdelay $0x4  }
0x22: {  	vm2 =	vgt.s32 v0, $0x0  }
0x23: {  	v0 =	vnsel vm2, $0x0, v0  }
0x24: {  	v0 =	vmin.u32 v0, $0x3FFFF  }
0x25: {  	v0 =	vshll.u32 v0, $0x4;
	_ =	sdelay $0x2  }
0x26: {  	s12 =	sshll.u32 s12, $0xF  }
0x27: {  	s12 =	sor.u32 $0x200, s12  }
0x28: {  	[tilespmem:s12], [sflag:$0x1] =	stream.indirect_vreg.gather [hbm:s3], $0x80, v0, vm0, $0x38;
	[tilespmem:$0x10200] =	vst v63  }
0x29: {  	s15 =	sadd.s32 $0x10, s14;
	s13 =	sadd.s32 $0x400, s12  }
0x2a: {  	[tilespmem:s13], [sflag:$0x1] =	stream.indirect_vreg.gather [hbm:s3], $0x80, v0, vm1, $0x38;
	[tilespmem:$0x10200] =	vst v63  }
0x2b: {  	s16 =	simm.s32 $0x80;
	v0 =	vld.msk [tilespmem:s15+$0x0 ss:$0x1], $0xffff;
	s15 =	smov.u32 s12  }
.LBB2_3:
0x2c: {  	p1 =	sne.s32 s16, $0x3C0;
	_ =	sdelay $0x4  }
0x2d: {  	vm2 =	vgt.s32 v0, $0x0  }
0x2e: {  	v0 =	vnsel vm2, $0x0, v0  }
0x2f: {  	v0 =	vmin.u32 v0, $0x3FFFF  }
0x30: {  	v0 =	vshll.u32 v0, $0x4;
	_ =	sdelay $0x3  }
.Ltmp3:
0x31: {  	s17 =	sshra.s32 s16, $0x2;
	s15 =	sadd.s32 $0x800, s15;
	(pc) =	sbr.rel @p1 .LBB2_3-.Ltmp3, $4  }
0x32: {  	[tilespmem:s15], [sflag:$0x1] =	stream.indirect_vreg.gather [hbm:s3], $0x80, v0, vm0, $0x38;
	[tilespmem:$0x10200] =	vst v63  }
0x33: {  	s17 =	sadd.s32 s17, s14;
	s18 =	sadd.s32 $0x400, s15  }
0x34: {  	[tilespmem:s18], [sflag:$0x1] =	stream.indirect_vreg.gather [hbm:s3], $0x80, v0, vm1, $0x38;
	[tilespmem:$0x10200] =	vst v63  }
0x35: {  	s16 =	sadd.s32 $0x40, s16;
	v0 =	vld.msk [tilespmem:s17+$0x0 ss:$0x1], $0xffff  }
0x36: {  	_ =	sdelay $0x3  }
0x37: {  	vm2 =	vgt.s32 v0, $0x0  }
0x38: {  	v0 =	vnsel vm2, $0x0, v0  }
0x39: {  	v0 =	vmin.u32 v0, $0x3FFFF  }
0x3a: {  	v0 =	vshll.u32 v0, $0x4;
	_ =	sdelay $0x3  }
0x3b: {  	s14 =	sadd.s32 $0x800, s15  }
0x3c: {  	[tilespmem:s14], [sflag:$0x1] =	stream.indirect_vreg.gather [hbm:s3], $0x80, v0, vm0, $0x38;
	[tilespmem:$0x10200] =	vst v63  }
0x3d: {  	s14 =	sadd.s32 $0x400, s14  }
0x3e: {  	[tilespmem:s14], [sflag:$0x1] =	stream.indirect_vreg.gather [hbm:s3], $0x80, v0, vm1, $0x38;
	[tilespmem:$0x10200] =	vst v63  }
0x3f: {  	s11 =	sshll.u32 s11, $0x4;
	_ =	swait.ge [sflag:s4], $0x8000  }
0x40: {  	s11 =	sadd.s32 s11, s7;
	[sflag:s4] =	ssyncset.done $0x0  }
0x41: {  	s15 =	sadd.s32 $0x0, s11;
	s14 =	simm.s32 $0x80;
	[sflag:s4] =	ssyncadd.s32 $0xFFFF8000  }
.LBB2_5:
0x42: {  	[hbm:s15] =	stream.linear.scatter [tilespmem:s12], [sflag:$0x3], $0x400, $0x38;
	[tilespmem:$0x10200] =	vst v63  }
0x43: {  	s15 =	smov.u32 s14;
	s12 =	smov.u32 s13;
	p1 =	sne.s32 s14, $0xF80  }
.Ltmp4:
0x44: {  	s14 =	sadd.s32 $0x80, s14;
	(pc) =	sbr.rel @p1 .LBB2_5-.Ltmp4, $2  }
0x45: {  	_ =	sdelay $0x2  }
0x46: {  	s13 =	sadd.s32 $0x400, s13;
	s15 =	sadd.s32 s15, s11  }
.Ltmp5:
0x47: {  	(pc) =	sbr.rel .LBB2_7-.Ltmp5, $2  }
0x48: {  	_ =	sdelay $0x2  }
0x49: {  	[hbm:s15] =	stream.linear.scatter [tilespmem:s12], [sflag:$0x3], $0x400, $0x38;
	[tilespmem:$0x10200] =	vst v63  }
.LBB2_8:
0x4a: {  	_ =	sfence.sel $0x180000  }
0x4b: {  	s2 =	simm.s32 $0x2;
	[bflag:$0x0] =	sbarrier.arrive $0xFFFF  }
0x4c: {  	s30 =	simm.s32 $0x3;
	[sflag:s2] =	ssyncpa.u1 $0x1  }
0x4d: {  	s31 =	simm.s32 $0x1;
	[sflag:s30] =	ssyncpa.u1 $0x1  }
0x4e: {  	[sflag:s31] =	ssyncpa.u1 $0x1  }
0x4f: {  	p0 =	sne.s32 s1, $0x0;
	_ =	strace $0x90000050  }
0x50: {  	s0 =	sadd.s32 @!p0 $0x100000, s0;
	[bflag:$0x2] =	sbarrier.arrive $0xFFFF  }
0x51: {  	[sflag:s0] =	ssyncadd.tile.s32 @!p0 $0x1;
	_ =	shalt  }
.Lfunc_end2:
_tile_overlayer_lowered:
.L_overlay_start_2:
0x52: {  	(tag) =	ssettag $0x2  }
0x53: {  	s0 =	rddreg [dreg:$0x0];
	s2 =	stileid.u32  }
0x54: {  	s1 =	rddreg [dreg:$0x1];
	p0 =	sne.s32 s2, $0x0  }
0x55: {  	s3 =	rddreg [dreg:$0x2];
	[bflag:$0x3] =	sbarrier.arrive $0xFFFF;
	s2 =	simm.s32 @!p0 $0x1C01  }
0x56: {  	[timem:s3], [sflag:s2] =	dma.local @!p0 [hbm:s0], s1  }
0x57: {  	s0 =	simm.s32 @!p0 $0x1  }
0x58: {  	_ =	swait.ge @!p0 [sflag:s0], s1  }
0x59: {  	s1 =	ssub.s32 @!p0 $0x0, s1;
	[sflag:s0] =	ssyncset.done @!p0 $0x0  }
0x5a: {  	[sflag:s0] =	ssyncadd.s32 @!p0 s1  }
0x5b: {  	[bflag:$0x3] =	sbarrier.arrive $0xFFFF  }
0x5c: {  	_ =	shalt  }

// kernel: gather_offload_async_start
scs
__scs_entry_jumppad:
0x0: {  	(pc) =	sbr.rel $0x88, $3  }
0x1: {  	(tag) =	ssettag $0x0;
	lr =	simm.s32 $0x1  }
0x2: {  	[smem:$0x3F99] =	sst lr;
	_ =	strace $0xD0000000  }
0x3: {  	_ = 	snop  }
0x4: {  	_ = 	snop  }
0x5: {  	_ = 	snop  }
0x6: {  	_ = 	snop  }
0x7: {  	_ = 	snop  }
__scs_overlays_trampoline_lowered:
0x8: {  	[smem:$0x3FA8] =	sst s0  }
0x9: {  	[smem:$0x3FA9] =	sst s1  }
0xa: {  	[smem:$0x3FAA] =	sst s2  }
0xb: {  	[smem:$0x3FAB] =	sst s3  }
0xc: {  	[smem:$0x3FAC] =	sst s4  }
0xd: {  	[smem:$0x3FAD] =	sst s5  }
0xe: {  	[smem:$0x3FAE] =	sst s6  }
0xf: {  	[smem:$0x3FAF] =	sst s7  }
0x10: {  	[smem:$0x3FB0] =	sst s8  }
0x11: {  	[smem:$0x3FB1] =	sst s9;
	s0 =	simm.s32 @!p0 $0x0  }
0x12: {  	s1 =	sld [smem:$0x3F97];
	s0 =	simm.s32 @p0 $0x1  }
0x13: {  	[smem:$0x3FB2] =	sst s0;
	s0 =	simm.s32 @!p1 $0x0  }
0x14: {  	s2 =	sld [smem:$0x3F96];
	s0 =	simm.s32 @p1 $0x1  }
0x15: {  	[smem:$0x3FB3] =	sst s0;
	s0 =	simm.s32 @!p2 $0x0  }
0x16: {  	s3 =	sld [smem:$0x3FDB];
	s0 =	simm.s32 @p2 $0x1  }
0x17: {  	s4 =	simm.s32 $0x1BF5;
	[smem:$0x3FB5] =	sst s0  }
0x18: {  	s0 =	sld [smem:$0x3F98];
	_ =	swait.ge [sflag:s4], $0x0  }
0x19: {  	s7 =	sld [smem:$0x3F99]  }
0x1a: {  	s8 =	sadd.s32 $0xFFFFE003, lr  }
0x1b: {  	s9 =	sadd.s32 $0xFFFFFEF7, lr;
	s5 =	simm.s32 $0xFFFFFFFF;
	p2 =	slt.u32 s8, $0xFFFFF086  }
0x1c: {  	p1 =	slt.u32 s9, $0xF7A;
	s5 =	simm.s32 @!p2 $0x0  }
0x1d: {  	s5 =	simm.s32 @p1 $0x1;
	p0 =	seq.s32 s7, s2  }
0x1e: {  	s7 =	smul.u32 @!p0 $0xF7A, s2;
	p2 =	seq.s32 @!p0 s5, $0x0  }
0x1f: {  	s9 =	smul.u32 $0xF7A, s1;
	s8 =	simm.s32 @!p0 $0x1BF5;
	p2 =	por !p2, p0  }
0x20: {  	[sflag:s8] =	ssyncset.s32 @!p0 $0xFFFFF086;
	s6 =	sadd.s32 @!p0 s3, s7;
	s7 =	simm.s32 @!p0 $0x108  }
0x21: {  	s3 =	sadd.s32 s3, s9;
	s6 =	sadd.s32 @!p0 $0x88, s6;
	s7 =	simm.s32 @p2 $0x1082  }
0x22: {  	[simem:s7], [sflag:s8] =	dma.local @!p0 [hbm:s6], $0xF7A  }
0x23: {  	s9 =	sor.u32 $0xD0000000, s2;
	s6 =	simm.s32 $0x108;
	_ =	swait.ge @!p0 [sflag:s8], $0x0  }
0x24: {  	s3 =	sadd.s32 $0x88, s3;
	s6 =	simm.s32 @!p1 $0x1082;
	[sflag:s4] =	ssyncset.s32 $0xFFFFF086  }
0x25: {  	[simem:s6], [sflag:s4] =	dma.local [hbm:s3], $0xF7A  }
0x26: {  	[smem:$0x3F99] =	sst s1;
	(tag) =	ssettag s2;
	_ =	strace s9  }
0x27: {  	s1 =	sld [smem:$0x3FA9]  }
0x28: {  	s2 =	sld [smem:$0x3FAA]  }
0x29: {  	s4 =	sld [smem:$0x3FAC]  }
0x2a: {  	p0 =	seq.s32 s5, $0x0;
	s5 =	sld [smem:$0x3FAD]  }
0x2b: {  	s6 =	sld [smem:$0x3FAE]  }
0x2c: {  	s7 =	sld [smem:$0x3FAF]  }
0x2d: {  	s3 =	simm.s32 $0x108;
	s8 =	sld [smem:$0x3FB0]  }
0x2e: {  	s3 =	simm.s32 @!p0 $0x1082;
	s9 =	sld [smem:$0x3FB1]  }
0x2f: {  	lr =	sadd.s32 s0, s3;
	s0 =	sld [smem:$0x3FA8]  }
0x30: {  	s3 =	sld [smem:$0x3FAB]  }
0x31: {  	[smem:$0x3FB4] =	sst s10  }
0x32: {  	s10 =	sld [smem:$0x3FB2];
	_ =	sdelay $0x3  }
0x33: {  	p0 =	seq.s32 s10, $0x1;
	s10 =	sld [smem:$0x3FB4];
	_ =	sdelay $0x3  }
0x34: {  	[smem:$0x3FB4] =	sst s10  }
0x35: {  	s10 =	sld [smem:$0x3FB3];
	_ =	sdelay $0x3  }
0x36: {  	p1 =	seq.s32 s10, $0x1;
	s10 =	sld [smem:$0x3FB4];
	_ =	sdelay $0x3  }
0x37: {  	[smem:$0x3FB4] =	sst s10  }
0x38: {  	s10 =	sld [smem:$0x3FB5]  }
0x39: {  	_ = 	snop;
	(pc) =	sbr.ind lr, $3  }
0x3a: {  	_ = 	snop  }
0x3b: {  	_ = 	snop  }
0x3c: {  	p2 =	seq.s32 s10, $0x1;
	s10 =	sld [smem:$0x3FB4]  }
0x3d: {  	_ =	shalt  }
0x3e: {  	_ =	shalt  }
0x3f: {  	_ =	shalt  }
0x40: {  	_ =	shalt  }
0x41: {  	_ =	shalt  }
0x42: {  	_ =	shalt  }
0x43: {  	_ =	shalt  }
0x44: {  	_ =	shalt  }
0x45: {  	_ =	shalt  }
0x46: {  	_ =	shalt  }
0x47: {  	_ =	shalt  }
0x48: {  	_ =	shalt  }
0x49: {  	_ =	shalt  }
0x4a: {  	_ =	shalt  }
0x4b: {  	_ =	shalt  }
0x4c: {  	_ =	shalt  }
0x4d: {  	_ =	shalt  }
0x4e: {  	_ =	shalt  }
0x4f: {  	_ =	shalt  }
0x50: {  	_ =	shalt  }
0x51: {  	_ =	shalt  }
0x52: {  	_ =	shalt  }
0x53: {  	_ =	shalt  }
0x54: {  	_ =	shalt  }
0x55: {  	_ =	shalt  }
0x56: {  	_ =	shalt  }
0x57: {  	_ =	shalt  }
0x58: {  	_ =	shalt  }
0x59: {  	_ =	shalt  }
0x5a: {  	_ =	shalt  }
0x5b: {  	_ =	shalt  }
0x5c: {  	_ =	shalt  }
0x5d: {  	_ =	shalt  }
0x5e: {  	_ =	shalt  }
0x5f: {  	_ =	shalt  }
0x60: {  	_ =	shalt  }
0x61: {  	_ =	shalt  }
0x62: {  	_ =	shalt  }
0x63: {  	_ =	shalt  }
0x64: {  	_ =	shalt  }
0x65: {  	_ =	shalt  }
0x66: {  	_ =	shalt  }
0x67: {  	_ =	shalt  }
0x68: {  	_ =	shalt  }
0x69: {  	_ =	shalt  }
0x6a: {  	_ =	shalt  }
0x6b: {  	_ =	shalt  }
0x6c: {  	_ =	shalt  }
0x6d: {  	_ =	shalt  }
0x6e: {  	_ =	shalt  }
0x6f: {  	_ =	shalt  }
0x70: {  	_ =	shalt  }
0x71: {  	_ =	shalt  }
0x72: {  	_ =	shalt  }
0x73: {  	_ =	shalt  }
0x74: {  	_ =	shalt  }
0x75: {  	_ =	shalt  }
0x76: {  	_ =	shalt  }
0x77: {  	_ =	shalt  }
0x78: {  	_ =	shalt  }
0x79: {  	_ =	shalt  }
0x7a: {  	_ =	shalt  }
0x7b: {  	_ =	shalt  }
0x7c: {  	_ =	shalt  }
0x7d: {  	_ =	shalt  }
0x7e: {  	_ =	shalt  }
0x7f: {  	_ =	shalt  }
0x80: {  	_ =	shalt  }
0x81: {  	_ =	shalt  }
0x82: {  	_ =	shalt  }
0x83: {  	_ =	shalt  }
0x84: {  	_ =	shalt  }
0x85: {  	_ =	shalt  }
0x86: {  	_ =	shalt  }
0x87: {  	_ =	shalt  }
.Lfunc_end0:
.L_simem_size_0:
called_computation.3_lowered:
.L_overlay_start_0:
0x88: {  	s2 =	sld [smem:$0x3FD9]  }
0x89: {  	s3 =	sld [smem:$0x3FFE];
	_ =	sdelay $0x1  }
0x8a: {  	s1 =	srdreg.scid  }
0x8b: {  	s0 =	sand.u32 $0x1, s1  }
0x8c: {  	s15 =	sshll.u32 s0, $0xA;
	s2 =	sadd.s32 s3, s2  }
0x8d: {  	s2 =	sadd.s32 s2, s15  }
0x8e: {  	[smem:$0x3FC0] =	sst s2  }
0x8f: {  	_ = 	snop  }
0x90: {  	s2 =	sld [smem:$0x3FD0];
	_ =	sdelay $0x2  }
0x91: {  	s16 =	simm.s32 $0xC;
	s4 =	simm.s32 $0x10  }
0x92: {  	[smem:s4], [sflag:s16] =	dma.local [hbm:s2], $0x1  }
0x93: {  	_ =	swait.eq [sflag:s16], $0x1  }
0x94: {  	[sflag:s16] =	ssyncset.done $0x0  }
0x95: {  	s5 =	sld [smem:$0x10];
	[sflag:s16] =	ssyncadd.s32 $0xFFFFFFFF  }
0x96: {  	s2 =	sadd.s32 $0x1, s2;
	s6 =	sld [smem:$0x17]  }
0x97: {  	[smem:s4], [sflag:s16] =	dma.local [hbm:s2], $0x1  }
0x98: {  	_ =	swait.eq [sflag:s16], $0x1  }
0x99: {  	[sflag:s16] =	ssyncset.done $0x0  }
0x9a: {  	[sflag:s16] =	ssyncadd.s32 $0xFFFFFFFF  }
0x9b: {  	s17 =	sld [smem:$0x11];
	(tm) =	ssettm $0x1  }
0x9c: {  	s18 =	sld [smem:$0x3FFB];
	_ =	sdelay $0x3  }
0x9d: {  	_ =	strace s18  }
0x9e: {  	s3 =	sld [smem:$0x3FFC];
	_ =	sdelay $0x3  }
0x9f: {  	_ =	strace s3  }
0xa0: {  	s3 =	sld [smem:$0x3FFD];
	_ =	sdelay $0x3  }
0xa1: {  	_ =	strace s3  }
0xa2: {  	_ =	strace $0x8FFFFFFF  }
0xa3: {  	s19 =	sld [smem:$0x3FDB];
	_ =	sdelay $0x1  }
0xa4: {  	s20 =	simm.s32 $_scs_section_size  }
0xa5: {  	s7 =	simm.s32 $_size__tile_overlayer_lowered;
	s8 =	simm.s32 $_tile_overlayer_lowered  }
0xa6: {  	s23 =	simm.s32 $0x1BFF;
	s22 =	sshll.u32 s8, $0x1;
	s3 =	sadd.s32 s20, s19  }
0xa7: {  	s9 =	simm.s32 $0x0;
	s21 =	sshll.u32 s7, $0x1;
	s7 =	sadd.s32 s22, s3  }
0xa8: {  	[timem:s9], [sflag:s23] =	dma.local [hbm:s7], s21  }
0xa9: {  	_ =	swait.ge [sflag:s23], s21  }
0xaa: {  	s4 =	ssub.s32 $0x0, s21;
	[sflag:s23] =	ssyncset.done $0x0  }
0xab: {  	[sflag:s23] =	ssyncadd.s32 s4;
	_ =	sdelay $0x1  }
0xac: {  	s24 =	simm.s32 $0x1B8B  }
0xad: {  	_ =	swait.ge [sflag:s24], $0x1  }
0xae: {  	[sflag:s24] =	ssyncset.done $0x0  }
0xaf: {  	s25 =	simm.s32 $0x1B8E;
	[sflag:s24] =	ssyncadd.s32 $0xFFFFFFFF  }
0xb0: {  	s26 =	simm.s32 $execute0_lowered;
	[smem:$0x3FD2] =	sst s25  }
0xb1: {  	s4 =	sshll.u32 s26, $0x1;
	_ =	strace $0x80000049;
	[dreg:$0x1] =	wrdreg $0xFFFFFFFF  }
0xb2: {  	s28 =	simm.s32 $_size_execute0_lowered;
	s3 =	sadd.s32 s3, s4;
	[dreg:$0x0] =	wrdreg $0x0  }
0xb3: {  	s4 =	sshll.u32 s28, $0x1;
	[dreg:$0x2] =	wrdreg s3  }
0xb4: {  	[dreg:$0x3] =	wrdreg s4  }
0xb5: {  	[dreg:$0x4] =	wrdreg $0xC0  }
0xb6: {  	_ =	task [dreg:s9], $0x5FFFF  }
0xb7: {  	[dreg:$0x1] =	wrdreg $0xFFFFFFFF  }
0xb8: {  	[dreg:$0x0] =	wrdreg $0x60  }
0xb9: {  	[dreg:$0x2] =	wrdreg s5  }
0xba: {  	[dreg:$0x3] =	wrdreg s6  }
0xbb: {  	[dreg:$0x4] =	wrdreg s17  }
0xbc: {  	[dreg:$0x5] =	wrdreg $0x9  }
0xbd: {  	_ =	task.clear_ibuf [dreg:s9], $0x6FFFF;
	_ =	strace $0x90000049  }
0xbe: {  	s29 =	simm.s32 $0x9;
	_ =	strace $0x8000004B  }
0xbf: {  	_ =	swait.ge [sflag:s29], $0x1  }
0xc0: {  	[sflag:s29] =	ssyncadd.s32 $0xFFFFFFFF  }
0xc1: {  	_ =	strace $0x9000004B  }
0xc2: {  	_ =	sfence  }
0xc3: {  	s30 =	sld [smem:$0x0];
	_ =	sdelay $0x2  }
0xc4: {  	s31 =	sshll.u32 s1, $0xD;
	s1 =	sshrl.u32 s1, $0x2  }
0xc5: {  	s3 =	sand.u32 $0x4000, s31;
	s1 =	sadd.s32 s1, s30  }
0xc6: {  	s0 =	sor.u32 s3, s0;
	s1 =	sshll.u32 s1, $0x11  }
0xc7: {  	s0 =	sor.u32 s1, s0  }
0xc8: {  	s0 =	sadd.s32 $0x8F2B, s0  }
0xc9: {  	[sflag:s0] =	ssyncadd.remote.s32 $0x1  }
0xca: {  	_ =	sfence.sel $0xFFFF  }
0xcb: {  	[dreg:$0x0] =	wrdreg $0xFFFFFFFF;
	(pc) =	sbr.abs _section_cstart, $3  }
0xcc: {  	[dreg:$0x1] =	wrdreg $0xFFFFFFFF  }
0xcd: {  	_ =	task.clear_ibuf [dreg:s9], $0x2FFFF;
	_ =	strace $0x9FFFFFFF  }
0xce: {  	(tm) =	ssettm $0x7FFFFFFF  }
0xcf: {  	_ =	shalt  }
tec
execute0_lowered:
.L_overlay_start_1:
0x0: {  	(tag) =	ssettag $0x1  }
0x1: {  	s1 =	srdreg.scid;
	s2 =	rddreg [dreg:$0x0]  }
0x2: {  	s0 =	stileid.u32;
	s3 =	rddreg [dreg:$0x1]  }
0x3: {  	s4 =	rddreg [dreg:$0x2];
	s6 =	simm.s32 $0x1;
	s1 =	sshll.u32 s1, $0xC  }
0x4: {  	s9 =	simm.s32 $0x1;
	s5 =	sshll.u32 s0, $0xD;
	s1 =	sand.u32 $0x1000, s1  }
0x5: {  	s10 =	simm.s32 $0x3;
	s13 =	simm.s32 $0x0;
	s5 =	sor.u32 s5, s1  }
0x6: {  	s12 =	simm.s32 $0x0;
	s1 =	rddreg [dreg:$0x3];
	s8 =	ssub.s32 $0x40000, s5  }
.Ltmp0:
0x7: {  	_ =	strace $0x8000004A;
	s7 =	sand.u32 $0x1F000, s8;
	(pc) =	sbr.rel .LBB2_1-.Ltmp0, $4  }
0x8: {  	[sflag:s6] =	ssyncpa.u1 $0x0;
	s11 =	smov.u32 s5;
	p0 =	sne.s32 s7, $0x0  }
0x9: {  	s8 =	sshrl.u32 s8, $0x11;
	s7 =	simm.s32 $0x2;
	s9 =	simm.s32 @!p0 $0x0  }
0xa: {  	[sflag:s7] =	ssyncpa.u1 $0x0;
	p0 =	por $0x0, $0x0;
	s8 =	sadd.s32 s9, s8  }
0xb: {  	vm0 =	vmmov $0xffff;
	v0 =	vlaneseq.u32;
	[sflag:s10] =	ssyncpa.u1 $0x0;
	s10 =	simm.s32 $0x0;
	s9 =	sadd.s32 $0x1, s8  }
.LBB2_4:
0xc: {  	vm1 =	vgt.s32 v1, $0x0;
	s15 =	sadd.s32 $0xFFFFFFF0, s15  }
0xd: {  	v1 =	vnsel vm1, $0x0, v1;
	p1 =	sgt.s32 s15, $0x0  }
0xe: {  	v1 =	vmin.u32 v1, $0x1FFFFF;
	s15 =	simm.s32 @!p1 $0x0  }
0xf: {  	v2 =	vshll.u32 v1, $0x1;
	s15 =	smin.u32 s15, $0x10  }
0x10: {  	v1 =	vand.u32 $0x7F, v1;
	v2 =	vand.u32 $0x3FFF00, v2;
	v3 =	vmov s15  }
0x11: {  	v1 =	vor.u32 v1, v2;
	vm1 =	vgt.u32 v3, v0  }
0x12: {  	v2 =	vnsel vm1, $0x7FFFFFFF, v1;
	_ =	sdelay $0x1  }
0x13: {  	s29 =	sand.u32 $0x1F00, s17;
	s16 =	sadd.s32 $0x10, s16;
	v1 =	vor.u32 $0x80, v1  }
0x14: {  	(ifvalue) =	ssetifvalue $0x7FFFFFFF;
	s16 =	sand.u32 $0x70, s16;
	s15 =	sadd.s32 s29, s14;
	v1 =	vnsel vm1, $0x7FFFFFFF, v1  }
0x15: {  	(ifvalue) =	ssetifvalue $0x7FFFFFFF;
	s15 =	sadd.s32 s16, s15  }
0x16: {  	[tilespmem:s15], [sflag:$0x1] =	stream.indirect_vreg.gather [hbm4b:s2+s10], $0x1, v2, vm0, $0x4038;
	[tilespmem:$0x6000] =	vst v63  }
0x17: {  	(ifvalue) =	ssetifvalue $0x7FFFFFFF  }
0x18: {  	s30 =	sshll.u32 s13, $0x1;
	s15 =	sadd.s32 $0x80, s15;
	(ifvalue) =	ssetifvalue $0x7FFFFFFF  }
0x19: {  	[tilespmem:s15], [sflag:$0x1] =	stream.indirect_vreg.gather [hbm4b:s2+s10], $0x1, v1, vm0, $0x4038;
	[tilespmem:$0x6000] =	vst v63  }
0x1a: {  	s31 =	sand.u32 $0x78, s13;
	s15 =	sand.u32 $0xFFFFFF00, s30  }
0x1b: {  	_ =	swait.ge [sflag:s6], $0x2000;
	s13 =	sor.u32 s31, s15  }
0x1c: {  	[sflag:s6] =	ssyncset.done $0x0;
	s13 =	sshrl.u32 s13, $0x3  }
0x1d: {  	[sflag:s6] =	ssyncadd.s32 $0xFFFFE000;
	s13 =	sadd.s32 s4, s13  }
0x1e: {  	[hbm:s13] =	stream.linear.scatter [tilespmem:s14], [sflag:$0x3], $0x2000, $0x38;
	[tilespmem:$0x6000] =	vst v63  }
.LBB2_5:
0x1f: {  	s15 =	sadd.s32 $0x20000, s11  }
0x20: {  	p2 =	sgt.s32 s15, $0x3FFFF  }
0x21: {  	s15 =	smov.u32 @p2 s5;
	p2 =	sne.s32 s12, s9  }
.Ltmp1:
0x22: {  	p1 =	slt.u32 s12, $0x2;
	(pc) =	sbr.rel @!p2 .LBB2_6-.Ltmp1, $4  }
0x23: {  	s14 =	simm.s32 @!p1 $0x3  }
0x24: {  	s16 =	sadd.s32 $0x1, s12;
	_ =	swait.ge @!p1 [sflag:s14], $0x2000  }
0x25: {  	s13 =	smov.u32 s11;
	p0 =	por !p0, !p0;
	[sflag:s14] =	ssyncset.done @!p1 $0x0  }
0x26: {  	s12 =	smov.u32 s16;
	s11 =	smov.u32 s15;
	[sflag:s14] =	ssyncadd.s32 @!p1 $0xFFFFE000  }
.LBB2_1:
0x27: {  	p1 =	sge.u32 s12, s8  }
0x28: {  	s14 =	sxor.u32 @!p1 $0xFFFFFFFF, s12  }
0x29: {  	s31 =	sadd.s32 $0xFFFFFFFF, s12;
	s15 =	sshrl.u32 @!p1 s11, $0x3;
	s14 =	sshll.u32 @!p1 s14, $0xC  }
0x2a: {  	s16 =	sand.u32 @!p1 $0x7, s11;
	s15 =	sadd.s32 @!p1 s3, s15;
	s14 =	sand.u32 @!p1 $0x1000, s14  }
0x2b: {  	[tilespmem:s14], [sflag:$0x2] =	stream.linear.gather @!p1 [hbm4b:s15+s16], $0x1000, $0x38;
	[tilespmem:$0x6000] =	vst v63  }
0x2c: {  	p1 =	sge.u32 s31, s8  }
.Ltmp2:
0x2d: {  	_ = 	snop;
	(pc) =	sbr.rel @p1 .LBB2_5-.Ltmp2, $1  }
0x2e: {  	_ =	sdelay $0x3  }
0x2f: {  	s14 =	simm.s32 $0x1;
	_ =	swait.ge [sflag:s7], $0x1000  }
0x30: {  	s14 =	simm.s32 @!p0 $0x0;
	[sflag:s7] =	ssyncset.done $0x0  }
0x31: {  	s17 =	sshll.u32 s14, $0xC;
	[sflag:s7] =	ssyncadd.s32 $0xFFFFF000  }
0x32: {  	v1 =	vld.msk [tilespmem:s17+$0x0 ss:$0x1], $0xffff;
	_ =	sdelay $0x2  }
0x33: {  	s15 =	ssub.s32 $0x40000, s13  }
0x34: {  	p1 =	slt.s32 s15, $0x1000  }
0x35: {  	s15 =	simm.s32 @!p1 $0x1000;
	vm1 =	vgt.s32 v1, $0x0  }
0x36: {  	p1 =	sgt.s32 s15, $0x0;
	s14 =	smov.u32 s15;
	v1 =	vnsel vm1, $0x0, v1  }
0x37: {  	s14 =	simm.s32 @!p1 $0x0;
	v1 =	vmin.u32 v1, $0x1FFFFF  }
0x38: {  	s14 =	smin.u32 s14, $0x10;
	v2 =	vshll.u32 v1, $0x1  }
0x39: {  	v3 =	vmov s14;
	v1 =	vand.u32 $0x7F, v1;
	v2 =	vand.u32 $0x3FFF00, v2  }
0x3a: {  	vm1 =	vgt.u32 v3, v0;
	v1 =	vor.u32 v1, v2  }
0x3b: {  	s31 =	sand.u32 $0x1, s12;
	v2 =	vnsel vm1, $0x7FFFFFFF, v1  }
0x3c: {  	s16 =	simm.s32 $0x0;
	s14 =	sshll.u32 s31, $0xD  }
0x3d: {  	s18 =	sand.u32 $0x1F00, s16;
	s14 =	sadd.s32 $0x2000, s14;
	v1 =	vor.u32 $0x80, v1  }
0x3e: {  	s19 =	sand.u32 $0x70, s16;
	(ifvalue) =	ssetifvalue $0x7FFFFFFF;
	s18 =	sadd.s32 s18, s14;
	v1 =	vnsel vm1, $0x7FFFFFFF, v1  }
0x3f: {  	(ifvalue) =	ssetifvalue $0x7FFFFFFF;
	s18 =	sadd.s32 s19, s18  }
0x40: {  	[tilespmem:s18], [sflag:$0x1] =	stream.indirect_vreg.gather [hbm4b:s2+s10], $0x1, v2, vm0, $0x4038;
	[tilespmem:$0x6000] =	vst v63  }
0x41: {  	(ifvalue) =	ssetifvalue $0x7FFFFFFF  }
0x42: {  	s18 =	sadd.s32 $0x80, s18;
	(ifvalue) =	ssetifvalue $0x7FFFFFFF  }
0x43: {  	[tilespmem:s18], [sflag:$0x1] =	stream.indirect_vreg.gather [hbm4b:s2+s10], $0x1, v1, vm0, $0x4038;
	[tilespmem:$0x6000] =	vst v63  }
0x44: {  	s18 =	sadd.s32 $0x10, s17  }
0x45: {  	v1 =	vld.msk [tilespmem:s18+$0x0 ss:$0x1], $0xffff  }
0x46: {  	s19 =	simm.s32 $0x40;
	s17 =	simm.s32 $0x20  }
.LBB2_3:
0x47: {  	p1 =	sne.s32 s19, $0x1FE0;
	_ =	sdelay $0x2  }
0x48: {  	vm1 =	vgt.s32 v1, $0x0;
	s15 =	sadd.s32 $0xFFFFFFF0, s15  }
0x49: {  	v1 =	vnsel vm1, $0x0, v1;
	p2 =	sgt.s32 s15, $0x0;
	s20 =	smov.u32 s15  }
0x4a: {  	v1 =	vmin.u32 v1, $0x1FFFFF;
	s20 =	simm.s32 @!p2 $0x0  }
0x4b: {  	v2 =	vshll.u32 v1, $0x1;
	s20 =	smin.u32 s20, $0x10  }
0x4c: {  	v1 =	vand.u32 $0x7F, v1;
	v2 =	vand.u32 $0x3FFF00, v2;
	v3 =	vmov s20  }
0x4d: {  	v1 =	vor.u32 v1, v2;
	vm1 =	vgt.u32 v3, v0  }
0x4e: {  	v2 =	vnsel vm1, $0x7FFFFFFF, v1;
	_ =	sdelay $0x1  }
0x4f: {  	s16 =	sadd.s32 $0x10, s16;
	s20 =	sand.u32 $0x1F00, s17;
	s17 =	smov.u32 s19;
	v1 =	vor.u32 $0x80, v1  }
0x50: {  	s21 =	sand.u32 $0x70, s16;
	s20 =	sadd.s32 s20, s14;
	v1 =	vnsel vm1, $0x7FFFFFFF, v1;
	(ifvalue) =	ssetifvalue $0x7FFFFFFF  }
0x51: {  	s20 =	sadd.s32 s21, s20;
	(ifvalue) =	ssetifvalue $0x7FFFFFFF  }
0x52: {  	[tilespmem:s20], [sflag:$0x1] =	stream.indirect_vreg.gather [hbm4b:s2+s10], $0x1, v2, vm0, $0x4038;
	[tilespmem:$0x6000] =	vst v63  }
0x53: {  	s18 =	sadd.s32 $0x10, s18;
	(ifvalue) =	ssetifvalue $0x7FFFFFFF  }
.Ltmp3:
0x54: {  	s20 =	sadd.s32 $0x80, s20;
	(ifvalue) =	ssetifvalue $0x7FFFFFFF;
	(pc) =	sbr.rel @p1 .LBB2_3-.Ltmp3, $3  }
0x55: {  	[tilespmem:s20], [sflag:$0x1] =	stream.indirect_vreg.gather [hbm4b:s2+s10], $0x1, v1, vm0, $0x4038;
	[tilespmem:$0x6000] =	vst v63  }
0x56: {  	v1 =	vld.msk [tilespmem:s18+$0x0 ss:$0x1], $0xffff;
	_ =	sdelay $0x1  }
0x57: {  	s19 =	sadd.s32 $0x20, s19  }
.Ltmp4:
0x58: {  	_ = 	snop;
	(pc) =	sbr.rel .LBB2_4-.Ltmp4, $1  }
0x59: {  	_ =	sdelay $0x3  }
.LBB2_6:
0x5a: {  	_ =	sfence.sel $0x180000  }
0x5b: {  	s2 =	simm.s32 $0x2;
	[bflag:$0x0] =	sbarrier.arrive $0xFFFF  }
0x5c: {  	s30 =	simm.s32 $0x3;
	[sflag:s2] =	ssyncpa.u1 $0x1  }
0x5d: {  	s31 =	simm.s32 $0x1;
	[sflag:s30] =	ssyncpa.u1 $0x1  }
0x5e: {  	[sflag:s31] =	ssyncpa.u1 $0x1  }
0x5f: {  	p0 =	sne.s32 s0, $0x0;
	_ =	strace $0x9000004A  }
0x60: {  	s0 =	sadd.s32 @!p0 $0x100000, s1;
	[bflag:$0x2] =	sbarrier.arrive $0xFFFF  }
0x61: {  	[sflag:s0] =	ssyncadd.tile.s32 @!p0 $0x1;
	_ =	shalt  }
.Lfunc_end2:
_tile_overlayer_lowered:
.L_overlay_start_2:
0x62: {  	(tag) =	ssettag $0x2  }
0x63: {  	s0 =	rddreg [dreg:$0x0];
	s2 =	stileid.u32  }
0x64: {  	s1 =	rddreg [dreg:$0x1];
	p0 =	sne.s32 s2, $0x0  }
0x65: {  	s3 =	rddreg [dreg:$0x2];
	[bflag:$0x3] =	sbarrier.arrive $0xFFFF;
	s2 =	simm.s32 @!p0 $0x1C01  }
0x66: {  	[timem:s3], [sflag:s2] =	dma.local @!p0 [hbm:s0], s1  }
0x67: {  	s0 =	simm.s32 @!p0 $0x1  }
0x68: {  	_ =	swait.ge @!p0 [sflag:s0], s1  }
0x69: {  	s1 =	ssub.s32 @!p0 $0x0, s1;
	[sflag:s0] =	ssyncset.done @!p0 $0x0  }
0x6a: {  	[sflag:s0] =	ssyncadd.s32 @!p0 s1  }
0x6b: {  	[bflag:$0x3] =	sbarrier.arrive $0xFFFF  }
0x6c: {  	_ =	shalt  }

// kernel: scatter_offload_async_start.1
scs
__scs_entry_jumppad:
0x0: {  	(pc) =	sbr.rel $0x88, $3  }
0x1: {  	(tag) =	ssettag $0x0;
	lr =	simm.s32 $0x1  }
0x2: {  	[smem:$0x3F99] =	sst lr;
	_ =	strace $0xD0000000  }
0x3: {  	_ = 	snop  }
0x4: {  	_ = 	snop  }
0x5: {  	_ = 	snop  }
0x6: {  	_ = 	snop  }
0x7: {  	_ = 	snop  }
__scs_overlays_trampoline_lowered:
0x8: {  	[smem:$0x3FA8] =	sst s0  }
0x9: {  	[smem:$0x3FA9] =	sst s1  }
0xa: {  	[smem:$0x3FAA] =	sst s2  }
0xb: {  	[smem:$0x3FAB] =	sst s3  }
0xc: {  	[smem:$0x3FAC] =	sst s4  }
0xd: {  	[smem:$0x3FAD] =	sst s5  }
0xe: {  	[smem:$0x3FAE] =	sst s6  }
0xf: {  	[smem:$0x3FAF] =	sst s7  }
0x10: {  	[smem:$0x3FB0] =	sst s8  }
0x11: {  	[smem:$0x3FB1] =	sst s9;
	s0 =	simm.s32 @!p0 $0x0  }
0x12: {  	s1 =	sld [smem:$0x3F97];
	s0 =	simm.s32 @p0 $0x1  }
0x13: {  	[smem:$0x3FB2] =	sst s0;
	s0 =	simm.s32 @!p1 $0x0  }
0x14: {  	s2 =	sld [smem:$0x3F96];
	s0 =	simm.s32 @p1 $0x1  }
0x15: {  	[smem:$0x3FB3] =	sst s0;
	s0 =	simm.s32 @!p2 $0x0  }
0x16: {  	s3 =	sld [smem:$0x3FDB];
	s0 =	simm.s32 @p2 $0x1  }
0x17: {  	s4 =	simm.s32 $0x1BF5;
	[smem:$0x3FB5] =	sst s0  }
0x18: {  	s0 =	sld [smem:$0x3F98];
	_ =	swait.ge [sflag:s4], $0x0  }
0x19: {  	s7 =	sld [smem:$0x3F99]  }
0x1a: {  	s8 =	sadd.s32 $0xFFFFE003, lr  }
0x1b: {  	s9 =	sadd.s32 $0xFFFFFEF7, lr;
	s5 =	simm.s32 $0xFFFFFFFF;
	p2 =	slt.u32 s8, $0xFFFFF086  }
0x1c: {  	p1 =	slt.u32 s9, $0xF7A;
	s5 =	simm.s32 @!p2 $0x0  }
0x1d: {  	s5 =	simm.s32 @p1 $0x1;
	p0 =	seq.s32 s7, s2  }
0x1e: {  	s7 =	smul.u32 @!p0 $0xF7A, s2;
	p2 =	seq.s32 @!p0 s5, $0x0  }
0x1f: {  	s9 =	smul.u32 $0xF7A, s1;
	s8 =	simm.s32 @!p0 $0x1BF5;
	p2 =	por !p2, p0  }
0x20: {  	[sflag:s8] =	ssyncset.s32 @!p0 $0xFFFFF086;
	s6 =	sadd.s32 @!p0 s3, s7;
	s7 =	simm.s32 @!p0 $0x108  }
0x21: {  	s3 =	sadd.s32 s3, s9;
	s6 =	sadd.s32 @!p0 $0x88, s6;
	s7 =	simm.s32 @p2 $0x1082  }
0x22: {  	[simem:s7], [sflag:s8] =	dma.local @!p0 [hbm:s6], $0xF7A  }
0x23: {  	s9 =	sor.u32 $0xD0000000, s2;
	s6 =	simm.s32 $0x108;
	_ =	swait.ge @!p0 [sflag:s8], $0x0  }
0x24: {  	s3 =	sadd.s32 $0x88, s3;
	s6 =	simm.s32 @!p1 $0x1082;
	[sflag:s4] =	ssyncset.s32 $0xFFFFF086  }
0x25: {  	[simem:s6], [sflag:s4] =	dma.local [hbm:s3], $0xF7A  }
0x26: {  	[smem:$0x3F99] =	sst s1;
	(tag) =	ssettag s2;
	_ =	strace s9  }
0x27: {  	s1 =	sld [smem:$0x3FA9]  }
0x28: {  	s2 =	sld [smem:$0x3FAA]  }
0x29: {  	s4 =	sld [smem:$0x3FAC]  }
0x2a: {  	p0 =	seq.s32 s5, $0x0;
	s5 =	sld [smem:$0x3FAD]  }
0x2b: {  	s6 =	sld [smem:$0x3FAE]  }
0x2c: {  	s7 =	sld [smem:$0x3FAF]  }
0x2d: {  	s3 =	simm.s32 $0x108;
	s8 =	sld [smem:$0x3FB0]  }
0x2e: {  	s3 =	simm.s32 @!p0 $0x1082;
	s9 =	sld [smem:$0x3FB1]  }
0x2f: {  	lr =	sadd.s32 s0, s3;
	s0 =	sld [smem:$0x3FA8]  }
0x30: {  	s3 =	sld [smem:$0x3FAB]  }
0x31: {  	[smem:$0x3FB4] =	sst s10  }
0x32: {  	s10 =	sld [smem:$0x3FB2];
	_ =	sdelay $0x3  }
0x33: {  	p0 =	seq.s32 s10, $0x1;
	s10 =	sld [smem:$0x3FB4];
	_ =	sdelay $0x3  }
0x34: {  	[smem:$0x3FB4] =	sst s10  }
0x35: {  	s10 =	sld [smem:$0x3FB3];
	_ =	sdelay $0x3  }
0x36: {  	p1 =	seq.s32 s10, $0x1;
	s10 =	sld [smem:$0x3FB4];
	_ =	sdelay $0x3  }
0x37: {  	[smem:$0x3FB4] =	sst s10  }
0x38: {  	s10 =	sld [smem:$0x3FB5]  }
0x39: {  	_ = 	snop;
	(pc) =	sbr.ind lr, $3  }
0x3a: {  	_ = 	snop  }
0x3b: {  	_ = 	snop  }
0x3c: {  	p2 =	seq.s32 s10, $0x1;
	s10 =	sld [smem:$0x3FB4]  }
0x3d: {  	_ =	shalt  }
0x3e: {  	_ =	shalt  }
0x3f: {  	_ =	shalt  }
0x40: {  	_ =	shalt  }
0x41: {  	_ =	shalt  }
0x42: {  	_ =	shalt  }
0x43: {  	_ =	shalt  }
0x44: {  	_ =	shalt  }
0x45: {  	_ =	shalt  }
0x46: {  	_ =	shalt  }
0x47: {  	_ =	shalt  }
0x48: {  	_ =	shalt  }
0x49: {  	_ =	shalt  }
0x4a: {  	_ =	shalt  }
0x4b: {  	_ =	shalt  }
0x4c: {  	_ =	shalt  }
0x4d: {  	_ =	shalt  }
0x4e: {  	_ =	shalt  }
0x4f: {  	_ =	shalt  }
0x50: {  	_ =	shalt  }
0x51: {  	_ =	shalt  }
0x52: {  	_ =	shalt  }
0x53: {  	_ =	shalt  }
0x54: {  	_ =	shalt  }
0x55: {  	_ =	shalt  }
0x56: {  	_ =	shalt  }
0x57: {  	_ =	shalt  }
0x58: {  	_ =	shalt  }
0x59: {  	_ =	shalt  }
0x5a: {  	_ =	shalt  }
0x5b: {  	_ =	shalt  }
0x5c: {  	_ =	shalt  }
0x5d: {  	_ =	shalt  }
0x5e: {  	_ =	shalt  }
0x5f: {  	_ =	shalt  }
0x60: {  	_ =	shalt  }
0x61: {  	_ =	shalt  }
0x62: {  	_ =	shalt  }
0x63: {  	_ =	shalt  }
0x64: {  	_ =	shalt  }
0x65: {  	_ =	shalt  }
0x66: {  	_ =	shalt  }
0x67: {  	_ =	shalt  }
0x68: {  	_ =	shalt  }
0x69: {  	_ =	shalt  }
0x6a: {  	_ =	shalt  }
0x6b: {  	_ =	shalt  }
0x6c: {  	_ =	shalt  }
0x6d: {  	_ =	shalt  }
0x6e: {  	_ =	shalt  }
0x6f: {  	_ =	shalt  }
0x70: {  	_ =	shalt  }
0x71: {  	_ =	shalt  }
0x72: {  	_ =	shalt  }
0x73: {  	_ =	shalt  }
0x74: {  	_ =	shalt  }
0x75: {  	_ =	shalt  }
0x76: {  	_ =	shalt  }
0x77: {  	_ =	shalt  }
0x78: {  	_ =	shalt  }
0x79: {  	_ =	shalt  }
0x7a: {  	_ =	shalt  }
0x7b: {  	_ =	shalt  }
0x7c: {  	_ =	shalt  }
0x7d: {  	_ =	shalt  }
0x7e: {  	_ =	shalt  }
0x7f: {  	_ =	shalt  }
0x80: {  	_ =	shalt  }
0x81: {  	_ =	shalt  }
0x82: {  	_ =	shalt  }
0x83: {  	_ =	shalt  }
0x84: {  	_ =	shalt  }
0x85: {  	_ =	shalt  }
0x86: {  	_ =	shalt  }
0x87: {  	_ =	shalt  }
.Lfunc_end0:
.L_simem_size_0:
called_computation.1_lowered:
.L_overlay_start_0:
0x88: {  	s2 =	sld [smem:$0x3FD9]  }
0x89: {  	s3 =	sld [smem:$0x3FFE];
	_ =	sdelay $0x1  }
0x8a: {  	s1 =	srdreg.scid  }
0x8b: {  	s0 =	sand.u32 $0x1, s1  }
0x8c: {  	s12 =	sshll.u32 s0, $0xA;
	s2 =	sadd.s32 s3, s2  }
0x8d: {  	s2 =	sadd.s32 s2, s12  }
0x8e: {  	[smem:$0x3FC0] =	sst s2  }
0x8f: {  	_ = 	snop  }
0x90: {  	s13 =	sld [smem:$0x3FC9];
	(tm) =	ssettm $0x1  }
0x91: {  	s14 =	sld [smem:$0x3FFB];
	_ =	sdelay $0x3  }
0x92: {  	_ =	strace s14  }
0x93: {  	s2 =	sld [smem:$0x3FFC];
	_ =	sdelay $0x3  }
0x94: {  	_ =	strace s2  }
0x95: {  	s2 =	sld [smem:$0x3FFD];
	_ =	sdelay $0x3  }
0x96: {  	_ =	strace s2  }
0x97: {  	_ =	strace $0x8FFFFFFF  }
0x98: {  	s15 =	sld [smem:$0x3FDB];
	_ =	sdelay $0x1  }
0x99: {  	s4 =	simm.s32 $_scs_section_size  }
0x9a: {  	s5 =	simm.s32 $_size__tile_overlayer_lowered;
	s6 =	simm.s32 $_tile_overlayer_lowered  }
0x9b: {  	s19 =	simm.s32 $0x1BFF;
	s17 =	sshll.u32 s6, $0x1;
	s7 =	sadd.s32 s4, s15  }
0x9c: {  	s20 =	simm.s32 $0x0;
	s16 =	sshll.u32 s5, $0x1;
	s18 =	sadd.s32 s17, s7  }
0x9d: {  	[timem:s20], [sflag:s19] =	dma.local [hbm:s18], s16  }
0x9e: {  	_ =	swait.ge [sflag:s19], s16  }
0x9f: {  	s4 =	ssub.s32 $0x0, s16;
	[sflag:s19] =	ssyncset.done $0x0  }
0xa0: {  	[sflag:s19] =	ssyncadd.s32 s4;
	_ =	sdelay $0x1  }
0xa1: {  	s21 =	simm.s32 $0x1B8B  }
0xa2: {  	_ =	swait.ge [sflag:s21], $0x1  }
0xa3: {  	[sflag:s21] =	ssyncset.done $0x0  }
0xa4: {  	[sflag:s21] =	ssyncadd.s32 $0xFFFFFFFF  }
0xa5: {  	s4 =	sld [smem:$0x0]  }
0xa6: {  	s5 =	sand.u32 $0xFFFFFFFE, s1  }
0xa7: {  	p0 =	sne.s32 s1, s5  }
0xa8: {  	s5 =	sshll.u32 @p0 s5, $0xE  }
0xa9: {  	s6 =	sadd.s32 @p0 $0x11B8D, s5;
	s8 =	sshll.u32 @p0 s4, $0x11  }
0xaa: {  	s6 =	sor.u32 @p0 s8, s6  }
0xab: {  	[sflag:s6] =	ssyncadd.remote.s32 @p0 $0x1;
	_ =	sdelay $0x1  }
0xac: {  	s6 =	simm.s32 @p0 $0x1B8D  }
0xad: {  	_ =	swait.eq @p0 [sflag:s6], $0x1  }
0xae: {  	[sflag:s6] =	ssyncadd.s32 @p0 $0xFFFFFFFF  }
0xaf: {  	s8 =	sshll.u32 @!p0 s1, $0xE  }
0xb0: {  	s8 =	sor.u32 @!p0 $0x4000, s8;
	s6 =	simm.s32 @!p0 $0x1B8D  }
0xb1: {  	s10 =	sshll.u32 @!p0 s4, $0x11;
	s9 =	sadd.s32 @!p0 $0x11B8D, s8;
	_ =	swait.eq @!p0 [sflag:s6], $0x1  }
0xb2: {  	[sflag:s6] =	ssyncadd.s32 @!p0 $0xFFFFFFFF;
	s6 =	sor.u32 @!p0 s10, s9  }
0xb3: {  	s23 =	simm.s32 $0x1B8E;
	s22 =	sld [smem:$0x3FFE];
	[sflag:s6] =	ssyncadd.remote.s32 @!p0 $0x1  }
0xb4: {  	s24 =	simm.s32 $execute0_lowered;
	[smem:$0x3FD2] =	sst s23  }
0xb5: {  	s9 =	sshll.u32 s24, $0x1;
	_ =	strace $0x80000052;
	[dreg:$0x1] =	wrdreg $0xFFFFFFFF  }
0xb6: {  	s25 =	simm.s32 $_size_execute0_lowered;
	s9 =	sadd.s32 s7, s9;
	[dreg:$0x0] =	wrdreg $0x0  }
0xb7: {  	s10 =	sshll.u32 s25, $0x1;
	[dreg:$0x2] =	wrdreg s9  }
0xb8: {  	[dreg:$0x3] =	wrdreg s10  }
0xb9: {  	[dreg:$0x4] =	wrdreg $0xC0  }
0xba: {  	s26 =	simm.s32 $execute1_lowered;
	_ =	task [dreg:s20], $0x5FFFF  }
0xbb: {  	s9 =	sshll.u32 s26, $0x1;
	[dreg:$0x1] =	wrdreg $0xFFFFFFFF  }
0xbc: {  	s7 =	sadd.s32 s7, s9;
	[dreg:$0x0] =	wrdreg $0x60  }
0xbd: {  	[dreg:$0x2] =	wrdreg s7  }
0xbe: {  	[dreg:$0x3] =	wrdreg s22  }
0xbf: {  	[dreg:$0x4] =	wrdreg $0x9  }
0xc0: {  	_ =	task.clear_ibuf [dreg:s20], $0x5FFFF;
	_ =	strace $0x90000052  }
0xc1: {  	s28 =	simm.s32 $0x9;
	_ =	strace $0x80000054  }
0xc2: {  	_ =	swait.ge [sflag:s28], $0x1  }
0xc3: {  	[sflag:s28] =	ssyncadd.s32 $0xFFFFFFFF  }
0xc4: {  	_ =	strace $0x90000054  }
0xc5: {  	s7 =	sld [smem:$0x0];
	_ =	sdelay $0x3  }
0xc6: {  	s5 =	sadd.s32 @p0 $0x11BF3, s5;
	s9 =	sshll.u32 @p0 s7, $0x11  }
0xc7: {  	s5 =	sor.u32 @p0 s9, s5  }
0xc8: {  	[sflag:s5] =	ssyncadd.remote.s32 @p0 $0x1;
	_ =	sdelay $0x1  }
0xc9: {  	s5 =	simm.s32 @p0 $0x1BF3  }
0xca: {  	_ =	swait.eq @p0 [sflag:s5], $0x1  }
0xcb: {  	[sflag:s5] =	ssyncadd.s32 @p0 $0xFFFFFFFF;
	_ =	sdelay $0x1  }
0xcc: {  	s5 =	simm.s32 @!p0 $0x1BF3  }
0xcd: {  	s8 =	sadd.s32 @!p0 $0x11BF3, s8;
	s7 =	sshll.u32 @!p0 s7, $0x11;
	_ =	swait.eq @!p0 [sflag:s5], $0x1  }
0xce: {  	[sflag:s5] =	ssyncadd.s32 @!p0 $0xFFFFFFFF;
	s5 =	sor.u32 @!p0 s7, s8  }
0xcf: {  	[sflag:s5] =	ssyncadd.remote.s32 @!p0 $0x1  }
0xd0: {  	_ =	strace $0x80000055;
	[dreg:$0x1] =	wrdreg $0xFFFFFFFF  }
0xd1: {  	[dreg:$0x0] =	wrdreg $0x2030  }
0xd2: {  	[dreg:$0x2] =	wrdreg s22  }
0xd3: {  	[dreg:$0x3] =	wrdreg s13  }
0xd4: {  	[dreg:$0x4] =	wrdreg s1  }
0xd5: {  	[dreg:$0x5] =	wrdreg s4  }
0xd6: {  	[dreg:$0x6] =	wrdreg $0xA  }
0xd7: {  	_ =	task.clear_ibuf [dreg:s20], $0x7FFFF;
	_ =	strace $0x90000055  }
0xd8: {  	s29 =	simm.s32 $0xA;
	_ =	strace $0x80000057  }
0xd9: {  	_ =	swait.ge [sflag:s29], $0x1  }
0xda: {  	[sflag:s29] =	ssyncadd.s32 $0xFFFFFFFF  }
0xdb: {  	_ =	strace $0x90000057  }
0xdc: {  	_ =	sfence  }
0xdd: {  	s30 =	sld [smem:$0x0];
	_ =	sdelay $0x2  }
0xde: {  	s31 =	sshll.u32 s1, $0xD;
	s1 =	sshrl.u32 s1, $0x2  }
0xdf: {  	s4 =	sand.u32 $0x4000, s31;
	s1 =	sadd.s32 s1, s30  }
0xe0: {  	s0 =	sor.u32 s4, s0;
	s1 =	sshll.u32 s1, $0x11  }
0xe1: {  	s0 =	sor.u32 s1, s0  }
0xe2: {  	s0 =	sadd.s32 $0x8F2B, s0  }
0xe3: {  	[sflag:s0] =	ssyncadd.remote.s32 $0x1  }
0xe4: {  	_ =	sfence.sel $0xFFFF  }
0xe5: {  	[dreg:$0x0] =	wrdreg $0xFFFFFFFF;
	(pc) =	sbr.abs _section_cstart, $3  }
0xe6: {  	[dreg:$0x1] =	wrdreg $0xFFFFFFFF  }
0xe7: {  	_ =	task.clear_ibuf [dreg:s20], $0x2FFFF;
	_ =	strace $0x9FFFFFFF  }
0xe8: {  	(tm) =	ssettm $0x7FFFFFFF  }
0xe9: {  	_ =	shalt  }
tec
execute0_lowered:
.L_overlay_start_1:
0x0: {  	(tag) =	ssettag $0x1  }
0x1: {  	s2 =	rddreg [dreg:$0x0]  }
0x2: {  	s4 =	rddreg [dreg:$0x1]  }
0x3: {  	s0 =	rddreg [dreg:$0x2];
	s3 =	stileid.u32;
	[bflag:$0x3] =	sbarrier.arrive $0xFFFF  }
0x4: {  	s1 =	simm.s32 $_size_execute1_lowered;
	s29 =	srdreg.scid;
	p0 =	sne.s32 s3, $0x0  }
0x5: {  	s1 =	sshll.u32 s1, $0x1;
	s5 =	simm.s32 @!p0 $0x1C3F;
	s6 =	simm.s32 @!p0 $0x4060  }
0x6: {  	[timem:s6], [sflag:s5] =	dma.local @!p0 [hbm:s2], s1  }
0x7: {  	s2 =	sshll.u32 s29, $0x7  }
0x8: {  	s7 =	simm.s32 $0x1;
	s3 =	sshll.u32 s3, $0x8;
	s2 =	sand.u32 $0x80, s2  }
0x9: {  	s8 =	simm.s32 $0x2;
	s9 =	simm.s32 $0x0;
	s2 =	sor.u32 s3, s2  }
0xa: {  	s12 =	simm.s32 $0x0;
	s11 =	simm.s32 $0x0;
	s30 =	ssub.s32 $0x40000, s2  }
.Ltmp0:
0xb: {  	s5 =	simm.s32 $0x1;
	s31 =	sand.u32 $0xF80, s30;
	(pc) =	sbr.rel .LBB2_1-.Ltmp0, $4  }
0xc: {  	_ =	strace $0x80000053;
	s3 =	sadd.s32 $0xC52E00, s4;
	p1 =	sne.s32 s31, $0x0  }
0xd: {  	[sflag:s5] =	ssyncpa.u1 $0x0;
	s6 =	sshrl.u32 s30, $0xC;
	s7 =	simm.s32 @!p1 $0x0  }
0xe: {  	s4 =	sadd.s32 $0x1052E00, s4;
	[sflag:s8] =	ssyncpa.u1 $0x0;
	s6 =	sadd.s32 s7, s6  }
0xf: {  	s8 =	simm.s32 $0x0;
	s10 =	smov.u32 s2;
	s7 =	sadd.s32 $0x1, s6  }
.LBB2_4:
0x10: {  	_ =	sdelay $0x3  }
0x11: {  	[tilespmem:v0+s14+$0xFFFFFFA0 ss:$0x1] =	vst.idx.msk $0xffff, v6  }
0x12: {  	v56 =	vld.idx.msk [tilespmem:v1+s15+$0x30 ss:$0x1], $0xffff;
	[tilespmem:v0+s14+$0xFFFFFFB0 ss:$0x1] =	vst.idx.msk $0xffff, v4  }
0x13: {  	v57 =	vld.idx.msk [tilespmem:v1+s15+$0xFFFFFFC0 ss:$0x1], $0xffff;
	[tilespmem:v0+s14+$0xFFFFFFC0 ss:$0x1] =	vst.idx.msk $0xffff, v2  }
0x14: {  	v58 =	vld.idx.msk [tilespmem:v1+s15+$0xFFFFFFD0 ss:$0x1], $0xffff;
	[tilespmem:v0+s14+$0xFFFFFFD0 ss:$0x1] =	vst.idx.msk $0xffff, v3  }
0x15: {  	v59 =	vld.idx.msk [tilespmem:v1+s15+$0xFFFFFFE0 ss:$0x1], $0xffff;
	[tilespmem:v0+s14+$0xFFFFFFE0 ss:$0x1] =	vst.idx.msk $0xffff, v5  }
0x16: {  	v60 =	vld.idx.msk [tilespmem:v1+s15+$0xFFFFFFF0 ss:$0x1], $0xffff;
	[tilespmem:v0+s14+$0xFFFFFFF0 ss:$0x1] =	vst.idx.msk $0xffff, v7  }
0x17: {  	v61 =	vld.idx.msk [tilespmem:v1+s15+$0x0 ss:$0x1], $0xffff;
	[tilespmem:v0+s15+$0x0 ss:$0x1] =	vst.idx.msk $0xffff, v56  }
0x18: {  	v62 =	vld.idx.msk [tilespmem:v1+s15+$0x10 ss:$0x1], $0xffff;
	[tilespmem:v0+s15+$0xFFFFFF90 ss:$0x1] =	vst.idx.msk $0xffff, v57  }
0x19: {  	v63 =	vld.idx.msk [tilespmem:v1+s15+$0x20 ss:$0x1], $0xffff;
	[tilespmem:v0+s15+$0xFFFFFFA0 ss:$0x1] =	vst.idx.msk $0xffff, v58  }
0x1a: {  	[tilespmem:v0+s15+$0xFFFFFFB0 ss:$0x1] =	vst.idx.msk $0xffff, v59  }
0x1b: {  	[tilespmem:v0+s15+$0xFFFFFFC0 ss:$0x1] =	vst.idx.msk $0xffff, v60  }
0x1c: {  	s12 =	sshll.u32 s12, $0x4;
	[tilespmem:v0+s15+$0xFFFFFFD0 ss:$0x1] =	vst.idx.msk $0xffff, v61  }
0x1d: {  	s12 =	sand.u32 $0x3FFFF0, s12;
	[tilespmem:v0+s15+$0xFFFFFFE0 ss:$0x1] =	vst.idx.msk $0xffff, v62  }
0x1e: {  	s12 =	sadd.s32 s4, s12;
	[tilespmem:v0+s15+$0xFFFFFFF0 ss:$0x1] =	vst.idx.msk $0xffff, v63  }
0x1f: {  	[hbm4b:s12+s8] =	stream.linear.scatter [tilespmem:s13], [sflag:$0x2], $0x4000, $0x38;
	[tilespmem:$0x10000] =	vst v63  }
.LBB2_5:
0x20: {  	s14 =	sadd.s32 $0x1000, s10  }
0x21: {  	p2 =	sgt.s32 s14, $0x3FFFF  }
0x22: {  	s14 =	smov.u32 @p2 s2;
	p2 =	sne.s32 s11, s7  }
.Ltmp1:
0x23: {  	p1 =	slt.u32 s11, $0x2;
	(pc) =	sbr.rel @!p2 .LBB2_6-.Ltmp1, $4  }
0x24: {  	s13 =	simm.s32 @!p1 $0x2  }
0x25: {  	s15 =	sadd.s32 $0x1, s11;
	_ =	swait.ge @!p1 [sflag:s13], $0x4000  }
0x26: {  	s12 =	smov.u32 s10;
	s9 =	sadd.s32 $0x4000, s9;
	[sflag:s13] =	ssyncset.done @!p1 $0x0  }
0x27: {  	s11 =	smov.u32 s15;
	s10 =	smov.u32 s14;
	[sflag:s13] =	ssyncadd.s32 @!p1 $0xFFFFC000  }
.LBB2_1:
0x28: {  	p1 =	sge.u32 s11, s6  }
0x29: {  	s13 =	sxor.u32 @!p1 $0xFFFFFFFF, s11;
	s14 =	sshll.u32 @!p1 s10, $0x4  }
0x2a: {  	s31 =	sadd.s32 $0xFFFFFFFF, s11;
	s13 =	sshll.u32 @!p1 s13, $0xE;
	s14 =	sand.u32 @!p1 $0x3FFFF0, s14  }
0x2b: {  	s15 =	simm.s32 @!p1 $0x0;
	s13 =	sand.u32 @!p1 $0x4000, s13;
	s14 =	sadd.s32 @!p1 s3, s14  }
0x2c: {  	[tilespmem:s13], [sflag:$0x1] =	stream.linear.gather @!p1 [hbm4b:s14+s15], $0x4000, $0x38;
	[tilespmem:$0x10000] =	vst v63  }
0x2d: {  	p1 =	sge.u32 s31, s6  }
.Ltmp2:
0x2e: {  	_ = 	snop;
	(pc) =	sbr.rel @p1 .LBB2_5-.Ltmp2, $1  }
0x2f: {  	_ =	sdelay $0x3  }
0x30: {  	s13 =	sand.u32 $0x4000, s9  }
0x31: {  	s14 =	sor.u32 $0x40, s13  }
0x32: {  	v1 =	vmov s14;
	_ =	sdelay $0x1  }
0x33: {  	_ =	swait.ge [sflag:s5], $0x4000  }
0x34: {  	[sflag:s5] =	ssyncset.done $0x0  }
0x35: {  	[sflag:s5] =	ssyncadd.s32 $0xFFFFC000;
	s14 =	simm.s32 $0x0  }
0x36: {  	s13 =	sor.u32 $0x8070, s13;
	v7 =	vld.idx.msk [tilespmem:v1+s14+$0x30 ss:$0x1], $0xffff  }
0x37: {  	v0 =	vmov s13;
	v8 =	vld.idx.msk [tilespmem:v1+s14+$0xFFFFFFC0 ss:$0x1], $0xffff  }
0x38: {  	v6 =	vld.idx.msk [tilespmem:v1+s14+$0xFFFFFFD0 ss:$0x1], $0xffff  }
0x39: {  	v4 =	vld.idx.msk [tilespmem:v1+s14+$0xFFFFFFE0 ss:$0x1], $0xffff  }
0x3a: {  	v2 =	vld.idx.msk [tilespmem:v1+s14+$0xFFFFFFF0 ss:$0x1], $0xffff  }
0x3b: {  	s31 =	sshll.u32 s11, $0xE;
	v3 =	vld.idx.msk [tilespmem:v1+s14+$0x0 ss:$0x1], $0xffff  }
0x3c: {  	s13 =	sand.u32 $0x4000, s31;
	v5 =	vld.idx.msk [tilespmem:v1+s14+$0x10 ss:$0x1], $0xffff;
	[tilespmem:v0+s14+$0x0 ss:$0x1] =	vst.idx.msk $0xffff, v7  }
0x3d: {  	s15 =	simm.s32 $0x80;
	s16 =	simm.s32 $0x400;
	s13 =	sor.u32 $0x8000, s13;
	[tilespmem:v0+s14+$0xFFFFFF90 ss:$0x1] =	vst.idx.msk $0xffff, v8;
	v7 =	vld.idx.msk [tilespmem:v1+s14+$0x20 ss:$0x1], $0xffff  }
.LBB2_3:
0x3e: {  	p1 =	sne.s32 s16, $0xFE00;
	v8 =	vld.idx.msk [tilespmem:v1+s15+$0x30 ss:$0x1], $0xffff;
	[tilespmem:v0+s14+$0xFFFFFFA0 ss:$0x1] =	vst.idx.msk $0xffff, v6  }
0x3f: {  	v9 =	vld.idx.msk [tilespmem:v1+s15+$0xFFFFFFC0 ss:$0x1], $0xffff;
	[tilespmem:v0+s14+$0xFFFFFFB0 ss:$0x1] =	vst.idx.msk $0xffff, v4  }
0x40: {  	v6 =	vld.idx.msk [tilespmem:v1+s15+$0xFFFFFFD0 ss:$0x1], $0xffff;
	[tilespmem:v0+s14+$0xFFFFFFC0 ss:$0x1] =	vst.idx.msk $0xffff, v2  }
.Ltmp3:
0x41: {  	v4 =	vld.idx.msk [tilespmem:v1+s15+$0xFFFFFFE0 ss:$0x1], $0xffff;
	[tilespmem:v0+s14+$0xFFFFFFD0 ss:$0x1] =	vst.idx.msk $0xffff, v3;
	(pc) =	sbr.rel @p1 .LBB2_3-.Ltmp3, $4  }
0x42: {  	v2 =	vld.idx.msk [tilespmem:v1+s15+$0xFFFFFFF0 ss:$0x1], $0xffff;
	[tilespmem:v0+s14+$0xFFFFFFE0 ss:$0x1] =	vst.idx.msk $0xffff, v5  }
0x43: {  	v3 =	vld.idx.msk [tilespmem:v1+s15+$0x0 ss:$0x1], $0xffff;
	[tilespmem:v0+s14+$0xFFFFFFF0 ss:$0x1] =	vst.idx.msk $0xffff, v7;
	s14 =	smov.u32 s15  }
0x44: {  	v5 =	vld.idx.msk [tilespmem:v1+s14+$0x10 ss:$0x1], $0xffff;
	[tilespmem:v0+s14+$0x0 ss:$0x1] =	vst.idx.msk $0xffff, v8  }
0x45: {  	s15 =	sshra.s32 s16, $0x2;
	s16 =	sadd.s32 $0x200, s16;
	[tilespmem:v0+s14+$0xFFFFFF90 ss:$0x1] =	vst.idx.msk $0xffff, v9;
	v7 =	vld.idx.msk [tilespmem:v1+s14+$0x20 ss:$0x1], $0xffff  }
.Ltmp4:
0x46: {  	_ = 	snop;
	(pc) =	sbr.rel .LBB2_4-.Ltmp4, $1  }
0x47: {  	_ =	sdelay $0x3  }
.LBB2_6:
0x48: {  	_ =	sfence.sel $0x180000  }
0x49: {  	s2 =	simm.s32 $0x1;
	[bflag:$0x0] =	sbarrier.arrive $0xFFFF  }
0x4a: {  	s31 =	simm.s32 $0x2;
	[sflag:s2] =	ssyncpa.u1 $0x1  }
0x4b: {  	[sflag:s31] =	ssyncpa.u1 $0x1  }
0x4c: {  	_ =	strace $0x90000053  }
0x4d: {  	s0 =	sadd.s32 @!p0 $0x100000, s0;
	[bflag:$0x2] =	sbarrier.arrive $0xFFFF  }
0x4e: {  	[sflag:s0] =	ssyncadd.tile.s32 @!p0 $0x1;
	s0 =	simm.s32 @!p0 $0x3F  }
0x4f: {  	_ =	swait.ge @!p0 [sflag:s0], s1  }
0x50: {  	s1 =	ssub.s32 @!p0 $0x0, s1;
	[sflag:s0] =	ssyncset.done @!p0 $0x0  }
0x51: {  	[sflag:s0] =	ssyncadd.s32 @!p0 s1  }
0x52: {  	[bflag:$0x3] =	sbarrier.arrive $0xFFFF  }
0x53: {  	_ =	shalt  }
.Lfunc_end2:
execute1_lowered:
.L_overlay_start_2:
0x54: {  	(tag) =	ssettag $0x2  }
0x55: {  	s2 =	rddreg [dreg:$0x0]  }
0x56: {  	s9 =	rddreg [dreg:$0x1]  }
0x57: {  	s3 =	rddreg [dreg:$0x2];
	_ =	strace $0x80000056;
	s0 =	simm.s32 $0x1  }
0x58: {  	v0 =	vimm.s32 $0x0;
	[sflag:s0] =	ssyncpa.u1 $0x0;
	s0 =	simm.s32 $0x108  }
0x59: {  	[tilespmem:s0+$0x70] =	vst v0  }
0x5a: {  	[tilespmem:s0+$0x60] =	vst v0  }
0x5b: {  	[tilespmem:s0+$0x50] =	vst v0  }
0x5c: {  	[tilespmem:s0+$0x40] =	vst v0  }
0x5d: {  	s1 =	sadd.s32 $0x1052E00, s2;
	[tilespmem:s0+$0x30] =	vst v0  }
0x5e: {  	s15 =	sadd.s32 $0x42E00, s2;
	s3 =	sand.u32 $0x1, s3;
	s14 =	sadd.s32 $0x4AE00, s2;
	[tilespmem:s0+$0x20] =	vst v0  }
0x5f: {  	[dreg:$0x5] =	wrdreg s3;
	s16 =	sshll.u32 s3, $0xE;
	s3 =	simm.s32 $0x40;
	[tilespmem:s0+$0x10] =	vst v0  }
.LBB3_1:
0x60: {  	s3 =	sadd.s32 $0x40, s3;
	[tilespmem:s0+$0x0] =	vst v0;
	s0 =	sadd.s32 $0x80, s0  }
0x61: {  	p0 =	slt.u32 s3, $0x3C40;
	[tilespmem:s0+$0x70] =	vst v0  }
0x62: {  	[tilespmem:s0+$0x60] =	vst v0  }
.Ltmp5:
0x63: {  	[tilespmem:s0+$0x50] =	vst v0;
	(pc) =	sbr.rel @p0 .LBB3_1-.Ltmp5, $4  }
0x64: {  	[tilespmem:s0+$0x40] =	vst v0  }
0x65: {  	[tilespmem:s0+$0x30] =	vst v0  }
0x66: {  	[tilespmem:s0+$0x20] =	vst v0  }
0x67: {  	[tilespmem:s0+$0x10] =	vst v0  }
0x68: {  	s5 =	stileid.u32  }
0x69: {  	s2 =	smul.u32 $0x22, s5  }
0x6a: {  	s3 =	smin.u32 s5, $0x3  }
0x6b: {  	s2 =	sadd.s32 s3, s2  }
0x6c: {  	p0 =	slt.u32 s5, $0x3;
	s7 =	smul.u32 $0xF0, s2;
	s2 =	simm.s32 $0x20D0  }
0x6d: {  	s2 =	simm.s32 @!p0 $0x1FE0  }
0x6e: {  	s2 =	sadd.s32 s2, s7  }
0x6f: {  	s8 =	smin.u32 s2, $0x20000  }
0x70: {  	s2 =	ssub.s32 s8, s7  }
0x71: {  	p0 =	sgt.s32 s2, $0x0  }
0x72: {  	s2 =	simm.s32 @!p0 $0x0  }
0x73: {  	s30 =	simm.s32 $0x2;
	s10 =	simm.s32 $0x9;
	s29 =	smulhi.u32 $0x88888889, s2  }
0x74: {  	s4 =	simm.s32 $0xA;
	s11 =	simm.s32 $0xB;
	s12 =	simm.s32 $0x1  }
0x75: {  	s14 =	sadd.s32 s16, s14;
	s15 =	sadd.s32 s16, s15;
	s31 =	sshrl.u32 s29, $0x7  }
0x76: {  	s22 =	simm.s32 $0x0;
	s18 =	simm.s32 $0xC;
	s3 =	smul.u32 $0xF0, s31  }
.Ltmp6:
0x77: {  	[tilespmem:s0+$0x0] =	vst v0;
	v0 =	vimm.s32 $0xFFFFFFFF;
	s20 =	simm.s32 $0x0;
	[sflag:s30] =	ssyncpa.u1 $0x0;
	(pc) =	sbr.rel .LBB3_3-.Ltmp6, $4  }
0x78: {  	[tilespmem:$0xF208] =	vst v0;
	[sflag:s10] =	ssyncpa.u1 $0x0;
	p0 =	sne.s32 s2, s3;
	s2 =	simm.s32 $0x1  }
0x79: {  	s21 =	simm.s32 $0x0;
	[sflag:s4] =	ssyncpa.u1 $0x0;
	s2 =	simm.s32 @!p0 $0x0  }
0x7a: {  	s16 =	sshll.u32 s5, $0x8;
	[sflag:s11] =	ssyncpa.u1 $0x0;
	s13 =	sadd.s32 s2, s31  }
0x7b: {  	v0 =	vlaneseq.u32;
	s19 =	smov.u32 s7;
	p0 =	por $0x0, $0x0;
	s17 =	sadd.s32 $0x1, s13  }
.LBB3_18:
0x7c: {  	s0 =	sshrl.u32 s31, $0x2  }
.LBB3_20:
0x7d: {  	_ =	swait.ge [sflag:s18], s0  }
0x7e: {  	s31 =	ssub.s32 $0x0, s0;
	v1 =	vmov s24;
	vm0 =	veq.s32 v0, $0x0;
	[sflag:s18] =	ssyncset.done $0x0  }
0x7f: {  	vm15 =	veq.s32 v0, $0x2;
	v1 =	vsel vm0, s30, v1;
	[sflag:s18] =	ssyncadd.s32 s31  }
0x80: {  	v1 =	vsel vm15, s22, v1;
	[sflag:s18] =	ssyncpa.u1 $0x1  }
0x81: {  	[tilespmem:$0xF208] =	vst v1  }
.LBB3_21:
0x82: {  	s0 =	sadd.s32 $0xF0, s19  }
0x83: {  	s2 =	smov.u32 s7;
	p1 =	slt.s32 s0, s8  }
0x84: {  	s2 =	smov.u32 @p1 s0;
	p1 =	sne.s32 s21, s17  }
.Ltmp7:
0x85: {  	_ = 	snop;
	(pc) =	sbr.rel @!p1 .LBB3_22-.Ltmp7, $3  }
0x86: {  	_ =	sdelay $0x1  }
0x87: {  	s22 =	smov.u32 s20;
	s31 =	sadd.s32 $0x1, s21;
	s20 =	smov.u32 s19  }
0x88: {  	p0 =	por !p0, !p0;
	s21 =	smov.u32 s31;
	s19 =	smov.u32 s2  }
.LBB3_3:
0x89: {  	p1 =	sge.u32 s21, s13  }
0x8a: {  	s0 =	smulhi.u32 @!p1 $0xAAAAAAAB, s21  }
0x8b: {  	s2 =	smov.u32 s19;
	p2 =	sgt.s32 @!p1 s19, $0x1FF10  }
0x8c: {  	s3 =	sshra.s32 @!p1 s19, $0x1F;
	p2 =	por !p2, p1;
	s0 =	sshrl.u32 @!p1 s0, $0x1  }
0x8d: {  	s3 =	sand.u32 @!p1 s3, s19;
	s2 =	simm.s32 @p2 $0x1FF10;
	s0 =	smul.u32 @!p1 $0x3, s0  }
0x8e: {  	s2 =	ssub.s32 @!p1 s2, s3  }
0x8f: {  	s2 =	sadd.s32 @!p1 $0xFFFE00F0, s2;
	s0 =	ssub.s32 @!p1 s21, s0  }
0x90: {  	s3 =	sshll.u32 @!p1 s2, $0x2;
	p2 =	sgt.s32 @!p1 s2, $0xEF;
	s0 =	smul.u32 @!p1 $0x3C0, s0  }
0x91: {  	s4 =	sand.u32 @!p1 $0x7, s19;
	s2 =	ssub.s32 @!p1 $0x3C0, s3;
	p2 =	por !p2, p1  }
0x92: {  	s3 =	sshrl.u32 @!p1 s19, $0x3;
	s2 =	sshrl.u32 @!p1 s2, $0x2;
	s0 =	sshrl.u32 @!p1 s0, $0x2  }
0x93: {  	s3 =	sadd.s32 @!p1 s3, s14;
	s2 =	simm.s32 @!p2 $0x0;
	s0 =	sadd.s32 @!p1 $0x10248, s0  }
0x94: {  	[tilespmem:s0], [sflag:$0xA] =	stream.linear.gather @!p1 [hbm4b:s3+s4], s2, $0x38;
	[tilespmem:$0x1F6F8] =	vst v63  }
0x95: {  	s0 =	sadd.s32 $0xFFFFFFFF, s21  }
0x96: {  	p1 =	sge.u32 s0, s13  }
0x97: {  	p2 =	sgt.s32 @!p1 s20, $0x1FF10  }
0x98: {  	s2 =	smov.u32 s20;
	s3 =	sshra.s32 @!p1 s20, $0x1F;
	p2 =	por !p2, p1  }
0x99: {  	s3 =	sand.u32 @!p1 s3, s20;
	s2 =	simm.s32 @p2 $0x1FF10  }
0x9a: {  	s2 =	ssub.s32 @!p1 s2, s3  }
0x9b: {  	s2 =	sadd.s32 @!p1 $0xFFFE00F0, s2  }
0x9c: {  	s4 =	sand.u32 @!p1 $0x1, s0;
	s3 =	sshll.u32 @!p1 s2, $0x2  }
0x9d: {  	p2 =	sgt.s32 @!p1 s2, $0xEF;
	s2 =	ssub.s32 @!p1 $0x3C0, s3;
	s3 =	smulhi.u32 @!p1 $0xAAAAAAAB, s0  }
0x9e: {  	s23 =	smul.u32 @!p1 $0x3C0, s4;
	p2 =	por !p2, p1;
	s2 =	sshrl.u32 @!p1 s2, $0x2  }
0x9f: {  	s5 =	simm.s32 @!p1 $0xA;
	s2 =	simm.s32 @!p2 $0x0;
	s3 =	sshrl.u32 @!p1 s3, $0x1  }
0xa0: {  	s23 =	sshrl.u32 @!p1 s23, $0x2;
	_ =	swait.ge @!p1 [sflag:s5], s2;
	s3 =	smul.u32 @!p1 $0x3, s3  }
0xa1: {  	s23 =	sadd.s32 @!p1 $0x10518, s23;
	s24 =	ssub.s32 @!p1 $0x0, s2;
	[sflag:s5] =	ssyncset.done @!p1 $0x0  }
0xa2: {  	[sflag:s5] =	ssyncadd.s32 @!p1 s24;
	s5 =	sshrl.u32 @!p1 s20, $0x3;
	s0 =	ssub.s32 @!p1 s0, s3  }
0xa3: {  	s24 =	sand.u32 @!p1 $0x7, s20;
	s5 =	sadd.s32 @!p1 s5, s15;
	s0 =	smul.u32 @!p1 $0x3C0, s0  }
0xa4: {  	[tilespmem:s23], [sflag:$0xB] =	stream.linear.gather @!p1 [hbm4b:s5+s24], s2, $0x38;
	[tilespmem:$0x1F6F8] =	vst v63  }
0xa5: {  	s3 =	ssub.s32 @!p1 $0x20000, s20;
	s2 =	smul.u32 @!p1 $0x1E000, s4  }
0xa6: {  	p2 =	slt.s32 @!p1 s3, $0xF0  }
0xa7: {  	p2 =	por !p2, p1;
	s0 =	sshrl.u32 @!p1 s0, $0x2;
	s2 =	sshrl.u32 @!p1 s2, $0x2  }
0xa8: {  	s3 =	simm.s32 @p2 $0xF0;
	s0 =	sadd.s32 @!p1 $0x10248, s0;
	s2 =	sor.u32 @!p1 $0x106F8, s2  }
0xa9: {  	[tilespmem:s2], [sflag:$0x9] =	stream.indirect.gather @!p1 [hbm4b:s9+s3], $0x80, s0, s3, $0xb8;
	[tilespmem:$0x1F6F8] =	vst v63  }
0xaa: {  	p1 =	slt.u32 s21, $0x2  }
.Ltmp8:
0xab: {  	_ = 	snop;
	(pc) =	sbr.rel @p1 .LBB3_21-.Ltmp8, $1  }
0xac: {  	_ =	sdelay $0x3  }
0xad: {  	p1 =	sgt.s32 s22, $0x1FF10  }
0xae: {  	s0 =	smov.u32 s22;
	s2 =	sshra.s32 s22, $0x1F;
	s3 =	ssub.s32 $0x20000, s22  }
0xaf: {  	s0 =	simm.s32 @!p1 $0x1FF10;
	s2 =	sand.u32 s2, s22;
	p1 =	slt.s32 s3, $0xF0  }
0xb0: {  	s0 =	ssub.s32 s0, s2;
	s3 =	simm.s32 @!p1 $0xF0  }
0xb1: {  	s0 =	sadd.s32 $0xFFFE00F0, s0;
	s25 =	sshll.u32 s3, $0x7  }
0xb2: {  	s26 =	sshll.u32 s0, $0x2;
	s2 =	sand.u32 $0x3FFFFF80, s25  }
0xb3: {  	p1 =	sgt.s32 s0, $0xEF;
	s29 =	ssub.s32 $0x3C0, s26;
	_ =	swait.ge [sflag:s10], s2  }
0xb4: {  	s2 =	ssub.s32 $0x0, s2;
	[sflag:s10] =	ssyncset.done $0x0;
	s0 =	sshrl.u32 s29, $0x2  }
0xb5: {  	[sflag:s10] =	ssyncadd.s32 s2;
	s0 =	simm.s32 @p1 $0x0  }
0xb6: {  	_ =	swait.ge [sflag:s11], s0  }
0xb7: {  	s0 =	ssub.s32 $0x0, s0;
	[sflag:s11] =	ssyncset.done $0x0  }
0xb8: {  	[sflag:s11] =	ssyncadd.s32 s0  }
0xb9: {  	v1 =	vld [tilespmem:$0xF208];
	_ =	sdelay $0x4  }
0xba: {  	(v2sf) =	vpush v1, $0x0  }
0xbb: {  	(v2sf) =	vpush v1, $0x1  }
0xbc: {  	(v2sf) =	vpush v1, $0x2;
	_ =	sdelay $0x3  }
0xbd: {  	s0 =	sadd.s32 $0xF0, s22  }
0xbe: {  	s2 =	ssub.s32 $0x40000, s22;
	p1 =	slt.s32 s8, s0  }
0xbf: {  	s0 =	smov.u32 @p1 s8;
	p1 =	sgt.s32 s2, $0x0  }
0xc0: {  	s26 =	ssub.s32 s0, s22;
	s2 =	simm.s32 @!p1 $0x0  }
0xc1: {  	p1 =	slt.s32 s2, s26  }
0xc2: {  	s26 =	smov.u32 @p1 s2  }
0xc3: {  	s25 =	simm.s32 $0x1;
	p1 =	slt.s32 s26, $0x1  }
.Ltmp9:
0xc4: {  	s25 =	simm.s32 @!p0 $0x0;
	(pc) =	sbr.rel @p1 .LBB3_8-.Ltmp9, $4  }
0xc5: {  	s31 =	smul.u32 $0x3C0, s25  }
0xc6: {  	s28 =	spop (v2sf)  }
0xc7: {  	s0 =	sshrl.u32 s31, $0x2;
	s30 =	spop (v2sf)  }
0xc8: {  	s23 =	sadd.s32 $0x10518, s0;
	s22 =	spop (v2sf)  }
0xc9: {  	s0 =	smin.u32 s26, $0x10  }
0xca: {  	v1 =	vmov s0  }
0xcb: {  	p2 =	sgt.s32 s26, $0x10;
	vm1 =	vgt.u32 v1, v0  }
.Ltmp10:
0xcc: {  	_ = 	snop;
	(pc) =	sbr.rel @!p2 .LBB3_7-.Ltmp10, $2  }
0xcd: {  	_ =	sdelay $0x2  }
0xce: {  	s4 =	simm.s32 $0x10;
	s24 =	sadd.s32 $0xFFFFFFF0, s26;
	s0 =	smov.u32 s23;
	vm0 =	vmmov vm1  }
.LBB3_6:
0xcf: {  	s2 =	smin.u32 s24, $0x10;
	s4 =	sadd.s32 $0x10, s4;
	v1 =	vld.msk [tilespmem:s0+$0x0 ss:$0x1], vm1  }
0xd0: {  	v2 =	vmov s2;
	p2 =	slt.s32 s4, s26  }
0xd1: {  	vm1 =	vgt.u32 v2, v0  }
.Ltmp11:
0xd2: {  	(pc) =	sbr.rel @p2 .LBB3_6-.Ltmp11, $3  }
0xd3: {  	_ =	sdelay $0x1  }
0xd4: {  	v1 =	vshll.u32 v1, $0x4  }
0xd5: {  	s24 =	sadd.s32 $0xFFFFFFF0, s24;
	[tilespmem:s0+$0x0] =	vst.msk vm0, v1;
	s0 =	sadd.s32 $0x10, s0;
	vm0 =	vmmov vm1  }
.LBB3_7:
0xd6: {  	_ =	sdelay $0x4  }
0xd7: {  	v1 =	vld.msk [tilespmem:s0+$0x0 ss:$0x1], vm1;
	_ =	sdelay $0x4  }
0xd8: {  	v1 =	vshll.u32 v1, $0x4  }
0xd9: {  	[tilespmem:s0+$0x0] =	vst.msk vm0, v1  }
.LBB3_8:
0xda: {  	s0 =	sand.u32 $0x1, s21  }
0xdb: {  	s0 =	smul.u32 $0xF0, s0  }
0xdc: {  	p2 =	sne.s32 s30, $0xFFFFFFFF  }
0xdd: {  	v1 =	vld.msk @!p2 [tilespmem:s0+$0x10518], $0x1;
	_ =	sdelay $0x4  }
0xde: {  	(v2sf) =	vpush @!p2 v1, $0x0;
	_ =	sdelay $0xc  }
.Ltmp12:
0xdf: {  	_ = 	snop;
	(pc) =	sbr.rel @p1 .LBB3_19-.Ltmp12, $4  }
0xe0: {  	_ = 	snop  }
0xe1: {  	s29 =	spop @!p2 (v2sf)  }
0xe2: {  	s22 =	simm.s32 @!p2 $0x0;
	s24 =	smov.u32 s29  }
0xe3: {  	[sflag:s18] =	ssyncpa.u1 $0x0;
	s29 =	smov.u32 @p2 s28;
	s24 =	smov.u32 @p2 s30  }
0xe4: {  	v1 =	vld.msk [tilespmem:s23+$0x0], $0x1;
	_ =	sdelay $0x4  }
0xe5: {  	(v2sf) =	vpush v1, $0x0;
	_ =	sdelay $0xe  }
0xe6: {  	s2 =	smul.u32 $0x1E000, s25;
	s0 =	spop (v2sf)  }
0xe7: {  	s26 =	ssub.s32 $0x0, s26;
	p1 =	seq.s32 s29, s0  }
0xe8: {  	s30 =	sadd.s32 $0x1, s26;
	s2 =	sshrl.u32 s2, $0x2;
	p2 =	sgt.s32 @!p1 s29, $0x0  }
0xe9: {  	s25 =	sor.u32 $0x10738, s2;
	s2 =	smov.u32 s29;
	p2 =	por !p2, p1  }
0xea: {  	s2 =	simm.s32 @p2 $0x0;
	p2 =	seq.s32 s30, $0x0  }
.Ltmp13:
0xeb: {  	_ = 	snop;
	(pc) =	sbr.rel @p2 .LBB3_11-.Ltmp13, $4  }
0xec: {  	_ = 	snop  }
0xed: {  	s28 =	simm.s32 $0x0;
	s31 =	sadd.s32 $0x1, s23;
	s2 =	smin.u32 @!p1 s2, $0x3FFFF0  }
0xee: {  	s4 =	simm.s32 @!p1 $0x1;
	s5 =	simm.s32 @!p1 $0x7988;
	s3 =	sand.u32 @!p1 $0x3FFFF8, s2  }
0xef: {  	s4 =	smov.u32 @p1 s28;
	s2 =	sand.u32 @!p1 $0x7, s2;
	s3 =	sadd.s32 @!p1 s1, s3  }
.LBB3_10:
0xf0: {  	s6 =	smov.u32 s4  }
0xf1: {  	[tilespmem:s5], [sflag:$0x2] =	stream.linear.gather @!p1 [hbm4b:s3+s2], $0x80, $0x38;
	[tilespmem:$0x1F6F8] =	vst v63  }
0xf2: {  	s30 =	sadd.s32 $0x1, s30;
	s2 =	smov.u32 s0;
	v1 =	vld.msk [tilespmem:s31+$0x0], $0x1  }
0xf3: {  	p2 =	seq.s32 s30, $0x0;
	_ =	sdelay $0x3  }
0xf4: {  	(v2sf) =	vpush v1, $0x0;
	_ =	sdelay $0xe  }
0xf5: {  	s0 =	spop (v2sf)  }
0xf6: {  	p1 =	seq.s32 s2, s0  }
0xf7: {  	p3 =	sgt.s32 @!p1 s2, $0x0;
	s3 =	sshll.u32 @!p1 s4, $0x9;
	s4 =	sadd.s32 @!p1 $0x1, s4  }
.Ltmp14:
0xf8: {  	p3 =	por !p3, p1;
	s3 =	sshra.s32 @!p1 s3, $0x2;
	(pc) =	sbr.rel @!p2 .LBB3_10-.Ltmp14, $4  }
0xf9: {  	s4 =	smov.u32 @p1 s6;
	s2 =	simm.s32 @p3 $0x0;
	s5 =	sadd.s32 @!p1 $0x7988, s3  }
0xfa: {  	s2 =	smin.u32 @!p1 s2, $0x3FFFF0  }
0xfb: {  	s3 =	sand.u32 @!p1 $0x3FFFF8, s2;
	s2 =	sand.u32 @!p1 $0x7, s2  }
0xfc: {  	s31 =	sadd.s32 $0x1, s31;
	s3 =	sadd.s32 @!p1 s1, s3  }
.LBB3_11:
0xfd: {  	[tilespmem:s5], [sflag:$0x2] =	stream.linear.gather @!p1 [hbm4b:s3+s2], $0x80, $0x38;
	[tilespmem:$0x1F6F8] =	vst v63  }
.Ltmp15:
0xfe: {  	s0 =	sshll.u32 s4, $0x7;
	(pc) =	sbr.rel .LBB3_12-.Ltmp15, $4  }
0xff: {  	s30 =	simm.s32 $0x2;
	s0 =	sand.u32 $0x3FFFFF80, s0  }
0x100: {  	_ =	swait.ge [sflag:s30], s0  }
0x101: {  	s0 =	ssub.s32 $0x0, s0;
	[sflag:s30] =	ssyncset.done $0x0  }
0x102: {  	s31 =	simm.s32 $0x0;
	[sflag:s30] =	ssyncadd.s32 s0  }
.LBB3_13:
0x103: {  	v1 =	vld [tilespmem:s25+$0xFFFFFFC0];
	_ =	sdelay $0x3  }
0x104: {  	s0 =	sshra.s32 s0, $0x2  }
0x105: {  	[tilespmem:s0+$0x108] =	vst.add.f32.msk $0xffff, v1  }
0x106: {  	v1 =	vld [tilespmem:s25+$0xFFFFFFD0];
	_ =	sdelay $0x4  }
0x107: {  	[tilespmem:s0+$0x118] =	vst.add.f32.msk $0xffff, v1  }
0x108: {  	v1 =	vld [tilespmem:s25+$0xFFFFFFE0];
	_ =	sdelay $0x4  }
0x109: {  	[tilespmem:s0+$0x128] =	vst.add.f32.msk $0xffff, v1  }
0x10a: {  	v1 =	vld [tilespmem:s25+$0xFFFFFFF0];
	_ =	sdelay $0x4  }
0x10b: {  	[tilespmem:s0+$0x138] =	vst.add.f32.msk $0xffff, v1  }
0x10c: {  	v1 =	vld [tilespmem:s25+$0x0];
	_ =	sdelay $0x4  }
0x10d: {  	[tilespmem:s0+$0x148] =	vst.add.f32.msk $0xffff, v1  }
0x10e: {  	v1 =	vld [tilespmem:s25+$0x10];
	_ =	sdelay $0x4  }
0x10f: {  	[tilespmem:s0+$0x158] =	vst.add.f32.msk $0xffff, v1  }
0x110: {  	v1 =	vld [tilespmem:s25+$0x20];
	_ =	sdelay $0x4  }
0x111: {  	[tilespmem:s0+$0x168] =	vst.add.f32.msk $0xffff, v1  }
0x112: {  	v1 =	vld [tilespmem:s25+$0x30];
	_ =	sdelay $0x4  }
0x113: {  	[tilespmem:s0+$0x178] =	vst.add.f32.msk $0xffff, v1  }
.LBB3_17:
0x114: {  	s26 =	sadd.s32 $0x1, s26  }
0x115: {  	p1 =	seq.s32 s26, $0x0  }
.Ltmp16:
0x116: {  	_ = 	snop;
	(pc) =	sbr.rel @p1 .LBB3_18-.Ltmp16, $2  }
0x117: {  	_ =	sdelay $0x2  }
0x118: {  	s23 =	sadd.s32 $0x1, s23;
	s25 =	sadd.s32 $0x80, s25;
	s29 =	smov.u32 s30  }
.LBB3_12:
0x119: {  	v1 =	vld.msk [tilespmem:s23+$0x0], $0x1;
	_ =	sdelay $0x4  }
0x11a: {  	(v2sf) =	vpush v1, $0x0;
	_ =	sdelay $0xe  }
0x11b: {  	s30 =	spop (v2sf)  }
0x11c: {  	p1 =	sne.s32 s29, s30  }
.Ltmp17:
0x11d: {  	_ = 	snop;
	(pc) =	sbr.rel @!p1 .LBB3_13-.Ltmp17, $2  }
0x11e: {  	_ =	sdelay $0x2  }
0x11f: {  	s0 =	sshll.u32 s22, $0x9  }
0x120: {  	p1 =	seq.s32 s29, s24  }
.Ltmp18:
0x121: {  	_ = 	snop;
	(pc) =	sbr.rel @!p1 .LBB3_15-.Ltmp18, $1  }
0x122: {  	_ =	sdelay $0x3  }
0x123: {  	s0 =	sshra.s32 s0, $0x2  }
.Ltmp19:
0x124: {  	s0 =	sadd.s32 $0x108, s0;
	(pc) =	sbr.rel .LBB3_16-.Ltmp19, $4  }
0x125: {  	[spmem:s16] =	stream.linear.scatter [tilespmem:s0], [sflag:$0x1], $0x80, $0x38;
	[tilespmem:$0x1F6F8] =	vst v63  }
0x126: {  	_ =	swait.ge [sflag:s12], $0x80  }
0x127: {  	[sflag:s12] =	ssyncset.done $0x0  }
0x128: {  	[sflag:s12] =	ssyncadd.s32 $0xFFFFFF80  }
.LBB3_15:
0x129: {  	s2 =	sshll.u32 s28, $0x9  }
0x12a: {  	s2 =	sshra.s32 s2, $0x2  }
0x12b: {  	v1 =	vld [tilespmem:s2+$0x7988];
	_ =	sdelay $0x3  }
0x12c: {  	s0 =	sshra.s32 s0, $0x2  }
0x12d: {  	[tilespmem:s0+$0x108] =	vst.add.f32.msk $0xffff, v1  }
0x12e: {  	v1 =	vld [tilespmem:s2+$0x7998];
	_ =	sdelay $0x4  }
0x12f: {  	[tilespmem:s0+$0x118] =	vst.add.f32.msk $0xffff, v1  }
0x130: {  	v1 =	vld [tilespmem:s2+$0x79A8];
	_ =	sdelay $0x4  }
0x131: {  	[tilespmem:s0+$0x128] =	vst.add.f32.msk $0xffff, v1  }
0x132: {  	v1 =	vld [tilespmem:s2+$0x79B8];
	_ =	sdelay $0x4  }
0x133: {  	[tilespmem:s0+$0x138] =	vst.add.f32.msk $0xffff, v1  }
0x134: {  	v1 =	vld [tilespmem:s2+$0x79C8];
	_ =	sdelay $0x4  }
0x135: {  	[tilespmem:s0+$0x148] =	vst.add.f32.msk $0xffff, v1  }
0x136: {  	v1 =	vld [tilespmem:s2+$0x79D8];
	_ =	sdelay $0x4  }
0x137: {  	[tilespmem:s0+$0x158] =	vst.add.f32.msk $0xffff, v1  }
0x138: {  	v1 =	vld [tilespmem:s2+$0x79E8];
	_ =	sdelay $0x4  }
0x139: {  	[tilespmem:s0+$0x168] =	vst.add.f32.msk $0xffff, v1  }
0x13a: {  	v1 =	vld [tilespmem:s2+$0x79F8];
	_ =	sdelay $0x2  }
0x13b: {  	p1 =	sgt.u32 s29, $0x3FFFF0  }
0x13c: {  	s2 =	sand.u32 @!p1 $0x3FFFF8, s29  }
0x13d: {  	s3 =	sadd.s32 $0x108, s0;
	[tilespmem:s0+$0x178] =	vst.add.f32.msk $0xffff, v1;
	s0 =	sadd.s32 @!p1 s1, s2;
	s2 =	sand.u32 @!p1 $0x7, s29  }
0x13e: {  	[hbm4b:s0+s2] =	stream.linear.scatter @!p1 [tilespmem:s3], [sflag:$0xC], $0x80, $0x38;
	[tilespmem:$0x1F6F8] =	vst v63  }
0x13f: {  	s0 =	simm.s32 $0x0  }
0x140: {  	s0 =	simm.s32 @!p1 $0x200  }
0x141: {  	s31 =	sadd.s32 s0, s31  }
.LBB3_16:
0x142: {  	s0 =	sadd.s32 $0x1, s22  }
0x143: {  	s2 =	smulhi.u32 $0x88888889, s0;
	_ =	sdelay $0x1  }
0x144: {  	v1 =	vld [tilespmem:s25+$0xFFFFFFC0];
	s2 =	sshrl.u32 s2, $0x7  }
0x145: {  	s2 =	smul.u32 $0xF0, s2;
	_ =	sdelay $0x1  }
0x146: {  	s22 =	ssub.s32 s0, s2  }
0x147: {  	s0 =	sshll.u32 s22, $0x7  }
0x148: {  	[tilespmem:s0+$0x108] =	vst v1  }
0x149: {  	v1 =	vld [tilespmem:s25+$0xFFFFFFD0];
	_ =	sdelay $0x4  }
0x14a: {  	[tilespmem:s0+$0x118] =	vst v1  }
0x14b: {  	v1 =	vld [tilespmem:s25+$0xFFFFFFE0];
	_ =	sdelay $0x4  }
0x14c: {  	[tilespmem:s0+$0x128] =	vst v1  }
0x14d: {  	v1 =	vld [tilespmem:s25+$0xFFFFFFF0];
	_ =	sdelay $0x4  }
0x14e: {  	[tilespmem:s0+$0x138] =	vst v1  }
0x14f: {  	v1 =	vld [tilespmem:s25+$0x0];
	_ =	sdelay $0x4  }
0x150: {  	[tilespmem:s0+$0x148] =	vst v1  }
0x151: {  	v1 =	vld [tilespmem:s25+$0x10];
	_ =	sdelay $0x4  }
0x152: {  	[tilespmem:s0+$0x158] =	vst v1  }
0x153: {  	v1 =	vld [tilespmem:s25+$0x20];
	_ =	sdelay $0x4  }
0x154: {  	[tilespmem:s0+$0x168] =	vst v1  }
0x155: {  	v1 =	vld [tilespmem:s25+$0x30]  }
.Ltmp20:
0x156: {  	_ = 	snop;
	(pc) =	sbr.rel .LBB3_17-.Ltmp20, $2  }
0x157: {  	_ =	sdelay $0x2  }
0x158: {  	s28 =	sadd.s32 $0x1, s28;
	[tilespmem:s0+$0x178] =	vst v1  }
.LBB3_19:
.Ltmp21:
0x159: {  	(pc) =	sbr.rel .LBB3_20-.Ltmp21, $4  }
0x15a: {  	_ = 	snop  }
0x15b: {  	s0 =	simm.s32 $0x2  }
0x15c: {  	_ =	swait.ge [sflag:s0], $0x0  }
0x15d: {  	s30 =	smov.u32 s29;
	[sflag:s0] =	ssyncset.done $0x0;
	s0 =	simm.s32 $0x0  }
.LBB3_22:
0x15e: {  	_ =	sfence.sel $0x180000  }
0x15f: {  	s0 =	simm.s32 $0x9;
	[bflag:$0x0] =	sbarrier.arrive $0xFFFF  }
0x160: {  	s24 =	simm.s32 $0xA;
	[sflag:s0] =	ssyncpa.u1 $0x1  }
0x161: {  	s25 =	simm.s32 $0xB;
	[sflag:s24] =	ssyncpa.u1 $0x1  }
0x162: {  	s26 =	simm.s32 $0x2;
	[sflag:s25] =	ssyncpa.u1 $0x1  }
0x163: {  	[sflag:s26] =	ssyncpa.u1 $0x1  }
0x164: {  	v0 =	vld [tilespmem:$0xF208];
	_ =	sdelay $0x4  }
0x165: {  	(v2sf) =	vpush v0, $0x0  }
0x166: {  	(v2sf) =	vpush v0, $0x1;
	_ =	sdelay $0x1  }
0x167: {  	(v2sf) =	vpush v0, $0x2;
	_ =	sdelay $0xb  }
0x168: {  	s0 =	spop (v2sf)  }
0x169: {  	s2 =	spop (v2sf)  }
0x16a: {  	s3 =	smov.u32 s0;
	p0 =	sne.s32 s0, s2  }
0x16b: {  	s4 =	spop (v2sf);
	s3 =	simm.s32 @!p0 $0xFFFFFFFF  }
0x16c: {  	v2 =	vimm.s32 $0x1;
	v3 =	vlaneseq.u32;
	p0 =	seq.s32 s4, $0xFFFFFFFF;
	v1 =	vmov s3  }
0x16d: {  	s16 =	stileid.u32;
	v0 =	vperm.xlane v0, v2;
	p1 =	sne.s32 @!p0 s0, s2;
	v1 =	vperm.xlane v1, v3  }
0x16e: {  	vm0 =	vcmask $0x3F04;
	s6 =	simm.s32 $0xF208;
	s0 =	simm.s32 @!p0 $0x1;
	p1 =	por !p1, p0  }
0x16f: {  	s3 =	sshll.u32 s16, $0x1;
	s2 =	sshll.u32 @!p0 s4, $0x9;
	s0 =	simm.s32 @p1 $0x0;
	v0 =	vsel vm0, v1, v0  }
0x170: {  	s5 =	sor.u32 $0x1000, s3;
	s2 =	sshra.s32 @!p0 s2, $0x2;
	s0 =	sor.u32 @!p0 s0, s3;
	[tilespmem:$0xF208] =	vst v0  }
0x171: {  	[spmem:s5] =	stream.linear.scatter [tilespmem:s6], [sflag:$0x1], $0x2, $0x38;
	[tilespmem:$0x1F6F8] =	vst v63  }
0x172: {  	s2 =	sadd.s32 @!p0 $0x108, s2;
	s0 =	sshll.u32 @!p0 s0, $0x7  }
0x173: {  	[spmem:s0] =	stream.linear.scatter @!p0 [tilespmem:s2], [sflag:$0x1], $0x80, $0x38;
	[tilespmem:$0x1F6F8] =	vst v63  }
0x174: {  	s0 =	simm.s32 @!p0 $0x82  }
0x175: {  	s28 =	simm.s32 $0x1;
	s0 =	simm.s32 @p0 $0x2  }
0x176: {  	_ =	swait.ge [sflag:s28], s0  }
0x177: {  	s0 =	ssub.s32 $0x0, s0;
	[sflag:s28] =	ssyncset.done $0x0  }
0x178: {  	p0 =	sne.s32 s16, $0x0;
	[sflag:s28] =	ssyncadd.s32 s0  }
.Ltmp22:
0x179: {  	_ =	sfence.stream.spmem;
	(pc) =	sbr.rel @p0 .LBB3_39-.Ltmp22, $4  }
0x17a: {  	s29 =	simm.s32 $0x3;
	[bflag:$0x0] =	sbarrier.arrive $0xFFFF  }
0x17b: {  	s30 =	simm.s32 $0x4;
	[sflag:s29] =	ssyncpa.u1 $0x1  }
0x17c: {  	s31 =	simm.s32 $0x3C;
	[sflag:s30] =	ssyncpa.u1 $0x1  }
0x17d: {  	s15 =	rddreg [dreg:$0x5];
	[sflag:s31] =	ssyncpa.u1 $0x1  }
0x17e: {  	_ =	sfence.stream.spmem;
	s0 =	simm.s32 $0x5  }
0x17f: {  	s2 =	simm.s32 $0x1000;
	s3 =	simm.s32 $0xF218;
	[sflag:s0] =	ssyncpa.u1 $0x0  }
0x180: {  	[tilespmem:s3], [sflag:$0x5] =	stream.linear.gather [spmem:s2], $0x20, $0x38;
	[tilespmem:$0x1F6F8] =	vst v63  }
0x181: {  	s26 =	simm.s32 $0x0;
	s28 =	simm.s32 $0xF238  }
0x182: {  	[tilespmem:s28], [sflag:$0x5] =	stream.linear.gather [spmem:s26], $0x1000, $0x38;
	[tilespmem:$0x1F6F8] =	vst v63  }
0x183: {  	_ =	swait.ge [sflag:s0], $0x1020  }
0x184: {  	[sflag:s0] =	ssyncset.done $0x0  }
0x185: {  	s29 =	simm.s32 $0x0;
	[sflag:s0] =	ssyncadd.s32 $0xFFFFEFE0  }
0x186: {  	v0 =	vld.msk [tilespmem:s29+$0xF218], $0x1;
	_ =	sdelay $0x1  }
0x187: {  	s30 =	simm.s32 $0x1  }
0x188: {  	v1 =	vld.msk [tilespmem:s30+$0xF218], $0x1;
	_ =	sdelay $0x1  }
0x189: {  	(v2sf) =	vpush v0, $0x0;
	_ =	sdelay $0x2  }
0x18a: {  	(v2sf) =	vpush v1, $0x0;
	_ =	sdelay $0x2  }
0x18b: {  	s31 =	simm.s32 $0x2  }
0x18c: {  	v0 =	vld.msk [tilespmem:s31+$0xF218], $0x1;
	_ =	sdelay $0x2  }
0x18d: {  	s4 =	simm.s32 $0xFFFFFFFF;
	s5 =	simm.s32 $0xFFFFFFFF;
	s0 =	simm.s32 $0xC  }
.LBB3_24:
0x18e: {  	s2 =	smov.u32 s5;
	s3 =	smov.u32 s4  }
0x18f: {  	s4 =	sshra.s32 s0, $0x2;
	p1 =	sne.s32 s0, $0x7C;
	s0 =	sadd.s32 $0x4, s0;
	(v2sf) =	vpush v0, $0x0  }
0x190: {  	v0 =	vld.msk [tilespmem:s4+$0xF218], $0x1  }
.Ltmp23:
0x191: {  	(pc) =	sbr.rel @p1 .LBB3_24-.Ltmp23, $4  }
0x192: {  	s5 =	spop (v2sf)  }
0x193: {  	p2 =	sne.s32 s3, $0xFFFFFFFF;
	s4 =	smov.u32 s5  }
0x194: {  	p3 =	seq.s32 s5, $0xFFFFFFFF;
	s4 =	smov.u32 @p2 s3  }
0x195: {  	s5 =	smov.u32 @p3 s2;
	s4 =	smov.u32 @p3 s3  }
0x196: {  	(v2sf) =	vpush v0, $0x0;
	_ =	sdelay $0x8  }
0x197: {  	s0 =	spop (v2sf)  }
0x198: {  	p1 =	sne.s32 s4, $0xFFFFFFFF;
	s2 =	smov.u32 s0  }
0x199: {  	s9 =	simm.s32 $0x6;
	p2 =	seq.s32 s0, $0xFFFFFFFF;
	s2 =	smov.u32 @p1 s4  }
0x19a: {  	s6 =	simm.s32 $0x0;
	s2 =	smov.u32 @p2 s4;
	s3 =	spop (v2sf)  }
0x19b: {  	s0 =	smov.u32 @p2 s5;
	p1 =	sne.s32 s2, $0xFFFFFFFF;
	s4 =	smov.u32 s3  }
.Ltmp24:
0x19c: {  	p2 =	seq.s32 s3, $0xFFFFFFFF;
	s4 =	smov.u32 @p1 s2;
	(pc) =	sbr.rel .LBB3_26-.Ltmp24, $4  }
0x19d: {  	s10 =	simm.s32 $0xF188;
	s4 =	smov.u32 @p2 s2;
	s7 =	spop (v2sf)  }
0x19e: {  	s11 =	simm.s32 $0x0;
	p1 =	sne.s32 s4, $0xFFFFFFFF;
	s8 =	smov.u32 s7  }
0x19f: {  	s3 =	smov.u32 @p2 s0;
	p2 =	seq.s32 s7, $0xFFFFFFFF;
	s8 =	smov.u32 @p1 s4  }
0x1a0: {  	[sflag:s9] =	ssyncpa.u1 $0x0;
	s7 =	smov.u32 @p2 s3;
	s8 =	smov.u32 @p2 s4  }
.LBB3_32:
0x1a1: {  	p1 =	sgt.u32 s12, $0x3FFFF0  }
0x1a2: {  	p2 =	seq.s32 @!p1 s12, s8  }
0x1a3: {  	p1 =	por p1, p2  }
0x1a4: {  	p2 =	sne.s32 @!p1 s12, s7  }
0x1a5: {  	p1 =	por p1, !p2  }
0x1a6: {  	s0 =	sshll.u32 @p1 s11, $0x9  }
0x1a7: {  	s0 =	sand.u32 @!p1 $0x3FFFF8, s12  }
0x1a8: {  	s2 =	sand.u32 @!p1 $0x7, s12;
	s0 =	sadd.s32 @!p1 s1, s0  }
0x1a9: {  	[tilespmem:s10], [sflag:$0x6] =	stream.linear.gather @!p1 [hbm4b:s0+s2], $0x80, $0x38;
	[tilespmem:$0x1F6F8] =	vst v63  }
0x1aa: {  	_ =	swait.ge @!p1 [sflag:s9], $0x80  }
0x1ab: {  	[sflag:s9] =	ssyncset.done @!p1 $0x0  }
0x1ac: {  	[sflag:s9] =	ssyncadd.s32 @!p1 $0xFFFFFF80  }
0x1ad: {  	v1 =	vld @!p1 [tilespmem:$0xF188];
	_ =	sdelay $0x2  }
0x1ae: {  	s0 =	sshll.u32 @!p1 s11, $0x9  }
0x1af: {  	s2 =	sshrl.u32 @!p1 s0, $0x2  }
0x1b0: {  	[tilespmem:s2+$0xF238] =	vst.add.f32.msk @!p1 $0xffff, v1  }
0x1b1: {  	v1 =	vld @!p1 [tilespmem:$0xF198];
	_ =	sdelay $0x4  }
0x1b2: {  	[tilespmem:s2+$0xF248] =	vst.add.f32.msk @!p1 $0xffff, v1  }
0x1b3: {  	v1 =	vld @!p1 [tilespmem:$0xF1A8];
	_ =	sdelay $0x4  }
0x1b4: {  	[tilespmem:s2+$0xF258] =	vst.add.f32.msk @!p1 $0xffff, v1  }
0x1b5: {  	v1 =	vld @!p1 [tilespmem:$0xF1B8];
	_ =	sdelay $0x4  }
0x1b6: {  	[tilespmem:s2+$0xF268] =	vst.add.f32.msk @!p1 $0xffff, v1  }
0x1b7: {  	v1 =	vld @!p1 [tilespmem:$0xF1C8];
	_ =	sdelay $0x4  }
0x1b8: {  	[tilespmem:s2+$0xF278] =	vst.add.f32.msk @!p1 $0xffff, v1  }
0x1b9: {  	v1 =	vld @!p1 [tilespmem:$0xF1D8];
	_ =	sdelay $0x4  }
0x1ba: {  	[tilespmem:s2+$0xF288] =	vst.add.f32.msk @!p1 $0xffff, v1  }
0x1bb: {  	v1 =	vld @!p1 [tilespmem:$0xF1E8];
	_ =	sdelay $0x4  }
0x1bc: {  	[tilespmem:s2+$0xF298] =	vst.add.f32.msk @!p1 $0xffff, v1  }
0x1bd: {  	v1 =	vld @!p1 [tilespmem:$0xF1F8];
	_ =	sdelay $0x4  }
0x1be: {  	[tilespmem:s2+$0xF2A8] =	vst.add.f32.msk @!p1 $0xffff, v1  }
0x1bf: {  	s0 =	sshrl.u32 s0, $0x2;
	[tilespmem:s6+$0xF218] =	vst.msk $0x1, v0  }
0x1c0: {  	v0 =	vld [tilespmem:s0+$0xF238];
	_ =	sdelay $0x2  }
0x1c1: {  	s31 =	sshll.u32 s6, $0x9  }
0x1c2: {  	s2 =	sshra.s32 s31, $0x2  }
0x1c3: {  	[tilespmem:s2+$0xF238] =	vst v0  }
0x1c4: {  	v0 =	vld [tilespmem:s0+$0xF248];
	_ =	sdelay $0x4  }
0x1c5: {  	[tilespmem:s2+$0xF248] =	vst v0  }
0x1c6: {  	v0 =	vld [tilespmem:s0+$0xF258];
	_ =	sdelay $0x4  }
0x1c7: {  	[tilespmem:s2+$0xF258] =	vst v0  }
0x1c8: {  	v0 =	vld [tilespmem:s0+$0xF268];
	_ =	sdelay $0x4  }
0x1c9: {  	[tilespmem:s2+$0xF268] =	vst v0  }
0x1ca: {  	v0 =	vld [tilespmem:s0+$0xF278];
	_ =	sdelay $0x4  }
0x1cb: {  	[tilespmem:s2+$0xF278] =	vst v0  }
0x1cc: {  	v0 =	vld [tilespmem:s0+$0xF288];
	_ =	sdelay $0x4  }
0x1cd: {  	[tilespmem:s2+$0xF288] =	vst v0  }
0x1ce: {  	v0 =	vld [tilespmem:s0+$0xF298];
	_ =	sdelay $0x4  }
0x1cf: {  	[tilespmem:s2+$0xF298] =	vst v0  }
0x1d0: {  	v0 =	vld [tilespmem:s0+$0xF2A8];
	_ =	sdelay $0x4  }
0x1d1: {  	s6 =	sadd.s32 $0x1, s6;
	[tilespmem:s2+$0xF2A8] =	vst v0  }
.LBB3_33:
0x1d2: {  	s11 =	sadd.s32 $0x1, s11  }
0x1d3: {  	p1 =	sne.s32 s11, $0x20  }
.Ltmp25:
0x1d4: {  	_ = 	snop;
	(pc) =	sbr.rel @!p1 .LBB3_34-.Ltmp25, $1  }
0x1d5: {  	_ =	sdelay $0x3  }
.LBB3_26:
0x1d6: {  	v0 =	vld.msk [tilespmem:s11+$0xF218], $0x1;
	_ =	sdelay $0x4  }
0x1d7: {  	(v2sf) =	vpush v0, $0x0;
	_ =	sdelay $0xe  }
0x1d8: {  	s12 =	spop (v2sf)  }
0x1d9: {  	p1 =	seq.s32 s12, $0xFFFFFFFF  }
.Ltmp26:
0x1da: {  	_ = 	snop;
	(pc) =	sbr.rel @p1 .LBB3_33-.Ltmp26, $1  }
0x1db: {  	_ =	sdelay $0x3  }
0x1dc: {  	p1 =	slt.s32 s6, $0x1  }
.Ltmp27:
0x1dd: {  	_ = 	snop;
	(pc) =	sbr.rel @p1 .LBB3_32-.Ltmp27, $1  }
0x1de: {  	_ =	sdelay $0x3  }
0x1df: {  	s13 =	simm.s32 $0xF218;
	p1 =	por $0x0, $0x0  }
0x1e0: {  	v1 =	vld.msk @!p1 [tilespmem:s13+$0x0], $0x1;
	_ =	sdelay $0x4  }
0x1e1: {  	(v2sf) =	vpush @!p1 v1, $0x0;
	_ =	sdelay $0xd  }
0x1e2: {  	p3 =	sne.s32 s6, $0x1  }
.Ltmp28:
0x1e3: {  	s0 =	spop @!p1 (v2sf);
	(pc) =	sbr.rel @!p3 .LBB3_30-.Ltmp28, $4  }
0x1e4: {  	p2 =	seq.s32 @!p1 s12, s0  }
0x1e5: {  	s14 =	simm.s32 $0x0;
	p2 =	por !p2, p1  }
0x1e6: {  	s2 =	simm.s32 $0xFFFFFFFF;
	s14 =	simm.s32 @p2 $0xFFFFFFFF  }
0x1e7: {  	s0 =	simm.s32 $0x1;
	s14 =	smov.u32 @p1 s2  }
.LBB3_29:
0x1e8: {  	s2 =	smov.u32 s14;
	p1 =	sne.s32 s14, $0xFFFFFFFF  }
0x1e9: {  	s13 =	sadd.s32 $0x1, s13;
	s14 =	smov.u32 s0;
	s0 =	sadd.s32 $0x1, s0  }
0x1ea: {  	p2 =	sne.s32 s6, s0;
	v1 =	vld.msk @!p1 [tilespmem:s13+$0x0], $0x1;
	_ =	sdelay $0x4  }
0x1eb: {  	(v2sf) =	vpush @!p1 v1, $0x0;
	_ =	sdelay $0xe  }
.Ltmp29:
0x1ec: {  	s3 =	spop @!p1 (v2sf);
	(pc) =	sbr.rel @p2 .LBB3_29-.Ltmp29, $4  }
0x1ed: {  	p3 =	seq.s32 @!p1 s12, s3  }
0x1ee: {  	p3 =	por !p3, p1  }
0x1ef: {  	s14 =	simm.s32 @p3 $0xFFFFFFFF  }
0x1f0: {  	s14 =	smov.u32 @p1 s2  }
.LBB3_30:
0x1f1: {  	p1 =	seq.s32 s14, $0xFFFFFFFF  }
.Ltmp30:
0x1f2: {  	_ = 	snop;
	(pc) =	sbr.rel @p1 .LBB3_32-.Ltmp30, $1  }
0x1f3: {  	_ =	sdelay $0x3  }
0x1f4: {  	s0 =	sshll.u32 s11, $0x7  }
0x1f5: {  	s0 =	sand.u32 $0x3FFFFF80, s0  }
0x1f6: {  	v0 =	vld [tilespmem:s0+$0xF238];
	_ =	sdelay $0x2  }
0x1f7: {  	s2 =	sshll.u32 s14, $0x9  }
0x1f8: {  	s2 =	sshra.s32 s2, $0x2  }
0x1f9: {  	[tilespmem:s2+$0xF238] =	vst.add.f32.msk $0xffff, v0  }
0x1fa: {  	v0 =	vld [tilespmem:s0+$0xF248];
	_ =	sdelay $0x4  }
0x1fb: {  	[tilespmem:s2+$0xF248] =	vst.add.f32.msk $0xffff, v0  }
0x1fc: {  	v0 =	vld [tilespmem:s0+$0xF258];
	_ =	sdelay $0x4  }
0x1fd: {  	[tilespmem:s2+$0xF258] =	vst.add.f32.msk $0xffff, v0  }
0x1fe: {  	v0 =	vld [tilespmem:s0+$0xF268];
	_ =	sdelay $0x4  }
0x1ff: {  	[tilespmem:s2+$0xF268] =	vst.add.f32.msk $0xffff, v0  }
0x200: {  	v0 =	vld [tilespmem:s0+$0xF278];
	_ =	sdelay $0x4  }
0x201: {  	[tilespmem:s2+$0xF278] =	vst.add.f32.msk $0xffff, v0  }
0x202: {  	v0 =	vld [tilespmem:s0+$0xF288];
	_ =	sdelay $0x4  }
0x203: {  	[tilespmem:s2+$0xF288] =	vst.add.f32.msk $0xffff, v0  }
0x204: {  	v0 =	vld [tilespmem:s0+$0xF298];
	_ =	sdelay $0x4  }
0x205: {  	[tilespmem:s2+$0xF298] =	vst.add.f32.msk $0xffff, v0  }
0x206: {  	v0 =	vld [tilespmem:s0+$0xF2A8]  }
.Ltmp31:
0x207: {  	_ = 	snop;
	(pc) =	sbr.rel .LBB3_33-.Ltmp31, $2  }
0x208: {  	_ =	sdelay $0x2  }
0x209: {  	[tilespmem:s2+$0xF2A8] =	vst.add.f32.msk $0xffff, v0  }
.LBB3_34:
0x20a: {  	s0 =	simm.s32 $0x6;
	p1 =	seq.s32 s6, $0x0  }
0x20b: {  	[sflag:s0] =	ssyncpa.u1 $0x1;
	v0 =	vimm.s32 @p1 $0xFFFFFFFF  }
0x20c: {  	s9 =	sadd.s32 $0xFFFFFFFF, s6;
	[tilespmem:$0x10238] =	vst @p1 v0  }
0x20d: {  	v0 =	vld.msk @!p1 [tilespmem:s9+$0xF218], $0x1;
	_ =	sdelay $0x1  }
0x20e: {  	v1 =	vld.msk @!p1 [tilespmem:$0xF218], $0x1;
	_ =	sdelay $0x2  }
0x20f: {  	p2 =	seq.s32 @!p1 s9, $0x0;
	v0 =	vbroadcast @!p1 v0, $0x0  }
0x210: {  	vm0 =	vmmov @!p1 $0x1;
	p2 =	por !p2, p1  }
0x211: {  	v1 =	vnsel @!p1 vm0, $0xFFFFFFFF, v1;
	vm0 =	vcmask @!p1 $0x308;
	v0 =	vpsel !p2, $0xFFFFFFFF, v0  }
0x212: {  	p2 =	sne.s32 @!p1 s8, s7;
	v0 =	vsel @!p1 vm0, v1, v0  }
0x213: {  	s0 =	simm.s32 @!p1 $0xF238;
	s2 =	simm.s32 @!p1 $0x0;
	p3 =	por !p2, p1;
	[tilespmem:$0x10238] =	vst @!p1 v0  }
0x214: {  	[spmem:s2] =	stream.linear.scatter @!p1 [tilespmem:s0], [sflag:$0x1], $0x80, $0x38;
	[tilespmem:$0x1F6F8] =	vst v63  }
0x215: {  	s0 =	sshll.u32 @!p3 s9, $0x9  }
0x216: {  	s0 =	sshra.s32 @!p3 s0, $0x2  }
0x217: {  	s2 =	simm.s32 @!p3 $0x80;
	s0 =	sadd.s32 @!p3 $0xF238, s0  }
0x218: {  	[spmem:s2] =	stream.linear.scatter @!p3 [tilespmem:s0], [sflag:$0x1], $0x80, $0x38;
	[tilespmem:$0x1F6F8] =	vst v63  }
0x219: {  	s0 =	simm.s32 @!p3 $0x1  }
0x21a: {  	_ =	swait.ge @!p3 [sflag:s0], $0x100  }
0x21b: {  	p1 =	por p2, p1;
	[sflag:s0] =	ssyncset.done @!p3 $0x0  }
0x21c: {  	[sflag:s0] =	ssyncadd.s32 @!p3 $0xFFFFFF00;
	s0 =	simm.s32 @!p1 $0x1  }
0x21d: {  	_ =	swait.ge @!p1 [sflag:s0], $0x80  }
0x21e: {  	s29 =	simm.s32 $0x10238;
	[sflag:s0] =	ssyncset.done @!p1 $0x0  }
0x21f: {  	s30 =	simm.s32 $0x1000;
	s31 =	simm.s32 $0x1;
	[sflag:s0] =	ssyncadd.s32 @!p1 $0xFFFFFF80  }
0x220: {  	[spmem:s30] =	stream.linear.scatter [tilespmem:s29], [sflag:$0x1], $0x10, $0x38;
	[tilespmem:$0x1F6F8] =	vst v63  }
0x221: {  	_ =	swait.ge [sflag:s31], $0x10  }
0x222: {  	[sflag:s31] =	ssyncset.done $0x0  }
0x223: {  	p1 =	seq.s32 s15, $0x0;
	s8 =	rddreg [dreg:$0x2];
	[sflag:s31] =	ssyncadd.s32 $0xFFFFFFF0  }
0x224: {  	s2 =	sshll.u32 @p1 s8, $0xE;
	s7 =	rddreg [dreg:$0x3]  }
0x225: {  	s0 =	sadd.s32 @p1 $0x15C3C, s2;
	s2 =	sshll.u32 @p1 s7, $0x11  }
0x226: {  	_ =	sfence.stream.spmem;
	s0 =	sor.u32 @p1 s2, s0  }
0x227: {  	[sflag:s0] =	ssyncadd.remote.s32 @p1 $0x1;
	s0 =	simm.s32 @p1 $0x4  }
0x228: {  	s3 =	simm.s32 @!p1 $0x3C;
	s2 =	sand.u32 $0xFFFFFFFE, s8;
	_ =	swait.ge @p1 [sflag:s0], $0x22  }
0x229: {  	s4 =	simm.s32 @!p1 $0x0;
	s2 =	sadd.s32 @!p1 $0x4, s2;
	[sflag:s0] =	ssyncset.done @p1 $0x0  }
0x22a: {  	s5 =	simm.s32 @!p1 $0x100;
	[sflag:s0] =	ssyncadd.s32 @p1 $0xFFFFFFDE;
	s0 =	sshll.u32 @!p1 s2, $0x1A  }
0x22b: {  	s2 =	sshll.u32 @!p1 s2, $0xD;
	s0 =	sor.u32 @!p1 s0, s7;
	_ =	swait.eq @!p1 [sflag:s3], $0x1  }
0x22c: {  	s2 =	sor.u32 @!p1 $0x1C04, s2;
	s3 =	simm.s32 @!p1 $0x1C03;
	s0 =	sor.u32 @!p1 $0x80004000, s0  }
0x22d: {  	[spmem:s5], [sflag:s2] =	dma.general @!p1 [spmem:s4], [sflag:s3], length:$0x20, [dreg:$0x0], stride_count:$0x0, ici_dest:s0, dma_misc:DstOpCode:WRITE  }
0x22e: {  	p2 =	slt.s32 s9, $0x2;
	s4 =	simm.s32 @!p1 $0x200;
	s5 =	simm.s32 @!p1 $0x202  }
0x22f: {  	[spmem:s5], [sflag:s2] =	dma.general @!p1 [spmem:s4], [sflag:s3], length:$0x2, [dreg:$0x0], stride_count:$0x0, ici_dest:s0, dma_misc:DstOpCode:WRITE  }
.Ltmp32:
0x230: {  	s0 =	simm.s32 @!p1 $0x3;
	(pc) =	sbr.rel @p2 .LBB3_38-.Ltmp32, $4  }
0x231: {  	s2 =	sshll.u32 @!p1 s8, $0xE;
	_ =	swait.ge @!p1 [sflag:s0], $0x22  }
0x232: {  	s3 =	sshll.u32 @!p1 s7, $0x11;
	s2 =	sadd.s32 @!p1 $0x11C3C, s2;
	[sflag:s0] =	ssyncset.done @!p1 $0x0  }
0x233: {  	[sflag:s0] =	ssyncadd.s32 @!p1 $0xFFFFFFDE;
	s0 =	sor.u32 @!p1 s3, s2  }
0x234: {  	[sflag:s0] =	ssyncadd.remote.s32 @!p1 $0xFFFFFFFF;
	s0 =	simm.s32 $0x0  }
0x235: {  	s0 =	simm.s32 $0xF219  }
0x236: {  	v0 =	vld.msk [tilespmem:s0+$0x0], $0x1;
	_ =	sdelay $0x4  }
0x237: {  	(v2sf) =	vpush v0, $0x0;
	_ =	sdelay $0xb  }
0x238: {  	s31 =	sadd.s32 $0xFFFFFFFE, s6  }
0x239: {  	s0 =	sadd.s32 $0xFFFFFFFF, s31  }
0x23a: {  	p2 =	sne.s32 s0, $0x0  }
.Ltmp33:
0x23b: {  	s2 =	spop (v2sf);
	(pc) =	sbr.rel @!p2 .LBB3_37-.Ltmp33, $4  }
0x23c: {  	s4 =	simm.s32 $0xF2B8;
	s7 =	simm.s32 $0x0;
	p1 =	sgt.u32 s2, $0x3FFFF0  }
0x23d: {  	s5 =	simm.s32 $0x0;
	s6 =	simm.s32 $0xF21A;
	s3 =	sand.u32 @!p1 $0x3FFFF8, s2  }
0x23e: {  	s2 =	sand.u32 @!p1 $0x7, s2;
	s7 =	simm.s32 @!p1 $0x200;
	s3 =	sadd.s32 @!p1 s1, s3  }
0x23f: {  	[hbm4b:s3+s2] =	stream.linear.scatter @!p1 [tilespmem:s4], [sflag:$0x5], $0x80, $0x38;
	[tilespmem:$0x1F6F8] =	vst v63  }
.LBB3_36:
0x240: {  	v0 =	vld.msk [tilespmem:s6+$0x0], $0x1;
	s0 =	sadd.s32 $0xFFFFFFFF, s0;
	s5 =	sadd.s32 s5, s7  }
0x241: {  	p1 =	sne.s32 s0, $0x0;
	_ =	sdelay $0x3  }
0x242: {  	(v2sf) =	vpush v0, $0x0;
	_ =	sdelay $0xe  }
.Ltmp34:
0x243: {  	s2 =	spop (v2sf);
	(pc) =	sbr.rel @p1 .LBB3_36-.Ltmp34, $4  }
0x244: {  	s7 =	simm.s32 $0x0;
	p2 =	sgt.u32 s2, $0x3FFFF0  }
0x245: {  	s4 =	sadd.s32 $0x80, s4;
	s7 =	simm.s32 @!p2 $0x200;
	s3 =	sand.u32 @!p2 $0x3FFFF8, s2  }
0x246: {  	s6 =	sadd.s32 $0x1, s6;
	s2 =	sand.u32 @!p2 $0x7, s2;
	s3 =	sadd.s32 @!p2 s1, s3  }
0x247: {  	[hbm4b:s3+s2] =	stream.linear.scatter @!p2 [tilespmem:s4], [sflag:$0x5], $0x80, $0x38;
	[tilespmem:$0x1F6F8] =	vst v63  }
.LBB3_37:
0x248: {  	s0 =	sadd.s32 s5, s7  }
0x249: {  	s0 =	sshrl.u32 s0, $0x2  }
.LBB3_38:
0x24a: {  	s2 =	simm.s32 $0x5  }
0x24b: {  	_ =	swait.ge [sflag:s2], s0  }
0x24c: {  	s31 =	ssub.s32 $0x0, s0;
	[sflag:s2] =	ssyncset.done $0x0  }
0x24d: {  	[sflag:s2] =	ssyncadd.s32 s31  }
0x24e: {  	[sflag:s2] =	ssyncpa.u1 $0x1  }
.LBB3_39:
0x24f: {  	s0 =	sor.u32 s15, s16  }
0x250: {  	p1 =	sne.s32 s0, $0x0  }
.Ltmp35:
0x251: {  	_ = 	snop;
	(pc) =	sbr.rel @p1 .LBB3_54-.Ltmp35, $3  }
0x252: {  	_ =	sdelay $0x1  }
0x253: {  	[bflag:$0x0] =	sbarrier.arrive $0xFFFF  }
0x254: {  	_ =	sfence  }
0x255: {  	s0 =	simm.s32 $0x7  }
0x256: {  	s2 =	simm.s32 $0x1000;
	s3 =	simm.s32 $0xF218;
	[sflag:s0] =	ssyncpa.u1 $0x0  }
0x257: {  	[tilespmem:s3], [sflag:$0x7] =	stream.linear.gather [spmem:s2], $0x20, $0x38;
	[tilespmem:$0x1F6F8] =	vst v63  }
0x258: {  	s30 =	simm.s32 $0xF238;
	s2 =	simm.s32 $0x0  }
0x259: {  	[tilespmem:s30], [sflag:$0x7] =	stream.linear.gather [spmem:s2], $0x1000, $0x38;
	[tilespmem:$0x1F6F8] =	vst v63  }
.Ltmp36:
0x25a: {  	_ = 	snop;
	(pc) =	sbr.rel .LBB3_41-.Ltmp36, $4  }
0x25b: {  	_ =	swait.ge [sflag:s0], $0x1020  }
0x25c: {  	[sflag:s0] =	ssyncset.done $0x0  }
0x25d: {  	s31 =	simm.s32 $0x8;
	[sflag:s0] =	ssyncadd.s32 $0xFFFFEFE0  }
0x25e: {  	s3 =	simm.s32 $0x0;
	[sflag:s31] =	ssyncpa.u1 $0x0  }
.LBB3_47:
0x25f: {  	p1 =	slt.u32 s4, $0x3FFFF1  }
0x260: {  	s0 =	sand.u32 @p1 $0x3FFFF8, s4  }
0x261: {  	s4 =	sand.u32 @p1 $0x7, s4;
	s5 =	simm.s32 @p1 $0xF188;
	s0 =	sadd.s32 @p1 s1, s0  }
0x262: {  	[tilespmem:s5], [sflag:$0x8] =	stream.linear.gather @p1 [hbm4b:s0+s4], $0x80, $0x38;
	[tilespmem:$0x1F6F8] =	vst v63  }
0x263: {  	s0 =	simm.s32 @p1 $0x8  }
0x264: {  	_ =	swait.ge @p1 [sflag:s0], $0x80  }
0x265: {  	[sflag:s0] =	ssyncset.done @p1 $0x0  }
0x266: {  	[sflag:s0] =	ssyncadd.s32 @p1 $0xFFFFFF80  }
0x267: {  	v1 =	vld @p1 [tilespmem:$0xF188];
	_ =	sdelay $0x2  }
0x268: {  	s0 =	sshll.u32 @p1 s3, $0x9  }
0x269: {  	s4 =	sshrl.u32 @p1 s0, $0x2  }
0x26a: {  	[tilespmem:s4+$0xF238] =	vst.add.f32.msk @p1 $0xffff, v1  }
0x26b: {  	v1 =	vld @p1 [tilespmem:$0xF198];
	_ =	sdelay $0x4  }
0x26c: {  	[tilespmem:s4+$0xF248] =	vst.add.f32.msk @p1 $0xffff, v1  }
0x26d: {  	v1 =	vld @p1 [tilespmem:$0xF1A8];
	_ =	sdelay $0x4  }
0x26e: {  	[tilespmem:s4+$0xF258] =	vst.add.f32.msk @p1 $0xffff, v1  }
0x26f: {  	v1 =	vld @p1 [tilespmem:$0xF1B8];
	_ =	sdelay $0x4  }
0x270: {  	[tilespmem:s4+$0xF268] =	vst.add.f32.msk @p1 $0xffff, v1  }
0x271: {  	v1 =	vld @p1 [tilespmem:$0xF1C8];
	_ =	sdelay $0x4  }
0x272: {  	[tilespmem:s4+$0xF278] =	vst.add.f32.msk @p1 $0xffff, v1  }
0x273: {  	v1 =	vld @p1 [tilespmem:$0xF1D8];
	_ =	sdelay $0x4  }
0x274: {  	[tilespmem:s4+$0xF288] =	vst.add.f32.msk @p1 $0xffff, v1  }
0x275: {  	v1 =	vld @p1 [tilespmem:$0xF1E8];
	_ =	sdelay $0x4  }
0x276: {  	[tilespmem:s4+$0xF298] =	vst.add.f32.msk @p1 $0xffff, v1  }
0x277: {  	v1 =	vld @p1 [tilespmem:$0xF1F8];
	_ =	sdelay $0x3  }
0x278: {  	s5 =	sshll.u32 @!p1 s3, $0x9  }
0x279: {  	s5 =	smov.u32 @p1 s0;
	[tilespmem:s4+$0xF2A8] =	vst.add.f32.msk @p1 $0xffff, v1  }
0x27a: {  	s0 =	sshrl.u32 s5, $0x2;
	[tilespmem:s2+$0xF218] =	vst.msk $0x1, v0  }
0x27b: {  	v0 =	vld [tilespmem:s0+$0xF238];
	_ =	sdelay $0x2  }
0x27c: {  	s31 =	sshll.u32 s2, $0x9  }
0x27d: {  	s4 =	sshra.s32 s31, $0x2  }
0x27e: {  	[tilespmem:s4+$0xF238] =	vst v0  }
0x27f: {  	v0 =	vld [tilespmem:s0+$0xF248];
	_ =	sdelay $0x4  }
0x280: {  	[tilespmem:s4+$0xF248] =	vst v0  }
0x281: {  	v0 =	vld [tilespmem:s0+$0xF258];
	_ =	sdelay $0x4  }
0x282: {  	[tilespmem:s4+$0xF258] =	vst v0  }
0x283: {  	v0 =	vld [tilespmem:s0+$0xF268];
	_ =	sdelay $0x4  }
0x284: {  	[tilespmem:s4+$0xF268] =	vst v0  }
0x285: {  	v0 =	vld [tilespmem:s0+$0xF278];
	_ =	sdelay $0x4  }
0x286: {  	[tilespmem:s4+$0xF278] =	vst v0  }
0x287: {  	v0 =	vld [tilespmem:s0+$0xF288];
	_ =	sdelay $0x4  }
0x288: {  	[tilespmem:s4+$0xF288] =	vst v0  }
0x289: {  	v0 =	vld [tilespmem:s0+$0xF298];
	_ =	sdelay $0x4  }
0x28a: {  	[tilespmem:s4+$0xF298] =	vst v0  }
0x28b: {  	v0 =	vld [tilespmem:s0+$0xF2A8];
	_ =	sdelay $0x4  }
0x28c: {  	s2 =	sadd.s32 $0x1, s2;
	[tilespmem:s4+$0xF2A8] =	vst v0  }
.LBB3_48:
0x28d: {  	s3 =	sadd.s32 $0x1, s3  }
0x28e: {  	p1 =	sne.s32 s3, $0x20  }
.Ltmp37:
0x28f: {  	_ = 	snop;
	(pc) =	sbr.rel @!p1 .LBB3_49-.Ltmp37, $1  }
0x290: {  	_ =	sdelay $0x3  }
.LBB3_41:
0x291: {  	v0 =	vld.msk [tilespmem:s3+$0xF218], $0x1;
	_ =	sdelay $0x4  }
0x292: {  	(v2sf) =	vpush v0, $0x0;
	_ =	sdelay $0xe  }
0x293: {  	s4 =	spop (v2sf)  }
0x294: {  	p1 =	seq.s32 s4, $0xFFFFFFFF  }
.Ltmp38:
0x295: {  	_ = 	snop;
	(pc) =	sbr.rel @p1 .LBB3_48-.Ltmp38, $1  }
0x296: {  	_ =	sdelay $0x3  }
0x297: {  	p1 =	slt.s32 s2, $0x1  }
.Ltmp39:
0x298: {  	_ = 	snop;
	(pc) =	sbr.rel @p1 .LBB3_47-.Ltmp39, $1  }
0x299: {  	_ =	sdelay $0x3  }
0x29a: {  	s5 =	simm.s32 $0xF218;
	p1 =	por $0x0, $0x0  }
0x29b: {  	v1 =	vld.msk @!p1 [tilespmem:s5+$0x0], $0x1;
	_ =	sdelay $0x4  }
0x29c: {  	(v2sf) =	vpush @!p1 v1, $0x0;
	_ =	sdelay $0xd  }
0x29d: {  	p3 =	sne.s32 s2, $0x1  }
.Ltmp40:
0x29e: {  	s0 =	spop @!p1 (v2sf);
	(pc) =	sbr.rel @!p3 .LBB3_45-.Ltmp40, $4  }
0x29f: {  	p2 =	seq.s32 @!p1 s4, s0  }
0x2a0: {  	s6 =	simm.s32 $0x0;
	p2 =	por !p2, p1  }
0x2a1: {  	s7 =	simm.s32 $0xFFFFFFFF;
	s6 =	simm.s32 @p2 $0xFFFFFFFF  }
0x2a2: {  	s0 =	simm.s32 $0x1;
	s6 =	smov.u32 @p1 s7  }
.LBB3_44:
0x2a3: {  	s7 =	smov.u32 s6;
	p1 =	sne.s32 s6, $0xFFFFFFFF  }
0x2a4: {  	s5 =	sadd.s32 $0x1, s5;
	s6 =	smov.u32 s0;
	s0 =	sadd.s32 $0x1, s0  }
0x2a5: {  	p2 =	sne.s32 s2, s0;
	v1 =	vld.msk @!p1 [tilespmem:s5+$0x0], $0x1;
	_ =	sdelay $0x4  }
0x2a6: {  	(v2sf) =	vpush @!p1 v1, $0x0;
	_ =	sdelay $0xe  }
.Ltmp41:
0x2a7: {  	s8 =	spop @!p1 (v2sf);
	(pc) =	sbr.rel @p2 .LBB3_44-.Ltmp41, $4  }
0x2a8: {  	p3 =	seq.s32 @!p1 s4, s8  }
0x2a9: {  	p3 =	por !p3, p1  }
0x2aa: {  	s6 =	simm.s32 @p3 $0xFFFFFFFF  }
0x2ab: {  	s6 =	smov.u32 @p1 s7  }
.LBB3_45:
0x2ac: {  	p1 =	seq.s32 s6, $0xFFFFFFFF  }
.Ltmp42:
0x2ad: {  	_ = 	snop;
	(pc) =	sbr.rel @p1 .LBB3_47-.Ltmp42, $1  }
0x2ae: {  	_ =	sdelay $0x3  }
0x2af: {  	s0 =	sshll.u32 s3, $0x7  }
0x2b0: {  	s0 =	sand.u32 $0x3FFFFF80, s0  }
0x2b1: {  	v0 =	vld [tilespmem:s0+$0xF238];
	_ =	sdelay $0x2  }
0x2b2: {  	s4 =	sshll.u32 s6, $0x9  }
0x2b3: {  	s4 =	sshra.s32 s4, $0x2  }
0x2b4: {  	[tilespmem:s4+$0xF238] =	vst.add.f32.msk $0xffff, v0  }
0x2b5: {  	v0 =	vld [tilespmem:s0+$0xF248];
	_ =	sdelay $0x4  }
0x2b6: {  	[tilespmem:s4+$0xF248] =	vst.add.f32.msk $0xffff, v0  }
0x2b7: {  	v0 =	vld [tilespmem:s0+$0xF258];
	_ =	sdelay $0x4  }
0x2b8: {  	[tilespmem:s4+$0xF258] =	vst.add.f32.msk $0xffff, v0  }
0x2b9: {  	v0 =	vld [tilespmem:s0+$0xF268];
	_ =	sdelay $0x4  }
0x2ba: {  	[tilespmem:s4+$0xF268] =	vst.add.f32.msk $0xffff, v0  }
0x2bb: {  	v0 =	vld [tilespmem:s0+$0xF278];
	_ =	sdelay $0x4  }
0x2bc: {  	[tilespmem:s4+$0xF278] =	vst.add.f32.msk $0xffff, v0  }
0x2bd: {  	v0 =	vld [tilespmem:s0+$0xF288];
	_ =	sdelay $0x4  }
0x2be: {  	[tilespmem:s4+$0xF288] =	vst.add.f32.msk $0xffff, v0  }
0x2bf: {  	v0 =	vld [tilespmem:s0+$0xF298];
	_ =	sdelay $0x4  }
0x2c0: {  	[tilespmem:s4+$0xF298] =	vst.add.f32.msk $0xffff, v0  }
0x2c1: {  	v0 =	vld [tilespmem:s0+$0xF2A8]  }
.Ltmp43:
0x2c2: {  	_ = 	snop;
	(pc) =	sbr.rel .LBB3_48-.Ltmp43, $2  }
0x2c3: {  	_ =	sdelay $0x2  }
0x2c4: {  	[tilespmem:s4+$0xF2A8] =	vst.add.f32.msk $0xffff, v0  }
.LBB3_49:
0x2c5: {  	p1 =	slt.s32 s2, $0x1  }
.Ltmp44:
0x2c6: {  	_ = 	snop;
	(pc) =	sbr.rel @p1 .LBB3_53-.Ltmp44, $3  }
0x2c7: {  	_ =	sdelay $0x1  }
0x2c8: {  	s0 =	simm.s32 $0x8  }
0x2c9: {  	s3 =	simm.s32 $0x0;
	[sflag:s0] =	ssyncpa.u1 $0x1  }
0x2ca: {  	s0 =	simm.s32 $0xF218  }
0x2cb: {  	v0 =	vld.msk [tilespmem:s0+$0x0], $0x1;
	_ =	sdelay $0x4  }
0x2cc: {  	(v2sf) =	vpush v0, $0x0;
	_ =	sdelay $0xe  }
0x2cd: {  	s0 =	sadd.s32 $0xFFFFFFFF, s2;
	s5 =	spop (v2sf)  }
0x2ce: {  	p2 =	sne.s32 s0, $0x0;
	p1 =	sgt.u32 s5, $0x3FFFF0  }
.Ltmp45:
0x2cf: {  	s6 =	sand.u32 @!p1 $0x3FFFF8, s5;
	(pc) =	sbr.rel @!p2 .LBB3_52-.Ltmp45, $4  }
0x2d0: {  	s4 =	simm.s32 $0xF238;
	s5 =	sand.u32 @!p1 $0x7, s5;
	s2 =	sadd.s32 @!p1 s1, s6  }
0x2d1: {  	[hbm4b:s2+s5] =	stream.linear.scatter @!p1 [tilespmem:s4], [sflag:$0x7], $0x80, $0x38;
	[tilespmem:$0x1F6F8] =	vst v63  }
0x2d2: {  	s5 =	simm.s32 $0x0  }
0x2d3: {  	s2 =	simm.s32 $0xF219;
	s5 =	simm.s32 @!p1 $0x200  }
.LBB3_51:
0x2d4: {  	v0 =	vld.msk [tilespmem:s2+$0x0], $0x1;
	s0 =	sadd.s32 $0xFFFFFFFF, s0;
	s3 =	sadd.s32 s3, s5  }
0x2d5: {  	p1 =	sne.s32 s0, $0x0;
	_ =	sdelay $0x3  }
0x2d6: {  	(v2sf) =	vpush v0, $0x0;
	_ =	sdelay $0xe  }
.Ltmp46:
0x2d7: {  	s6 =	spop (v2sf);
	(pc) =	sbr.rel @p1 .LBB3_51-.Ltmp46, $4  }
0x2d8: {  	s5 =	simm.s32 $0x0;
	p2 =	sgt.u32 s6, $0x3FFFF0  }
0x2d9: {  	s4 =	sadd.s32 $0x80, s4;
	s5 =	simm.s32 @!p2 $0x200;
	s7 =	sand.u32 @!p2 $0x3FFFF8, s6  }
0x2da: {  	s2 =	sadd.s32 $0x1, s2;
	s6 =	sand.u32 @!p2 $0x7, s6;
	s7 =	sadd.s32 @!p2 s1, s7  }
0x2db: {  	[hbm4b:s7+s6] =	stream.linear.scatter @!p2 [tilespmem:s4], [sflag:$0x7], $0x80, $0x38;
	[tilespmem:$0x1F6F8] =	vst v63  }
.LBB3_52:
0x2dc: {  	s0 =	sadd.s32 s3, s5  }
0x2dd: {  	s3 =	sshrl.u32 s0, $0x2  }
.LBB3_53:
0x2de: {  	s0 =	simm.s32 $0x7  }
0x2df: {  	_ =	swait.ge [sflag:s0], s3  }
0x2e0: {  	s1 =	ssub.s32 $0x0, s3;
	[sflag:s0] =	ssyncset.done $0x0  }
0x2e1: {  	[sflag:s0] =	ssyncadd.s32 s1  }
0x2e2: {  	[sflag:s0] =	ssyncpa.u1 $0x1  }
.LBB3_54:
0x2e3: {  	_ =	sfence;
	s0 =	simm.s32 $0x1  }
0x2e4: {  	[sflag:s0] =	ssyncpa.u1 $0x1  }
0x2e5: {  	_ =	strace $0x90000056  }
0x2e6: {  	[bflag:$0x2] =	sbarrier.arrive $0xFFFF  }
0x2e7: {  	s0 =	rddreg [dreg:$0x4]  }
0x2e8: {  	s0 =	sadd.s32 @!p0 $0x100000, s0  }
0x2e9: {  	[sflag:s0] =	ssyncadd.tile.s32 @!p0 $0x1;
	_ =	shalt  }
.Lfunc_end3:
_tile_overlayer_lowered:
.L_overlay_start_3:
0x2ea: {  	(tag) =	ssettag $0x3  }
0x2eb: {  	s0 =	rddreg [dreg:$0x0];
	s2 =	stileid.u32  }
0x2ec: {  	s1 =	rddreg [dreg:$0x1];
	p0 =	sne.s32 s2, $0x0  }
0x2ed: {  	s3 =	rddreg [dreg:$0x2];
	[bflag:$0x3] =	sbarrier.arrive $0xFFFF;
	s2 =	simm.s32 @!p0 $0x1C01  }
0x2ee: {  	[timem:s3], [sflag:s2] =	dma.local @!p0 [hbm:s0], s1  }
0x2ef: {  	s0 =	simm.s32 @!p0 $0x1  }
0x2f0: {  	_ =	swait.ge @!p0 [sflag:s0], s1  }
0x2f1: {  	s1 =	ssub.s32 @!p0 $0x0, s1;
	[sflag:s0] =	ssyncset.done @!p0 $0x0  }
0x2f2: {  	[sflag:s0] =	ssyncadd.s32 @!p0 s1  }
0x2f3: {  	[bflag:$0x3] =	sbarrier.arrive $0xFFFF  }
0x2f4: {  	_ =	shalt  }

// kernel: scatter_offload_async_start.2
scs
__scs_entry_jumppad:
0x0: {  	(pc) =	sbr.rel $0x88, $3  }
0x1: {  	(tag) =	ssettag $0x0;
	lr =	simm.s32 $0x1  }
0x2: {  	[smem:$0x3F99] =	sst lr;
	_ =	strace $0xD0000000  }
0x3: {  	_ = 	snop  }
0x4: {  	_ = 	snop  }
0x5: {  	_ = 	snop  }
0x6: {  	_ = 	snop  }
0x7: {  	_ = 	snop  }
__scs_overlays_trampoline_lowered:
0x8: {  	[smem:$0x3FA8] =	sst s0  }
0x9: {  	[smem:$0x3FA9] =	sst s1  }
0xa: {  	[smem:$0x3FAA] =	sst s2  }
0xb: {  	[smem:$0x3FAB] =	sst s3  }
0xc: {  	[smem:$0x3FAC] =	sst s4  }
0xd: {  	[smem:$0x3FAD] =	sst s5  }
0xe: {  	[smem:$0x3FAE] =	sst s6  }
0xf: {  	[smem:$0x3FAF] =	sst s7  }
0x10: {  	[smem:$0x3FB0] =	sst s8  }
0x11: {  	[smem:$0x3FB1] =	sst s9;
	s0 =	simm.s32 @!p0 $0x0  }
0x12: {  	s1 =	sld [smem:$0x3F97];
	s0 =	simm.s32 @p0 $0x1  }
0x13: {  	[smem:$0x3FB2] =	sst s0;
	s0 =	simm.s32 @!p1 $0x0  }
0x14: {  	s2 =	sld [smem:$0x3F96];
	s0 =	simm.s32 @p1 $0x1  }
0x15: {  	[smem:$0x3FB3] =	sst s0;
	s0 =	simm.s32 @!p2 $0x0  }
0x16: {  	s3 =	sld [smem:$0x3FDB];
	s0 =	simm.s32 @p2 $0x1  }
0x17: {  	s4 =	simm.s32 $0x1BF5;
	[smem:$0x3FB5] =	sst s0  }
0x18: {  	s0 =	sld [smem:$0x3F98];
	_ =	swait.ge [sflag:s4], $0x0  }
0x19: {  	s7 =	sld [smem:$0x3F99]  }
0x1a: {  	s8 =	sadd.s32 $0xFFFFE003, lr  }
0x1b: {  	s9 =	sadd.s32 $0xFFFFFEF7, lr;
	s5 =	simm.s32 $0xFFFFFFFF;
	p2 =	slt.u32 s8, $0xFFFFF086  }
0x1c: {  	p1 =	slt.u32 s9, $0xF7A;
	s5 =	simm.s32 @!p2 $0x0  }
0x1d: {  	s5 =	simm.s32 @p1 $0x1;
	p0 =	seq.s32 s7, s2  }
0x1e: {  	s7 =	smul.u32 @!p0 $0xF7A, s2;
	p2 =	seq.s32 @!p0 s5, $0x0  }
0x1f: {  	s9 =	smul.u32 $0xF7A, s1;
	s8 =	simm.s32 @!p0 $0x1BF5;
	p2 =	por !p2, p0  }
0x20: {  	[sflag:s8] =	ssyncset.s32 @!p0 $0xFFFFF086;
	s6 =	sadd.s32 @!p0 s3, s7;
	s7 =	simm.s32 @!p0 $0x108  }
0x21: {  	s3 =	sadd.s32 s3, s9;
	s6 =	sadd.s32 @!p0 $0x88, s6;
	s7 =	simm.s32 @p2 $0x1082  }
0x22: {  	[simem:s7], [sflag:s8] =	dma.local @!p0 [hbm:s6], $0xF7A  }
0x23: {  	s9 =	sor.u32 $0xD0000000, s2;
	s6 =	simm.s32 $0x108;
	_ =	swait.ge @!p0 [sflag:s8], $0x0  }
0x24: {  	s3 =	sadd.s32 $0x88, s3;
	s6 =	simm.s32 @!p1 $0x1082;
	[sflag:s4] =	ssyncset.s32 $0xFFFFF086  }
0x25: {  	[simem:s6], [sflag:s4] =	dma.local [hbm:s3], $0xF7A  }
0x26: {  	[smem:$0x3F99] =	sst s1;
	(tag) =	ssettag s2;
	_ =	strace s9  }
0x27: {  	s1 =	sld [smem:$0x3FA9]  }
0x28: {  	s2 =	sld [smem:$0x3FAA]  }
0x29: {  	s4 =	sld [smem:$0x3FAC]  }
0x2a: {  	p0 =	seq.s32 s5, $0x0;
	s5 =	sld [smem:$0x3FAD]  }
0x2b: {  	s6 =	sld [smem:$0x3FAE]  }
0x2c: {  	s7 =	sld [smem:$0x3FAF]  }
0x2d: {  	s3 =	simm.s32 $0x108;
	s8 =	sld [smem:$0x3FB0]  }
0x2e: {  	s3 =	simm.s32 @!p0 $0x1082;
	s9 =	sld [smem:$0x3FB1]  }
0x2f: {  	lr =	sadd.s32 s0, s3;
	s0 =	sld [smem:$0x3FA8]  }
0x30: {  	s3 =	sld [smem:$0x3FAB]  }
0x31: {  	[smem:$0x3FB4] =	sst s10  }
0x32: {  	s10 =	sld [smem:$0x3FB2];
	_ =	sdelay $0x3  }
0x33: {  	p0 =	seq.s32 s10, $0x1;
	s10 =	sld [smem:$0x3FB4];
	_ =	sdelay $0x3  }
0x34: {  	[smem:$0x3FB4] =	sst s10  }
0x35: {  	s10 =	sld [smem:$0x3FB3];
	_ =	sdelay $0x3  }
0x36: {  	p1 =	seq.s32 s10, $0x1;
	s10 =	sld [smem:$0x3FB4];
	_ =	sdelay $0x3  }
0x37: {  	[smem:$0x3FB4] =	sst s10  }
0x38: {  	s10 =	sld [smem:$0x3FB5]  }
0x39: {  	_ = 	snop;
	(pc) =	sbr.ind lr, $3  }
0x3a: {  	_ = 	snop  }
0x3b: {  	_ = 	snop  }
0x3c: {  	p2 =	seq.s32 s10, $0x1;
	s10 =	sld [smem:$0x3FB4]  }
0x3d: {  	_ =	shalt  }
0x3e: {  	_ =	shalt  }
0x3f: {  	_ =	shalt  }
0x40: {  	_ =	shalt  }
0x41: {  	_ =	shalt  }
0x42: {  	_ =	shalt  }
0x43: {  	_ =	shalt  }
0x44: {  	_ =	shalt  }
0x45: {  	_ =	shalt  }
0x46: {  	_ =	shalt  }
0x47: {  	_ =	shalt  }
0x48: {  	_ =	shalt  }
0x49: {  	_ =	shalt  }
0x4a: {  	_ =	shalt  }
0x4b: {  	_ =	shalt  }
0x4c: {  	_ =	shalt  }
0x4d: {  	_ =	shalt  }
0x4e: {  	_ =	shalt  }
0x4f: {  	_ =	shalt  }
0x50: {  	_ =	shalt  }
0x51: {  	_ =	shalt  }
0x52: {  	_ =	shalt  }
0x53: {  	_ =	shalt  }
0x54: {  	_ =	shalt  }
0x55: {  	_ =	shalt  }
0x56: {  	_ =	shalt  }
0x57: {  	_ =	shalt  }
0x58: {  	_ =	shalt  }
0x59: {  	_ =	shalt  }
0x5a: {  	_ =	shalt  }
0x5b: {  	_ =	shalt  }
0x5c: {  	_ =	shalt  }
0x5d: {  	_ =	shalt  }
0x5e: {  	_ =	shalt  }
0x5f: {  	_ =	shalt  }
0x60: {  	_ =	shalt  }
0x61: {  	_ =	shalt  }
0x62: {  	_ =	shalt  }
0x63: {  	_ =	shalt  }
0x64: {  	_ =	shalt  }
0x65: {  	_ =	shalt  }
0x66: {  	_ =	shalt  }
0x67: {  	_ =	shalt  }
0x68: {  	_ =	shalt  }
0x69: {  	_ =	shalt  }
0x6a: {  	_ =	shalt  }
0x6b: {  	_ =	shalt  }
0x6c: {  	_ =	shalt  }
0x6d: {  	_ =	shalt  }
0x6e: {  	_ =	shalt  }
0x6f: {  	_ =	shalt  }
0x70: {  	_ =	shalt  }
0x71: {  	_ =	shalt  }
0x72: {  	_ =	shalt  }
0x73: {  	_ =	shalt  }
0x74: {  	_ =	shalt  }
0x75: {  	_ =	shalt  }
0x76: {  	_ =	shalt  }
0x77: {  	_ =	shalt  }
0x78: {  	_ =	shalt  }
0x79: {  	_ =	shalt  }
0x7a: {  	_ =	shalt  }
0x7b: {  	_ =	shalt  }
0x7c: {  	_ =	shalt  }
0x7d: {  	_ =	shalt  }
0x7e: {  	_ =	shalt  }
0x7f: {  	_ =	shalt  }
0x80: {  	_ =	shalt  }
0x81: {  	_ =	shalt  }
0x82: {  	_ =	shalt  }
0x83: {  	_ =	shalt  }
0x84: {  	_ =	shalt  }
0x85: {  	_ =	shalt  }
0x86: {  	_ =	shalt  }
0x87: {  	_ =	shalt  }
.Lfunc_end0:
.L_simem_size_0:
called_computation.2_lowered:
.L_overlay_start_0:
0x88: {  	s2 =	sld [smem:$0x3FD9]  }
0x89: {  	s3 =	sld [smem:$0x3FFE];
	_ =	sdelay $0x1  }
0x8a: {  	s1 =	srdreg.scid  }
0x8b: {  	s0 =	sand.u32 $0x1, s1  }
0x8c: {  	s13 =	sshll.u32 s0, $0xA;
	s2 =	sadd.s32 s3, s2  }
0x8d: {  	s2 =	sadd.s32 s2, s13  }
0x8e: {  	[smem:$0x3FC0] =	sst s2  }
0x8f: {  	_ = 	snop  }
0x90: {  	s2 =	sld [smem:$0x3FD0];
	_ =	sdelay $0x2  }
0x91: {  	s14 =	simm.s32 $0xC;
	s4 =	simm.s32 $0x10  }
0x92: {  	[smem:s4], [sflag:s14] =	dma.local [hbm:s2], $0x1  }
0x93: {  	_ =	swait.eq [sflag:s14], $0x1  }
0x94: {  	[sflag:s14] =	ssyncset.done $0x0  }
0x95: {  	[sflag:s14] =	ssyncadd.s32 $0xFFFFFFFF  }
0x96: {  	s15 =	sld [smem:$0x10];
	(tm) =	ssettm $0x1  }
0x97: {  	s16 =	sld [smem:$0x3FFB];
	_ =	sdelay $0x3  }
0x98: {  	_ =	strace s16  }
0x99: {  	s3 =	sld [smem:$0x3FFC];
	_ =	sdelay $0x3  }
0x9a: {  	_ =	strace s3  }
0x9b: {  	s3 =	sld [smem:$0x3FFD];
	_ =	sdelay $0x3  }
0x9c: {  	_ =	strace s3  }
0x9d: {  	_ =	strace $0x8FFFFFFF  }
0x9e: {  	s17 =	sld [smem:$0x3FDB];
	_ =	sdelay $0x1  }
0x9f: {  	s18 =	simm.s32 $_scs_section_size  }
0xa0: {  	s5 =	simm.s32 $_size__tile_overlayer_lowered;
	s6 =	simm.s32 $_tile_overlayer_lowered  }
0xa1: {  	s21 =	simm.s32 $0x1BFF;
	s20 =	sshll.u32 s6, $0x1;
	s3 =	sadd.s32 s18, s17  }
0xa2: {  	s7 =	simm.s32 $0x0;
	s19 =	sshll.u32 s5, $0x1;
	s5 =	sadd.s32 s20, s3  }
0xa3: {  	[timem:s7], [sflag:s21] =	dma.local [hbm:s5], s19  }
0xa4: {  	_ =	swait.ge [sflag:s21], s19  }
0xa5: {  	s4 =	ssub.s32 $0x0, s19;
	[sflag:s21] =	ssyncset.done $0x0  }
0xa6: {  	[sflag:s21] =	ssyncadd.s32 s4;
	_ =	sdelay $0x1  }
0xa7: {  	s22 =	simm.s32 $0x1B8B  }
0xa8: {  	_ =	swait.ge [sflag:s22], $0x1  }
0xa9: {  	[sflag:s22] =	ssyncset.done $0x0  }
0xaa: {  	s23 =	sld [smem:$0x3FFE];
	[sflag:s22] =	ssyncadd.s32 $0xFFFFFFFF  }
0xab: {  	s25 =	simm.s32 $0x1B8E;
	s24 =	sld [smem:$0x0]  }
0xac: {  	s26 =	simm.s32 $execute0_lowered;
	[smem:$0x3FD2] =	sst s25  }
0xad: {  	s6 =	sshll.u32 s26, $0x1;
	_ =	strace $0x8000004C;
	[dreg:$0x1] =	wrdreg $0xFFFFFFFF  }
0xae: {  	s28 =	simm.s32 $_size_execute0_lowered;
	s3 =	sadd.s32 s3, s6;
	[dreg:$0x0] =	wrdreg $0x0  }
0xaf: {  	s6 =	sshll.u32 s28, $0x1;
	[dreg:$0x2] =	wrdreg s3  }
0xb0: {  	[dreg:$0x3] =	wrdreg s6  }
0xb1: {  	[dreg:$0x4] =	wrdreg $0xC0  }
0xb2: {  	_ =	task [dreg:s7], $0x5FFFF  }
0xb3: {  	[dreg:$0x1] =	wrdreg $0xFFFFFFFF  }
0xb4: {  	[dreg:$0x0] =	wrdreg $0x60  }
0xb5: {  	[dreg:$0x2] =	wrdreg s23  }
0xb6: {  	[dreg:$0x3] =	wrdreg s15  }
0xb7: {  	[dreg:$0x4] =	wrdreg s1  }
0xb8: {  	[dreg:$0x5] =	wrdreg s24  }
0xb9: {  	[dreg:$0x6] =	wrdreg $0x9  }
0xba: {  	_ =	task.clear_ibuf [dreg:s7], $0x7FFFF;
	_ =	strace $0x9000004C  }
0xbb: {  	s29 =	simm.s32 $0x9;
	_ =	strace $0x8000004E  }
0xbc: {  	_ =	swait.ge [sflag:s29], $0x1  }
0xbd: {  	[sflag:s29] =	ssyncadd.s32 $0xFFFFFFFF  }
0xbe: {  	_ =	strace $0x9000004E  }
0xbf: {  	_ =	sfence  }
0xc0: {  	s30 =	sld [smem:$0x0];
	_ =	sdelay $0x2  }
0xc1: {  	s31 =	sshll.u32 s1, $0xD;
	s1 =	sshrl.u32 s1, $0x2  }
0xc2: {  	s3 =	sand.u32 $0x4000, s31;
	s1 =	sadd.s32 s1, s30  }
0xc3: {  	s0 =	sor.u32 s3, s0;
	s1 =	sshll.u32 s1, $0x11  }
0xc4: {  	s0 =	sor.u32 s1, s0  }
0xc5: {  	s0 =	sadd.s32 $0x8F2B, s0  }
0xc6: {  	[sflag:s0] =	ssyncadd.remote.s32 $0x1  }
0xc7: {  	_ =	sfence.sel $0xFFFF  }
0xc8: {  	[dreg:$0x0] =	wrdreg $0xFFFFFFFF;
	(pc) =	sbr.abs _section_cstart, $3  }
0xc9: {  	[dreg:$0x1] =	wrdreg $0xFFFFFFFF  }
0xca: {  	_ =	task.clear_ibuf [dreg:s7], $0x2FFFF;
	_ =	strace $0x9FFFFFFF  }
0xcb: {  	(tm) =	ssettm $0x7FFFFFFF  }
tec
execute0_lowered:
.L_overlay_start_1:
0x0: {  	(tag) =	ssettag $0x1  }
0x1: {  	s12 =	rddreg [dreg:$0x0]  }
0x2: {  	s4 =	rddreg [dreg:$0x1]  }
0x3: {  	s2 =	rddreg [dreg:$0x2];
	_ =	strace $0x8000004D;
	s13 =	simm.s32 $0x1  }
0x4: {  	v0 =	vimm.s32 $0x0;
	[sflag:s13] =	ssyncpa.u1 $0x0  }
0x5: {  	[tilespmem:$0x28] =	vst v0  }
0x6: {  	[tilespmem:$0x38] =	vst v0  }
0x7: {  	[tilespmem:$0x48] =	vst v0  }
0x8: {  	[tilespmem:$0x58] =	vst v0  }
0x9: {  	[tilespmem:$0x68] =	vst v0  }
0xa: {  	[tilespmem:$0x78] =	vst v0  }
0xb: {  	[tilespmem:$0x88] =	vst v0  }
0xc: {  	[tilespmem:$0x98] =	vst v0  }
0xd: {  	[tilespmem:$0xA8] =	vst v0  }
0xe: {  	[tilespmem:$0xB8] =	vst v0  }
0xf: {  	[tilespmem:$0xC8] =	vst v0  }
0x10: {  	[tilespmem:$0xD8] =	vst v0  }
0x11: {  	[tilespmem:$0xE8] =	vst v0  }
0x12: {  	[tilespmem:$0xF8] =	vst v0  }
0x13: {  	[tilespmem:$0x108] =	vst v0  }
0x14: {  	[tilespmem:$0x118] =	vst v0  }
0x15: {  	[tilespmem:$0x128] =	vst v0  }
0x16: {  	[tilespmem:$0x138] =	vst v0  }
0x17: {  	[tilespmem:$0x148] =	vst v0  }
0x18: {  	[tilespmem:$0x158] =	vst v0  }
0x19: {  	[tilespmem:$0x168] =	vst v0  }
0x1a: {  	[tilespmem:$0x178] =	vst v0  }
0x1b: {  	[tilespmem:$0x188] =	vst v0  }
0x1c: {  	[tilespmem:$0x198] =	vst v0  }
0x1d: {  	[tilespmem:$0x1A8] =	vst v0  }
0x1e: {  	[tilespmem:$0x1B8] =	vst v0  }
0x1f: {  	[tilespmem:$0x1C8] =	vst v0  }
0x20: {  	[tilespmem:$0x1D8] =	vst v0  }
0x21: {  	[tilespmem:$0x1E8] =	vst v0  }
0x22: {  	[tilespmem:$0x1F8] =	vst v0  }
0x23: {  	[tilespmem:$0x208] =	vst v0  }
0x24: {  	[tilespmem:$0x218] =	vst v0  }
0x25: {  	[tilespmem:$0x228] =	vst v0  }
0x26: {  	[tilespmem:$0x238] =	vst v0  }
0x27: {  	[tilespmem:$0x248] =	vst v0  }
0x28: {  	[tilespmem:$0x258] =	vst v0  }
0x29: {  	[tilespmem:$0x268] =	vst v0  }
0x2a: {  	[tilespmem:$0x278] =	vst v0  }
0x2b: {  	[tilespmem:$0x288] =	vst v0  }
0x2c: {  	[tilespmem:$0x298] =	vst v0  }
0x2d: {  	[tilespmem:$0x2A8] =	vst v0  }
0x2e: {  	[tilespmem:$0x2B8] =	vst v0  }
0x2f: {  	[tilespmem:$0x2C8] =	vst v0  }
0x30: {  	[tilespmem:$0x2D8] =	vst v0  }
0x31: {  	[tilespmem:$0x2E8] =	vst v0  }
0x32: {  	[tilespmem:$0x2F8] =	vst v0  }
0x33: {  	[tilespmem:$0x308] =	vst v0  }
0x34: {  	[tilespmem:$0x318] =	vst v0  }
0x35: {  	[tilespmem:$0x328] =	vst v0  }
0x36: {  	[tilespmem:$0x338] =	vst v0  }
0x37: {  	[tilespmem:$0x348] =	vst v0  }
0x38: {  	[tilespmem:$0x358] =	vst v0  }
0x39: {  	[tilespmem:$0x368] =	vst v0  }
0x3a: {  	[tilespmem:$0x378] =	vst v0  }
0x3b: {  	[tilespmem:$0x388] =	vst v0  }
0x3c: {  	[tilespmem:$0x398] =	vst v0  }
0x3d: {  	[tilespmem:$0x3A8] =	vst v0  }
0x3e: {  	[tilespmem:$0x3B8] =	vst v0  }
0x3f: {  	[tilespmem:$0x3C8] =	vst v0  }
0x40: {  	[tilespmem:$0x3D8] =	vst v0  }
0x41: {  	[tilespmem:$0x3E8] =	vst v0  }
0x42: {  	[tilespmem:$0x3F8] =	vst v0  }
0x43: {  	[tilespmem:$0x408] =	vst v0  }
0x44: {  	[tilespmem:$0x418] =	vst v0  }
0x45: {  	[tilespmem:$0x428] =	vst v0  }
0x46: {  	[tilespmem:$0x438] =	vst v0  }
0x47: {  	[tilespmem:$0x448] =	vst v0  }
0x48: {  	[tilespmem:$0x458] =	vst v0  }
0x49: {  	[tilespmem:$0x468] =	vst v0  }
0x4a: {  	[tilespmem:$0x478] =	vst v0  }
0x4b: {  	[tilespmem:$0x488] =	vst v0  }
0x4c: {  	[tilespmem:$0x498] =	vst v0  }
0x4d: {  	[tilespmem:$0x4A8] =	vst v0  }
0x4e: {  	[tilespmem:$0x4B8] =	vst v0  }
0x4f: {  	[tilespmem:$0x4C8] =	vst v0  }
0x50: {  	[tilespmem:$0x4D8] =	vst v0  }
0x51: {  	[tilespmem:$0x4E8] =	vst v0  }
0x52: {  	[tilespmem:$0x4F8] =	vst v0  }
0x53: {  	[tilespmem:$0x508] =	vst v0  }
0x54: {  	[tilespmem:$0x518] =	vst v0  }
0x55: {  	[tilespmem:$0x528] =	vst v0  }
0x56: {  	[tilespmem:$0x538] =	vst v0  }
0x57: {  	[tilespmem:$0x548] =	vst v0  }
0x58: {  	[tilespmem:$0x558] =	vst v0  }
0x59: {  	[tilespmem:$0x568] =	vst v0  }
0x5a: {  	[tilespmem:$0x578] =	vst v0  }
0x5b: {  	[tilespmem:$0x588] =	vst v0  }
0x5c: {  	[tilespmem:$0x598] =	vst v0  }
0x5d: {  	[tilespmem:$0x5A8] =	vst v0  }
0x5e: {  	[tilespmem:$0x5B8] =	vst v0  }
0x5f: {  	[tilespmem:$0x5C8] =	vst v0  }
0x60: {  	[tilespmem:$0x5D8] =	vst v0  }
0x61: {  	[tilespmem:$0x5E8] =	vst v0  }
0x62: {  	[tilespmem:$0x5F8] =	vst v0  }
0x63: {  	[tilespmem:$0x608] =	vst v0  }
0x64: {  	[tilespmem:$0x618] =	vst v0  }
0x65: {  	[tilespmem:$0x628] =	vst v0  }
0x66: {  	[tilespmem:$0x638] =	vst v0  }
0x67: {  	[tilespmem:$0x648] =	vst v0  }
0x68: {  	[tilespmem:$0x658] =	vst v0  }
0x69: {  	[tilespmem:$0x668] =	vst v0  }
0x6a: {  	[tilespmem:$0x678] =	vst v0  }
0x6b: {  	[tilespmem:$0x688] =	vst v0  }
0x6c: {  	[tilespmem:$0x698] =	vst v0  }
0x6d: {  	[tilespmem:$0x6A8] =	vst v0  }
0x6e: {  	[tilespmem:$0x6B8] =	vst v0  }
0x6f: {  	[tilespmem:$0x6C8] =	vst v0  }
0x70: {  	[tilespmem:$0x6D8] =	vst v0  }
0x71: {  	[tilespmem:$0x6E8] =	vst v0  }
0x72: {  	[tilespmem:$0x6F8] =	vst v0  }
0x73: {  	[tilespmem:$0x708] =	vst v0  }
0x74: {  	[tilespmem:$0x718] =	vst v0  }
0x75: {  	[tilespmem:$0x728] =	vst v0  }
0x76: {  	[tilespmem:$0x738] =	vst v0  }
0x77: {  	[tilespmem:$0x748] =	vst v0  }
0x78: {  	[tilespmem:$0x758] =	vst v0  }
0x79: {  	[tilespmem:$0x768] =	vst v0  }
0x7a: {  	[tilespmem:$0x778] =	vst v0  }
0x7b: {  	[tilespmem:$0x788] =	vst v0  }
0x7c: {  	[tilespmem:$0x798] =	vst v0  }
0x7d: {  	[tilespmem:$0x7A8] =	vst v0  }
0x7e: {  	[tilespmem:$0x7B8] =	vst v0  }
0x7f: {  	[tilespmem:$0x7C8] =	vst v0  }
0x80: {  	[tilespmem:$0x7D8] =	vst v0  }
0x81: {  	[tilespmem:$0x7E8] =	vst v0  }
0x82: {  	[tilespmem:$0x7F8] =	vst v0  }
0x83: {  	[tilespmem:$0x808] =	vst v0  }
0x84: {  	[tilespmem:$0x818] =	vst v0  }
0x85: {  	[tilespmem:$0x828] =	vst v0  }
0x86: {  	[tilespmem:$0x838] =	vst v0  }
0x87: {  	[tilespmem:$0x848] =	vst v0  }
0x88: {  	[tilespmem:$0x858] =	vst v0  }
0x89: {  	[tilespmem:$0x868] =	vst v0  }
0x8a: {  	[tilespmem:$0x878] =	vst v0  }
0x8b: {  	[tilespmem:$0x888] =	vst v0  }
0x8c: {  	[tilespmem:$0x898] =	vst v0  }
0x8d: {  	[tilespmem:$0x8A8] =	vst v0  }
0x8e: {  	[tilespmem:$0x8B8] =	vst v0  }
0x8f: {  	[tilespmem:$0x8C8] =	vst v0  }
0x90: {  	[tilespmem:$0x8D8] =	vst v0  }
0x91: {  	[tilespmem:$0x8E8] =	vst v0  }
0x92: {  	[tilespmem:$0x8F8] =	vst v0  }
0x93: {  	[tilespmem:$0x908] =	vst v0  }
0x94: {  	[tilespmem:$0x918] =	vst v0  }
0x95: {  	[tilespmem:$0x928] =	vst v0  }
0x96: {  	[tilespmem:$0x938] =	vst v0  }
0x97: {  	[tilespmem:$0x948] =	vst v0  }
0x98: {  	[tilespmem:$0x958] =	vst v0  }
0x99: {  	[tilespmem:$0x968] =	vst v0  }
0x9a: {  	[tilespmem:$0x978] =	vst v0  }
0x9b: {  	[tilespmem:$0x988] =	vst v0  }
0x9c: {  	[tilespmem:$0x998] =	vst v0  }
0x9d: {  	[tilespmem:$0x9A8] =	vst v0  }
0x9e: {  	[tilespmem:$0x9B8] =	vst v0  }
0x9f: {  	[tilespmem:$0x9C8] =	vst v0  }
0xa0: {  	[tilespmem:$0x9D8] =	vst v0  }
0xa1: {  	[tilespmem:$0x9E8] =	vst v0  }
0xa2: {  	[tilespmem:$0x9F8] =	vst v0  }
0xa3: {  	[tilespmem:$0xA08] =	vst v0  }
0xa4: {  	[tilespmem:$0xA18] =	vst v0  }
0xa5: {  	[tilespmem:$0xA28] =	vst v0  }
0xa6: {  	[tilespmem:$0xA38] =	vst v0  }
0xa7: {  	[tilespmem:$0xA48] =	vst v0  }
0xa8: {  	[tilespmem:$0xA58] =	vst v0  }
0xa9: {  	[tilespmem:$0xA68] =	vst v0  }
0xaa: {  	[tilespmem:$0xA78] =	vst v0  }
0xab: {  	[tilespmem:$0xA88] =	vst v0  }
0xac: {  	[tilespmem:$0xA98] =	vst v0  }
0xad: {  	[tilespmem:$0xAA8] =	vst v0  }
0xae: {  	[tilespmem:$0xAB8] =	vst v0  }
0xaf: {  	[tilespmem:$0xAC8] =	vst v0  }
0xb0: {  	[tilespmem:$0xAD8] =	vst v0  }
0xb1: {  	[tilespmem:$0xAE8] =	vst v0  }
0xb2: {  	[tilespmem:$0xAF8] =	vst v0  }
0xb3: {  	[tilespmem:$0xB08] =	vst v0  }
0xb4: {  	[tilespmem:$0xB18] =	vst v0  }
0xb5: {  	[tilespmem:$0xB28] =	vst v0  }
0xb6: {  	[tilespmem:$0xB38] =	vst v0  }
0xb7: {  	[tilespmem:$0xB48] =	vst v0  }
0xb8: {  	[tilespmem:$0xB58] =	vst v0  }
0xb9: {  	[tilespmem:$0xB68] =	vst v0  }
0xba: {  	[tilespmem:$0xB78] =	vst v0  }
0xbb: {  	[tilespmem:$0xB88] =	vst v0  }
0xbc: {  	[tilespmem:$0xB98] =	vst v0  }
0xbd: {  	[tilespmem:$0xBA8] =	vst v0  }
0xbe: {  	[tilespmem:$0xBB8] =	vst v0  }
0xbf: {  	[tilespmem:$0xBC8] =	vst v0  }
0xc0: {  	[tilespmem:$0xBD8] =	vst v0  }
0xc1: {  	[tilespmem:$0xBE8] =	vst v0  }
0xc2: {  	[tilespmem:$0xBF8] =	vst v0  }
0xc3: {  	[tilespmem:$0xC08] =	vst v0  }
0xc4: {  	[tilespmem:$0xC18] =	vst v0  }
0xc5: {  	[tilespmem:$0xC28] =	vst v0  }
0xc6: {  	[tilespmem:$0xC38] =	vst v0  }
0xc7: {  	[tilespmem:$0xC48] =	vst v0  }
0xc8: {  	[tilespmem:$0xC58] =	vst v0  }
0xc9: {  	[tilespmem:$0xC68] =	vst v0  }
0xca: {  	[tilespmem:$0xC78] =	vst v0  }
0xcb: {  	[tilespmem:$0xC88] =	vst v0  }
0xcc: {  	[tilespmem:$0xC98] =	vst v0  }
0xcd: {  	[tilespmem:$0xCA8] =	vst v0  }
0xce: {  	[tilespmem:$0xCB8] =	vst v0  }
0xcf: {  	[tilespmem:$0xCC8] =	vst v0  }
0xd0: {  	[tilespmem:$0xCD8] =	vst v0  }
0xd1: {  	[tilespmem:$0xCE8] =	vst v0  }
0xd2: {  	[tilespmem:$0xCF8] =	vst v0  }
0xd3: {  	[tilespmem:$0xD08] =	vst v0  }
0xd4: {  	[tilespmem:$0xD18] =	vst v0  }
0xd5: {  	[tilespmem:$0xD28] =	vst v0  }
0xd6: {  	[tilespmem:$0xD38] =	vst v0  }
0xd7: {  	[tilespmem:$0xD48] =	vst v0  }
0xd8: {  	[tilespmem:$0xD58] =	vst v0  }
0xd9: {  	[tilespmem:$0xD68] =	vst v0  }
0xda: {  	[tilespmem:$0xD78] =	vst v0  }
0xdb: {  	[tilespmem:$0xD88] =	vst v0  }
0xdc: {  	[tilespmem:$0xD98] =	vst v0  }
0xdd: {  	[tilespmem:$0xDA8] =	vst v0  }
0xde: {  	[tilespmem:$0xDB8] =	vst v0  }
0xdf: {  	[tilespmem:$0xDC8] =	vst v0  }
0xe0: {  	[tilespmem:$0xDD8] =	vst v0  }
0xe1: {  	[tilespmem:$0xDE8] =	vst v0  }
0xe2: {  	[tilespmem:$0xDF8] =	vst v0  }
0xe3: {  	[tilespmem:$0xE08] =	vst v0  }
0xe4: {  	[tilespmem:$0xE18] =	vst v0  }
0xe5: {  	[tilespmem:$0xE28] =	vst v0  }
0xe6: {  	[tilespmem:$0xE38] =	vst v0  }
0xe7: {  	[tilespmem:$0xE48] =	vst v0  }
0xe8: {  	[tilespmem:$0xE58] =	vst v0  }
0xe9: {  	[tilespmem:$0xE68] =	vst v0  }
0xea: {  	[tilespmem:$0xE78] =	vst v0  }
0xeb: {  	[tilespmem:$0xE88] =	vst v0  }
0xec: {  	[tilespmem:$0xE98] =	vst v0  }
0xed: {  	[tilespmem:$0xEA8] =	vst v0  }
0xee: {  	[tilespmem:$0xEB8] =	vst v0  }
0xef: {  	[tilespmem:$0xEC8] =	vst v0  }
0xf0: {  	[tilespmem:$0xED8] =	vst v0  }
0xf1: {  	[tilespmem:$0xEE8] =	vst v0  }
0xf2: {  	[tilespmem:$0xEF8] =	vst v0  }
0xf3: {  	[tilespmem:$0xF08] =	vst v0  }
0xf4: {  	[tilespmem:$0xF18] =	vst v0  }
0xf5: {  	[tilespmem:$0xF28] =	vst v0  }
0xf6: {  	[tilespmem:$0xF38] =	vst v0  }
0xf7: {  	[tilespmem:$0xF48] =	vst v0  }
0xf8: {  	[tilespmem:$0xF58] =	vst v0  }
0xf9: {  	[tilespmem:$0xF68] =	vst v0  }
0xfa: {  	[tilespmem:$0xF78] =	vst v0  }
0xfb: {  	[tilespmem:$0xF88] =	vst v0  }
0xfc: {  	[tilespmem:$0xF98] =	vst v0  }
0xfd: {  	[tilespmem:$0xFA8] =	vst v0  }
0xfe: {  	[tilespmem:$0xFB8] =	vst v0  }
0xff: {  	[tilespmem:$0xFC8] =	vst v0  }
0x100: {  	[tilespmem:$0xFD8] =	vst v0  }
0x101: {  	[tilespmem:$0xFE8] =	vst v0  }
0x102: {  	[tilespmem:$0xFF8] =	vst v0  }
0x103: {  	[tilespmem:$0x1008] =	vst v0  }
0x104: {  	[tilespmem:$0x1098] =	vst v0  }
0x105: {  	[tilespmem:$0x1B28] =	vst v0  }
0x106: {  	[tilespmem:$0x1B18] =	vst v0  }
0x107: {  	[tilespmem:$0x1B08] =	vst v0  }
0x108: {  	[tilespmem:$0x1AF8] =	vst v0  }
0x109: {  	[tilespmem:$0x1AE8] =	vst v0  }
0x10a: {  	[tilespmem:$0x1AD8] =	vst v0  }
0x10b: {  	[tilespmem:$0x1AC8] =	vst v0  }
0x10c: {  	[tilespmem:$0x1AB8] =	vst v0  }
0x10d: {  	[tilespmem:$0x1AA8] =	vst v0  }
0x10e: {  	[tilespmem:$0x1A98] =	vst v0  }
0x10f: {  	[tilespmem:$0x1A88] =	vst v0  }
0x110: {  	[tilespmem:$0x1A78] =	vst v0  }
0x111: {  	[tilespmem:$0x1A68] =	vst v0  }
0x112: {  	[tilespmem:$0x1A58] =	vst v0  }
0x113: {  	[tilespmem:$0x1A48] =	vst v0  }
0x114: {  	[tilespmem:$0x1A38] =	vst v0  }
0x115: {  	[tilespmem:$0x1A28] =	vst v0  }
0x116: {  	[tilespmem:$0x1A18] =	vst v0  }
0x117: {  	[tilespmem:$0x1A08] =	vst v0  }
0x118: {  	[tilespmem:$0x19F8] =	vst v0  }
0x119: {  	[tilespmem:$0x19E8] =	vst v0  }
0x11a: {  	[tilespmem:$0x19D8] =	vst v0  }
0x11b: {  	[tilespmem:$0x19C8] =	vst v0  }
0x11c: {  	[tilespmem:$0x19B8] =	vst v0  }
0x11d: {  	[tilespmem:$0x19A8] =	vst v0  }
0x11e: {  	[tilespmem:$0x1998] =	vst v0  }
0x11f: {  	[tilespmem:$0x1988] =	vst v0  }
0x120: {  	[tilespmem:$0x1978] =	vst v0  }
0x121: {  	[tilespmem:$0x1968] =	vst v0  }
0x122: {  	[tilespmem:$0x1958] =	vst v0  }
0x123: {  	[tilespmem:$0x1948] =	vst v0  }
0x124: {  	[tilespmem:$0x1938] =	vst v0  }
0x125: {  	[tilespmem:$0x1928] =	vst v0  }
0x126: {  	[tilespmem:$0x1918] =	vst v0  }
0x127: {  	[tilespmem:$0x1908] =	vst v0  }
0x128: {  	[tilespmem:$0x18F8] =	vst v0  }
0x129: {  	[tilespmem:$0x18E8] =	vst v0  }
0x12a: {  	[tilespmem:$0x18D8] =	vst v0  }
0x12b: {  	[tilespmem:$0x18C8] =	vst v0  }
0x12c: {  	[tilespmem:$0x18B8] =	vst v0  }
0x12d: {  	[tilespmem:$0x18A8] =	vst v0  }
0x12e: {  	[tilespmem:$0x1898] =	vst v0  }
0x12f: {  	[tilespmem:$0x1888] =	vst v0  }
0x130: {  	[tilespmem:$0x1878] =	vst v0  }
0x131: {  	[tilespmem:$0x1868] =	vst v0  }
0x132: {  	[tilespmem:$0x1858] =	vst v0  }
0x133: {  	[tilespmem:$0x1848] =	vst v0  }
0x134: {  	[tilespmem:$0x1838] =	vst v0  }
0x135: {  	[tilespmem:$0x1828] =	vst v0  }
0x136: {  	[tilespmem:$0x1818] =	vst v0  }
0x137: {  	[tilespmem:$0x1808] =	vst v0  }
0x138: {  	[tilespmem:$0x17F8] =	vst v0  }
0x139: {  	[tilespmem:$0x17E8] =	vst v0  }
0x13a: {  	[tilespmem:$0x17D8] =	vst v0  }
0x13b: {  	[tilespmem:$0x17C8] =	vst v0  }
0x13c: {  	[tilespmem:$0x17B8] =	vst v0  }
0x13d: {  	[tilespmem:$0x17A8] =	vst v0  }
0x13e: {  	[tilespmem:$0x1798] =	vst v0  }
0x13f: {  	[tilespmem:$0x1788] =	vst v0  }
0x140: {  	[tilespmem:$0x1778] =	vst v0  }
0x141: {  	[tilespmem:$0x1768] =	vst v0  }
0x142: {  	[tilespmem:$0x1758] =	vst v0  }
0x143: {  	[tilespmem:$0x1748] =	vst v0  }
0x144: {  	[tilespmem:$0x1738] =	vst v0  }
0x145: {  	[tilespmem:$0x1728] =	vst v0  }
0x146: {  	[tilespmem:$0x1718] =	vst v0  }
0x147: {  	[tilespmem:$0x1708] =	vst v0  }
0x148: {  	[tilespmem:$0x16F8] =	vst v0  }
0x149: {  	[tilespmem:$0x16E8] =	vst v0  }
0x14a: {  	[tilespmem:$0x16D8] =	vst v0  }
0x14b: {  	[tilespmem:$0x16C8] =	vst v0  }
0x14c: {  	[tilespmem:$0x16B8] =	vst v0  }
0x14d: {  	[tilespmem:$0x16A8] =	vst v0  }
0x14e: {  	[tilespmem:$0x1698] =	vst v0  }
0x14f: {  	[tilespmem:$0x1688] =	vst v0  }
0x150: {  	[tilespmem:$0x1678] =	vst v0  }
0x151: {  	[tilespmem:$0x1668] =	vst v0  }
0x152: {  	[tilespmem:$0x1658] =	vst v0  }
0x153: {  	[tilespmem:$0x1648] =	vst v0  }
0x154: {  	[tilespmem:$0x1638] =	vst v0  }
0x155: {  	[tilespmem:$0x1628] =	vst v0  }
0x156: {  	[tilespmem:$0x1618] =	vst v0  }
0x157: {  	[tilespmem:$0x1608] =	vst v0  }
0x158: {  	[tilespmem:$0x15F8] =	vst v0  }
0x159: {  	[tilespmem:$0x15E8] =	vst v0  }
0x15a: {  	[tilespmem:$0x15D8] =	vst v0  }
0x15b: {  	[tilespmem:$0x15C8] =	vst v0  }
0x15c: {  	[tilespmem:$0x15B8] =	vst v0  }
0x15d: {  	[tilespmem:$0x15A8] =	vst v0  }
0x15e: {  	[tilespmem:$0x1598] =	vst v0  }
0x15f: {  	[tilespmem:$0x1588] =	vst v0  }
0x160: {  	[tilespmem:$0x1578] =	vst v0  }
0x161: {  	[tilespmem:$0x1568] =	vst v0  }
0x162: {  	[tilespmem:$0x1558] =	vst v0  }
0x163: {  	[tilespmem:$0x1548] =	vst v0  }
0x164: {  	[tilespmem:$0x1538] =	vst v0  }
0x165: {  	[tilespmem:$0x1528] =	vst v0  }
0x166: {  	[tilespmem:$0x1518] =	vst v0  }
0x167: {  	[tilespmem:$0x1508] =	vst v0  }
0x168: {  	[tilespmem:$0x14F8] =	vst v0  }
0x169: {  	[tilespmem:$0x14E8] =	vst v0  }
0x16a: {  	[tilespmem:$0x14D8] =	vst v0  }
0x16b: {  	[tilespmem:$0x14C8] =	vst v0  }
0x16c: {  	[tilespmem:$0x14B8] =	vst v0  }
0x16d: {  	[tilespmem:$0x14A8] =	vst v0  }
0x16e: {  	[tilespmem:$0x1498] =	vst v0  }
0x16f: {  	[tilespmem:$0x1488] =	vst v0  }
0x170: {  	[tilespmem:$0x1478] =	vst v0  }
0x171: {  	[tilespmem:$0x1468] =	vst v0  }
0x172: {  	[tilespmem:$0x1458] =	vst v0  }
0x173: {  	[tilespmem:$0x1448] =	vst v0  }
0x174: {  	[tilespmem:$0x1438] =	vst v0  }
0x175: {  	[tilespmem:$0x1428] =	vst v0  }
0x176: {  	[tilespmem:$0x1418] =	vst v0  }
0x177: {  	[tilespmem:$0x1408] =	vst v0  }
0x178: {  	[tilespmem:$0x13F8] =	vst v0  }
0x179: {  	[tilespmem:$0x13E8] =	vst v0  }
0x17a: {  	[tilespmem:$0x13D8] =	vst v0  }
0x17b: {  	[tilespmem:$0x13C8] =	vst v0  }
0x17c: {  	[tilespmem:$0x13B8] =	vst v0  }
0x17d: {  	[tilespmem:$0x13A8] =	vst v0  }
0x17e: {  	[tilespmem:$0x1398] =	vst v0  }
0x17f: {  	[tilespmem:$0x1388] =	vst v0  }
0x180: {  	[tilespmem:$0x1378] =	vst v0  }
0x181: {  	[tilespmem:$0x1368] =	vst v0  }
0x182: {  	[tilespmem:$0x1358] =	vst v0  }
0x183: {  	[tilespmem:$0x1348] =	vst v0  }
0x184: {  	[tilespmem:$0x1338] =	vst v0  }
0x185: {  	[tilespmem:$0x1328] =	vst v0  }
0x186: {  	[tilespmem:$0x1318] =	vst v0  }
0x187: {  	[tilespmem:$0x1308] =	vst v0  }
0x188: {  	[tilespmem:$0x12F8] =	vst v0  }
0x189: {  	[tilespmem:$0x12E8] =	vst v0  }
0x18a: {  	[tilespmem:$0x12D8] =	vst v0  }
0x18b: {  	[tilespmem:$0x12C8] =	vst v0  }
0x18c: {  	[tilespmem:$0x12B8] =	vst v0  }
0x18d: {  	[tilespmem:$0x12A8] =	vst v0  }
0x18e: {  	[tilespmem:$0x1298] =	vst v0  }
0x18f: {  	[tilespmem:$0x1288] =	vst v0  }
0x190: {  	[tilespmem:$0x1278] =	vst v0  }
0x191: {  	[tilespmem:$0x1268] =	vst v0  }
0x192: {  	[tilespmem:$0x1258] =	vst v0  }
0x193: {  	[tilespmem:$0x1248] =	vst v0  }
0x194: {  	[tilespmem:$0x1238] =	vst v0  }
0x195: {  	[tilespmem:$0x1228] =	vst v0  }
0x196: {  	[tilespmem:$0x1218] =	vst v0  }
0x197: {  	[tilespmem:$0x1208] =	vst v0  }
0x198: {  	[tilespmem:$0x11F8] =	vst v0  }
0x199: {  	[tilespmem:$0x11E8] =	vst v0  }
0x19a: {  	[tilespmem:$0x11D8] =	vst v0  }
0x19b: {  	[tilespmem:$0x11C8] =	vst v0  }
0x19c: {  	[tilespmem:$0x11B8] =	vst v0  }
0x19d: {  	[tilespmem:$0x11A8] =	vst v0  }
0x19e: {  	[tilespmem:$0x1198] =	vst v0  }
0x19f: {  	[tilespmem:$0x1188] =	vst v0  }
0x1a0: {  	[tilespmem:$0x1178] =	vst v0  }
0x1a1: {  	[tilespmem:$0x1168] =	vst v0  }
0x1a2: {  	[tilespmem:$0x1158] =	vst v0  }
0x1a3: {  	[tilespmem:$0x1148] =	vst v0  }
0x1a4: {  	[tilespmem:$0x1138] =	vst v0  }
0x1a5: {  	[tilespmem:$0x1128] =	vst v0  }
0x1a6: {  	[tilespmem:$0x1118] =	vst v0  }
0x1a7: {  	[tilespmem:$0x1108] =	vst v0  }
0x1a8: {  	[tilespmem:$0x10F8] =	vst v0  }
0x1a9: {  	[tilespmem:$0x10E8] =	vst v0  }
0x1aa: {  	[tilespmem:$0x10D8] =	vst v0  }
0x1ab: {  	[tilespmem:$0x10C8] =	vst v0  }
0x1ac: {  	s6 =	stileid.u32;
	[tilespmem:$0x10B8] =	vst v0  }
0x1ad: {  	s7 =	smul.u32 $0x2010, s6;
	[tilespmem:$0x10A8] =	vst v0  }
0x1ae: {  	[tilespmem:$0x1028] =	vst v0  }
0x1af: {  	s3 =	simm.s32 $0x2;
	[tilespmem:$0x1088] =	vst v0;
	s0 =	smin.u32 s7, $0x1DFF0  }
0x1b0: {  	s9 =	simm.s32 $0x9;
	s11 =	simm.s32 $0xA;
	[tilespmem:$0x1078] =	vst v0;
	s8 =	sadd.s32 $0x2010, s0  }
0x1b1: {  	s29 =	simm.s32 $0xB;
	s16 =	simm.s32 $0x0;
	[tilespmem:$0x1068] =	vst v0;
	s0 =	ssub.s32 s8, s7  }
0x1b2: {  	p4 =	por $0x0, $0x0;
	s17 =	simm.s32 $0xC;
	[tilespmem:$0x1058] =	vst v0;
	p0 =	sgt.s32 s0, $0x0  }
0x1b3: {  	s21 =	simm.s32 $0x0;
	s18 =	simm.s32 $0x0;
	[tilespmem:$0x1048] =	vst v0;
	s0 =	simm.s32 @!p0 $0x0  }
0x1b4: {  	s20 =	simm.s32 $0x0;
	s5 =	sand.u32 $0x1, s2;
	[tilespmem:$0x1038] =	vst v0;
	s1 =	smulhi.u32 $0x97B426, s0  }
0x1b5: {  	s31 =	sshll.u32 s6, $0x5;
	[tilespmem:$0x1018] =	vst v0;
	[sflag:s3] =	ssyncpa.u1 $0x0;
	s3 =	sadd.s32 $0x52E00, s12  }
0x1b6: {  	v0 =	vimm.s32 $0xFFFFFFFF;
	[dreg:$0x6] =	wrdreg s5;
	s5 =	sshll.u32 s5, $0xE;
	s28 =	smul.u32 $0x1B0, s1  }
.Ltmp0:
0x1b7: {  	[dreg:$0x5] =	wrdreg s31;
	[tilespmem:$0x3648] =	vst v0;
	[sflag:s9] =	ssyncpa.u1 $0x0;
	(pc) =	sbr.rel .LBB2_1-.Ltmp0, $4  }
0x1b8: {  	s30 =	sadd.s32 s5, s12;
	s19 =	smov.u32 s7;
	p0 =	sne.s32 s0, s28  }
0x1b9: {  	[dreg:$0x7] =	wrdreg s7;
	[sflag:s11] =	ssyncpa.u1 $0x0;
	s13 =	simm.s32 @!p0 $0x0  }
0x1ba: {  	s14 =	sadd.s32 $0x4AE00, s30;
	s15 =	sadd.s32 $0x42E00, s30;
	s12 =	sadd.s32 s13, s1  }
0x1bb: {  	v0 =	vlaneseq.u32;
	[sflag:s29] =	ssyncpa.u1 $0x0;
	p0 =	por $0x1, $0x1;
	s6 =	sadd.s32 $0x1, s12  }
.LBB2_18:
0x1bc: {  	s0 =	simm.s32 $0x2  }
0x1bd: {  	_ =	swait.ge [sflag:s0], $0x0  }
0x1be: {  	[sflag:s0] =	ssyncset.done $0x0;
	s0 =	simm.s32 $0x0  }
.LBB2_19:
0x1bf: {  	_ =	swait.ge [sflag:s17], s0  }
0x1c0: {  	s31 =	ssub.s32 $0x0, s0;
	v1 =	vmov s23;
	vm0 =	veq.s32 v0, $0x0;
	[sflag:s17] =	ssyncset.done $0x0  }
0x1c1: {  	vm15 =	veq.s32 v0, $0x2;
	v1 =	vsel vm0, s28, v1;
	[sflag:s17] =	ssyncadd.s32 s31  }
0x1c2: {  	v1 =	vsel vm15, s21, v1;
	[sflag:s17] =	ssyncpa.u1 $0x1  }
0x1c3: {  	[tilespmem:$0x3648] =	vst v1  }
.LBB2_20:
0x1c4: {  	s0 =	sadd.s32 $0x1B0, s19  }
0x1c5: {  	s1 =	smov.u32 s7;
	p1 =	slt.s32 s0, s8  }
0x1c6: {  	s1 =	smov.u32 @p1 s0;
	p1 =	sne.s32 s20, s6  }
.Ltmp1:
0x1c7: {  	_ = 	snop;
	(pc) =	sbr.rel @!p1 .LBB2_21-.Ltmp1, $4  }
0x1c8: {  	_ = 	snop  }
0x1c9: {  	s21 =	smov.u32 s18  }
0x1ca: {  	s31 =	sadd.s32 $0x1, s20;
	s18 =	smov.u32 s19;
	p0 =	por !p0, !p0  }
0x1cb: {  	p4 =	por !p4, !p4;
	s20 =	smov.u32 s31;
	s19 =	smov.u32 s1  }
.LBB2_1:
0x1cc: {  	p2 =	sge.u32 s20, s12  }
0x1cd: {  	s0 =	smulhi.u32 @!p2 $0xAAAAAAAB, s20  }
0x1ce: {  	s1 =	smov.u32 s19;
	p3 =	sgt.s32 @!p2 s19, $0x1FE50  }
0x1cf: {  	s2 =	sshra.s32 @!p2 s19, $0x1F;
	p3 =	por !p3, p2;
	s0 =	sshrl.u32 @!p2 s0, $0x1  }
0x1d0: {  	s2 =	sand.u32 @!p2 s2, s19;
	s1 =	simm.s32 @p3 $0x1FE50;
	s0 =	smul.u32 @!p2 $0x3, s0  }
0x1d1: {  	s1 =	ssub.s32 @!p2 s1, s2  }
0x1d2: {  	s23 =	sadd.s32 $0xFFFFFFFF, s20;
	s1 =	sadd.s32 @!p2 $0xFFFE01B0, s1;
	s0 =	ssub.s32 @!p2 s20, s0  }
0x1d3: {  	s2 =	sshll.u32 @!p2 s1, $0x2;
	p3 =	sgt.s32 @!p2 s1, $0x1AF;
	s0 =	smul.u32 @!p2 $0x6C0, s0  }
0x1d4: {  	s5 =	sand.u32 @!p2 $0x7, s19;
	s1 =	ssub.s32 @!p2 $0x6C0, s2;
	p3 =	por !p3, p2  }
0x1d5: {  	s2 =	sshrl.u32 @!p2 s19, $0x3;
	s1 =	sshrl.u32 @!p2 s1, $0x2;
	s0 =	sshrl.u32 @!p2 s0, $0x2  }
0x1d6: {  	s2 =	sadd.s32 @!p2 s2, s14;
	s1 =	simm.s32 @!p3 $0x0;
	s0 =	sadd.s32 @!p2 $0x3888, s0  }
0x1d7: {  	[tilespmem:s0], [sflag:$0xA] =	stream.linear.gather @!p2 [hbm4b:s2+s5], s1, $0x38;
	[tilespmem:$0x1F0F8] =	vst v63  }
0x1d8: {  	p2 =	sge.u32 s23, s12  }
0x1d9: {  	p3 =	sgt.s32 @!p2 s18, $0x1FE50  }
0x1da: {  	s0 =	smov.u32 s18;
	s1 =	sshra.s32 @!p2 s18, $0x1F;
	p3 =	por !p3, p2  }
0x1db: {  	s1 =	sand.u32 @!p2 s1, s18;
	s0 =	simm.s32 @p3 $0x1FE50  }
0x1dc: {  	s0 =	ssub.s32 @!p2 s0, s1  }
0x1dd: {  	s0 =	sadd.s32 @!p2 $0xFFFE01B0, s0  }
0x1de: {  	s1 =	sshll.u32 @!p2 s0, $0x2  }
0x1df: {  	p3 =	sgt.s32 @!p2 s0, $0x1AF;
	s0 =	ssub.s32 @!p2 $0x6C0, s1  }
0x1e0: {  	s22 =	ssub.s32 @!p2 $0x20000, s18;
	p3 =	por !p3, p2;
	s0 =	sshrl.u32 @!p2 s0, $0x2  }
0x1e1: {  	s1 =	sand.u32 @!p2 $0x1, s23;
	s0 =	simm.s32 @!p3 $0x0;
	p3 =	slt.s32 @!p2 s22, $0x1  }
0x1e2: {  	s2 =	simm.s32 @!p2 $0xA;
	s1 =	smul.u32 @!p2 $0x6C0, s1;
	p3 =	por p2, p3  }
.Ltmp2:
0x1e3: {  	_ =	swait.ge @!p2 [sflag:s2], s0;
	(pc) =	sbr.rel @p3 .LBB2_7-.Ltmp2, $4  }
0x1e4: {  	s5 =	ssub.s32 @!p2 $0x0, s0;
	[sflag:s2] =	ssyncset.done @!p2 $0x0  }
0x1e5: {  	s1 =	sshrl.u32 @!p2 s1, $0x2;
	[sflag:s2] =	ssyncadd.s32 @!p2 s5;
	s2 =	sshrl.u32 @!p2 s18, $0x3  }
0x1e6: {  	s1 =	sadd.s32 @!p2 $0x3D98, s1;
	s5 =	sand.u32 @!p2 $0x7, s18;
	s2 =	sadd.s32 @!p2 s2, s15  }
0x1e7: {  	[tilespmem:s1], [sflag:$0xB] =	stream.linear.gather @!p2 [hbm4b:s2+s5], s0, $0x38;
	[tilespmem:$0x1F0F8] =	vst v63  }
0x1e8: {  	s0 =	smulhi.u32 $0xAAAAAAAB, s23;
	_ =	sdelay $0x1  }
0x1e9: {  	s0 =	sshrl.u32 s0, $0x1  }
0x1ea: {  	s0 =	smul.u32 $0x3, s0;
	_ =	sdelay $0x1  }
0x1eb: {  	s0 =	ssub.s32 s23, s0  }
0x1ec: {  	s1 =	simm.s32 $0x1;
	s0 =	smul.u32 $0x6C0, s0  }
.Ltmp3:
0x1ed: {  	s1 =	simm.s32 @!p0 $0x0;
	(pc) =	sbr.rel .LBB2_4-.Ltmp3, $4  }
0x1ee: {  	s1 =	smul.u32 $0x36000, s1  }
0x1ef: {  	p3 =	slt.s32 @!p2 s22, $0x1B0;
	s0 =	sshrl.u32 s0, $0x2  }
0x1f0: {  	p2 =	por !p3, p2;
	s1 =	sshrl.u32 s1, $0x2;
	s0 =	sadd.s32 $0x3888, s0  }
0x1f1: {  	s24 =	simm.s32 $0x0;
	s22 =	simm.s32 @p2 $0x1B0;
	s23 =	sadd.s32 $0x40F8, s1;
	v1 =	vmov s0  }
.LBB2_3:
0x1f2: {  	p2 =	sge.s32 s24, s22  }
.Ltmp4:
0x1f3: {  	_ = 	snop;
	(pc) =	sbr.rel @p2 .LBB2_7-.Ltmp4, $2  }
0x1f4: {  	_ =	sdelay $0x2  }
0x1f5: {  	s23 =	sadd.s32 $0x800, s23  }
.LBB2_4:
0x1f6: {  	p2 =	sle.s32 s22, s24  }
.Ltmp5:
0x1f7: {  	_ = 	snop;
	(pc) =	sbr.rel @p2 .LBB2_3-.Ltmp5, $2  }
0x1f8: {  	_ =	sdelay $0x2  }
0x1f9: {  	s0 =	smov.u32 s24;
	s24 =	sadd.s32 $0x10, s24  }
0x1fa: {  	s1 =	ssub.s32 s22, s0  }
0x1fb: {  	p2 =	slt.s32 s1, $0x10  }
0x1fc: {  	s1 =	simm.s32 @!p2 $0x10  }
0x1fd: {  	v2 =	vmov s1  }
0x1fe: {  	vm0 =	vgt.s32 v2, v0;
	_ =	sdelay $0x5  }
0x1ff: {  	v2 =	vld.idx.msk [tilespmem:v1+s0+$0x0 ss:$0x1], vm0;
	_ =	sdelay $0x2  }
0x200: {  	p2 =	slt.s32 s24, s22;
	s1 =	smov.u32 s22  }
0x201: {  	s2 =	smov.u32 s23;
	s25 =	simm.s32 $0x0;
	s1 =	smov.u32 @p2 s24  }
.LBB2_6:
0x202: {  	(v2sf) =	vpush v2, s25;
	_ =	sdelay $0xc  }
0x203: {  	s25 =	sadd.s32 $0x1, s25  }
0x204: {  	s31 =	sadd.s32 s25, s0  }
0x205: {  	p2 =	slt.s32 s31, s1;
	s5 =	spop (v2sf)  }
.Ltmp6:
0x206: {  	s5 =	sshll.u32 s5, $0x4;
	(pc) =	sbr.rel @p2 .LBB2_6-.Ltmp6, $4  }
0x207: {  	s5 =	sand.u32 $0x1FFFFFF0, s5  }
0x208: {  	s5 =	sadd.s32 s4, s5  }
0x209: {  	[tilespmem:s2], [sflag:$0x9] =	stream.linear.gather [hbm4b:s5+s16], $0x8, $0x38;
	[tilespmem:$0x1F0F8] =	vst v63  }
0x20a: {  	s2 =	sadd.s32 $0x80, s2  }
.Ltmp7:
0x20b: {  	_ = 	snop;
	(pc) =	sbr.rel .LBB2_3-.Ltmp7, $1  }
0x20c: {  	_ =	sdelay $0x3  }
.LBB2_7:
0x20d: {  	p2 =	slt.u32 s20, $0x2  }
.Ltmp8:
0x20e: {  	_ = 	snop;
	(pc) =	sbr.rel @p2 .LBB2_20-.Ltmp8, $1  }
0x20f: {  	_ =	sdelay $0x3  }
0x210: {  	p2 =	sgt.s32 s21, $0x1FE50  }
0x211: {  	s0 =	smov.u32 s21;
	s1 =	sshra.s32 s21, $0x1F;
	s2 =	ssub.s32 $0x20000, s21  }
0x212: {  	s0 =	simm.s32 @!p2 $0x1FE50;
	s1 =	sand.u32 s1, s21;
	p2 =	slt.s32 s2, $0x1B0  }
0x213: {  	s0 =	ssub.s32 s0, s1;
	s2 =	simm.s32 @!p2 $0x1B0  }
0x214: {  	s0 =	sadd.s32 $0xFFFE01B0, s0;
	s24 =	sshll.u32 s2, $0x3  }
0x215: {  	s28 =	simm.s32 $0x9;
	s25 =	sshll.u32 s0, $0x2;
	s1 =	sand.u32 $0x3FFFFFF8, s24  }
0x216: {  	p2 =	sgt.s32 s0, $0x1AF;
	s26 =	ssub.s32 $0x6C0, s25;
	_ =	swait.ge [sflag:s28], s1  }
0x217: {  	s1 =	ssub.s32 $0x0, s1;
	[sflag:s28] =	ssyncset.done $0x0;
	s0 =	sshrl.u32 s26, $0x2  }
0x218: {  	s30 =	simm.s32 $0xB;
	[sflag:s28] =	ssyncadd.s32 s1;
	s0 =	simm.s32 @p2 $0x0  }
0x219: {  	_ =	swait.ge [sflag:s30], s0  }
0x21a: {  	s0 =	ssub.s32 $0x0, s0;
	[sflag:s30] =	ssyncset.done $0x0  }
0x21b: {  	[sflag:s30] =	ssyncadd.s32 s0  }
0x21c: {  	v1 =	vld [tilespmem:$0x3648];
	_ =	sdelay $0x4  }
0x21d: {  	(v2sf) =	vpush v1, $0x0  }
0x21e: {  	(v2sf) =	vpush v1, $0x1  }
0x21f: {  	(v2sf) =	vpush v1, $0x2;
	_ =	sdelay $0x3  }
0x220: {  	s0 =	sadd.s32 $0x1B0, s21  }
0x221: {  	s1 =	ssub.s32 $0x40000, s21;
	p2 =	slt.s32 s8, s0  }
0x222: {  	s0 =	smov.u32 @p2 s8;
	p2 =	sgt.s32 s1, $0x0  }
0x223: {  	s25 =	ssub.s32 s0, s21;
	s1 =	simm.s32 @!p2 $0x0  }
0x224: {  	p2 =	slt.s32 s1, s25  }
0x225: {  	s25 =	smov.u32 @p2 s1  }
0x226: {  	s24 =	simm.s32 $0x1;
	p2 =	slt.s32 s25, $0x1  }
.Ltmp9:
0x227: {  	s24 =	simm.s32 @!p4 $0x0;
	(pc) =	sbr.rel @p2 .LBB2_12-.Ltmp9, $4  }
0x228: {  	s31 =	smul.u32 $0x6C0, s24  }
0x229: {  	s26 =	spop (v2sf)  }
0x22a: {  	s0 =	sshrl.u32 s31, $0x2;
	s29 =	spop (v2sf)  }
0x22b: {  	s22 =	sadd.s32 $0x3D98, s0;
	s21 =	spop (v2sf)  }
0x22c: {  	s0 =	smin.u32 s25, $0x10  }
0x22d: {  	v1 =	vmov s0  }
0x22e: {  	p3 =	sgt.s32 s25, $0x10;
	vm1 =	vgt.u32 v1, v0  }
.Ltmp10:
0x22f: {  	_ = 	snop;
	(pc) =	sbr.rel @!p3 .LBB2_11-.Ltmp10, $2  }
0x230: {  	_ =	sdelay $0x2  }
0x231: {  	s23 =	simm.s32 $0x10;
	s28 =	sadd.s32 $0xFFFFFFF0, s25;
	s0 =	smov.u32 s22;
	vm0 =	vmmov vm1  }
.LBB2_10:
0x232: {  	s1 =	smin.u32 s28, $0x10;
	s23 =	sadd.s32 $0x10, s23;
	v1 =	vld.msk [tilespmem:s0+$0x0 ss:$0x1], vm1  }
0x233: {  	v2 =	vmov s1;
	p3 =	slt.s32 s23, s25  }
0x234: {  	vm1 =	vgt.u32 v2, v0  }
.Ltmp11:
0x235: {  	(pc) =	sbr.rel @p3 .LBB2_10-.Ltmp11, $3  }
0x236: {  	_ =	sdelay $0x1  }
0x237: {  	v1 =	vshll.u32 v1, $0x4  }
0x238: {  	s28 =	sadd.s32 $0xFFFFFFF0, s28;
	[tilespmem:s0+$0x0] =	vst.msk vm0, v1;
	s0 =	sadd.s32 $0x10, s0;
	vm0 =	vmmov vm1  }
.LBB2_11:
0x239: {  	_ =	sdelay $0x4  }
0x23a: {  	v1 =	vld.msk [tilespmem:s0+$0x0 ss:$0x1], vm1;
	_ =	sdelay $0x4  }
0x23b: {  	v1 =	vshll.u32 v1, $0x4  }
0x23c: {  	[tilespmem:s0+$0x0] =	vst.msk vm0, v1  }
.LBB2_12:
0x23d: {  	s0 =	sand.u32 $0x1, s20  }
0x23e: {  	s0 =	smul.u32 $0x1B0, s0  }
0x23f: {  	p3 =	sne.s32 s29, $0xFFFFFFFF  }
0x240: {  	v1 =	vld.msk @!p3 [tilespmem:s0+$0x3D98], $0x1;
	_ =	sdelay $0x4  }
0x241: {  	(v2sf) =	vpush @!p3 v1, $0x0;
	_ =	sdelay $0xc  }
.Ltmp12:
0x242: {  	_ = 	snop;
	(pc) =	sbr.rel @p2 .LBB2_18-.Ltmp12, $4  }
0x243: {  	_ = 	snop  }
0x244: {  	s28 =	spop @!p3 (v2sf)  }
0x245: {  	s21 =	simm.s32 @!p3 $0x0;
	s23 =	smov.u32 s28  }
0x246: {  	[sflag:s17] =	ssyncpa.u1 $0x0;
	s28 =	smov.u32 @p3 s26;
	s23 =	smov.u32 @p3 s29  }
0x247: {  	v1 =	vld.msk [tilespmem:s22+$0x0], $0x1;
	_ =	sdelay $0x4  }
0x248: {  	(v2sf) =	vpush v1, $0x0;
	_ =	sdelay $0xe  }
0x249: {  	s0 =	simm.s32 @!p4 $0x0;
	s26 =	smul.u32 $0x36000, s24;
	s31 =	spop (v2sf)  }
0x24a: {  	s29 =	ssub.s32 $0x0, s25;
	s0 =	simm.s32 @p4 $0x1;
	p2 =	seq.s32 s28, s31  }
0x24b: {  	s1 =	smov.u32 s28;
	[smem:$0x7FD] =	sst s0;
	p3 =	sgt.s32 @!p2 s28, $0x0  }
0x24c: {  	s0 =	sshrl.u32 s26, $0x2;
	s26 =	sadd.s32 $0x1, s29;
	p3 =	por !p3, p2  }
0x24d: {  	s1 =	simm.s32 @p3 $0x0;
	p3 =	seq.s32 s26, $0x0  }
.Ltmp13:
0x24e: {  	_ = 	snop;
	(pc) =	sbr.rel @p3 .LBB2_15-.Ltmp13, $4  }
0x24f: {  	s7 =	smov.u32 s6;
	s25 =	simm.s32 $0x0  }
0x250: {  	s24 =	sadd.s32 $0x40F8, s0;
	s0 =	simm.s32 @!p2 $0x1;
	s2 =	smin.u32 @!p2 s1, $0x3FFFFF  }
0x251: {  	s30 =	sadd.s32 $0x1, s22;
	s0 =	smov.u32 @p2 s25;
	s5 =	sand.u32 @!p2 $0x3FFFF8, s2  }
0x252: {  	s1 =	simm.s32 @!p2 $0x1B38;
	s2 =	sand.u32 @!p2 $0x7, s2;
	s5 =	sadd.s32 @!p2 s3, s5  }
.LBB2_14:
0x253: {  	s6 =	smov.u32 s0  }
0x254: {  	[tilespmem:s1], [sflag:$0x2] =	stream.linear.gather @!p2 [hbm4b:s5+s2], $0x8, $0x38;
	[tilespmem:$0x1F0F8] =	vst v63  }
0x255: {  	s26 =	sadd.s32 $0x1, s26;
	s2 =	smov.u32 s31;
	v1 =	vld.msk [tilespmem:s30+$0x0], $0x1  }
0x256: {  	p3 =	seq.s32 s26, $0x0;
	_ =	sdelay $0x3  }
0x257: {  	(v2sf) =	vpush v1, $0x0;
	_ =	sdelay $0xe  }
0x258: {  	s31 =	spop (v2sf)  }
0x259: {  	p2 =	seq.s32 s2, s31  }
0x25a: {  	p4 =	sgt.s32 @!p2 s2, $0x0;
	s1 =	sshll.u32 @!p2 s0, $0x6;
	s0 =	sadd.s32 @!p2 $0x1, s0  }
.Ltmp14:
0x25b: {  	p4 =	por !p4, p2;
	s1 =	sshra.s32 @!p2 s1, $0x2;
	(pc) =	sbr.rel @!p3 .LBB2_14-.Ltmp14, $4  }
0x25c: {  	s0 =	smov.u32 @p2 s6;
	s2 =	simm.s32 @p4 $0x0;
	s1 =	sadd.s32 @!p2 $0x1B38, s1  }
0x25d: {  	s2 =	smin.u32 @!p2 s2, $0x3FFFFF  }
0x25e: {  	s5 =	sand.u32 @!p2 $0x3FFFF8, s2;
	s2 =	sand.u32 @!p2 $0x7, s2  }
0x25f: {  	s30 =	sadd.s32 $0x1, s30;
	s5 =	sadd.s32 @!p2 s3, s5  }
.LBB2_15:
0x260: {  	[tilespmem:s1], [sflag:$0x2] =	stream.linear.gather @!p2 [hbm4b:s5+s2], $0x8, $0x38;
	[tilespmem:$0x1F0F8] =	vst v63  }
0x261: {  	s0 =	sshll.u32 s0, $0x3  }
0x262: {  	s31 =	simm.s32 $0x2;
	s0 =	sand.u32 $0x3FFFFFF8, s0  }
0x263: {  	_ =	swait.ge [sflag:s31], s0  }
0x264: {  	s0 =	ssub.s32 $0x0, s0;
	[sflag:s31] =	ssyncset.done $0x0  }
0x265: {  	[sflag:s31] =	ssyncadd.s32 s0  }
0x266: {  	v1 =	vld.msk [tilespmem:s22+$0x0], $0x1;
	_ =	sdelay $0x4  }
0x267: {  	(v2sf) =	vpush v1, $0x0;
	_ =	sdelay $0xe  }
0x268: {  	s26 =	spop (v2sf)  }
0x269: {  	p2 =	sne.s32 s28, s26  }
0x26a: {  	p4 =	sne.s32 @p2 s28, s23  }
0x26b: {  	p3 =	por !p4, !p2  }
0x26c: {  	s0 =	simm.s32 @!p3 $0x0  }
0x26d: {  	v1 =	vld.msk @!p3 [tilespmem:s0+$0x1B38], $0xff  }
0x26e: {  	p5 =	sgt.u32 @!p3 s28, $0x3FFFFF  }
0x26f: {  	s1 =	sshll.u32 @!p3 s21, $0x6;
	p6 =	por @p2 p5, !p4  }
0x270: {  	s1 =	sshra.s32 @!p3 s1, $0x2;
	p1 =	por p6, !p2;
	p6 =	por p4, !p2  }
0x271: {  	s2 =	sadd.s32 @!p3 $0x28, s1;
	s5 =	sand.u32 @!p1 $0x3FFFF8, s28;
	s6 =	sshll.u32 @!p6 s21, $0x6  }
0x272: {  	s28 =	sand.u32 @!p1 $0x7, s28;
	[tilespmem:s1+$0x28] =	vst.add.f32.msk @!p3 $0xff, v1;
	s1 =	sadd.s32 @!p1 s3, s5;
	s5 =	sshra.s32 @!p6 s6, $0x2  }
0x273: {  	[hbm4b:s1+s28] =	stream.linear.scatter @!p1 [tilespmem:s2], [sflag:$0xC], $0x8, $0x38;
	[tilespmem:$0x1F0F8] =	vst v63  }
0x274: {  	s0 =	rddreg [dreg:$0x5];
	s1 =	sadd.s32 @!p6 $0x28, s5;
	s2 =	simm.s32 @!p6 $0x1  }
0x275: {  	[spmem:s0] =	stream.linear.scatter @!p6 [tilespmem:s1], [sflag:$0x1], $0x8, $0x38;
	[tilespmem:$0x1F0F8] =	vst v63  }
0x276: {  	s0 =	sadd.s32 @p2 $0x1, s21;
	_ =	swait.ge @!p6 [sflag:s2], $0x8  }
0x277: {  	s1 =	sshrl.u32 @p2 s0, $0x4;
	[sflag:s2] =	ssyncset.done @!p6 $0x0  }
0x278: {  	s1 =	smulhi.u32 @p2 $0x97B425F, s1;
	[sflag:s2] =	ssyncadd.s32 @!p6 $0xFFFFFFF8  }
0x279: {  	s28 =	sadd.s32 $0x1, s29;
	v1 =	vld.msk @p2 [tilespmem:s24+$0x0], $0xff  }
0x27a: {  	p1 =	por @p2 !p5, !p4;
	p4 =	seq.s32 s28, $0x0;
	s1 =	smul.u32 @p2 $0x1B0, s1  }
.Ltmp15:
0x27b: {  	p1 =	por !p1, !p2;
	s2 =	simm.s32 @!p3 $0x0;
	(pc) =	sbr.rel @p4 .LBB2_17-.Ltmp15, $4  }
0x27c: {  	s5 =	sshll.u32 @!p2 s21, $0x6;
	s2 =	simm.s32 @!p1 $0x20;
	s0 =	ssub.s32 @p2 s0, s1  }
0x27d: {  	s29 =	simm.s32 $0x0;
	s2 =	sadd.s32 @!p3 $0x0, s2;
	s6 =	sshll.u32 @p2 s0, $0x4  }
0x27e: {  	s30 =	sshra.s32 @!p2 s5, $0x2;
	s1 =	simm.s32 @p2 $0x1;
	s2 =	smov.u32 @p3 s25;
	[tilespmem:s6+$0x28] =	vst.msk @p2 $0xff, v1  }
0x27f: {  	s21 =	smov.u32 @p2 s0;
	s29 =	smov.u32 @p2 s2;
	s25 =	smov.u32 @p2 s1;
	v1 =	vld.msk @!p2 [tilespmem:s24+$0x0], $0xff  }
.LBB2_16:
0x280: {  	_ =	sdelay $0x3  }
0x281: {  	s22 =	sadd.s32 $0x1, s22;
	[tilespmem:s30+$0x28] =	vst.add.f32.msk @!p2 $0xff, v1  }
0x282: {  	v1 =	vld.msk [tilespmem:s22+$0x0], $0x1;
	_ =	sdelay $0x4  }
0x283: {  	(v2sf) =	vpush v1, $0x0;
	_ =	sdelay $0xe  }
0x284: {  	s0 =	smov.u32 s26;
	s26 =	spop (v2sf)  }
0x285: {  	p2 =	sne.s32 s0, s26  }
0x286: {  	p5 =	sne.s32 @p2 s0, s23  }
0x287: {  	s5 =	sshll.u32 @!p2 s21, $0x6;
	p4 =	por !p5, !p2  }
0x288: {  	s30 =	sshra.s32 @!p2 s5, $0x2;
	s5 =	sshll.u32 @!p4 s25, $0x6  }
0x289: {  	s5 =	sshra.s32 @!p4 s5, $0x2  }
0x28a: {  	p1 =	sgt.u32 @!p4 s0, $0x3FFFFF;
	v1 =	vld.msk @!p4 [tilespmem:s5+$0x1B38], $0xff  }
0x28b: {  	s31 =	sshll.u32 @!p4 s21, $0x6;
	p6 =	por @p2 p1, !p5;
	p1 =	por @p2 !p1, !p5  }
0x28c: {  	s9 =	simm.s32 @!p4 $0x0;
	s31 =	sshra.s32 @!p4 s31, $0x2;
	p1 =	por !p1, !p2  }
0x28d: {  	p5 =	por p5, !p2;
	s9 =	simm.s32 @!p1 $0x20;
	p1 =	por p6, !p2  }
0x28e: {  	s5 =	sadd.s32 @!p4 $0x28, s31;
	s13 =	sshll.u32 @!p5 s21, $0x6;
	s11 =	sand.u32 @!p1 $0x3FFFF8, s0  }
0x28f: {  	s13 =	sshra.s32 @!p5 s13, $0x2;
	s0 =	sand.u32 @!p1 $0x7, s0;
	s11 =	sadd.s32 @!p1 s3, s11;
	[tilespmem:s31+$0x28] =	vst.add.f32.msk @!p4 $0xff, v1  }
0x290: {  	[hbm4b:s11+s0] =	stream.linear.scatter @!p1 [tilespmem:s5], [sflag:$0xC], $0x8, $0x38;
	[tilespmem:$0x1F0F8] =	vst v63  }
0x291: {  	s1 =	rddreg [dreg:$0x5];
	s0 =	sadd.s32 @!p5 $0x28, s13;
	s5 =	simm.s32 @!p5 $0x1  }
0x292: {  	[spmem:s1] =	stream.linear.scatter @!p5 [tilespmem:s0], [sflag:$0x1], $0x8, $0x38;
	[tilespmem:$0x1F0F8] =	vst v63  }
0x293: {  	s2 =	sadd.s32 @p2 $0x1, s21;
	_ =	swait.ge @!p5 [sflag:s5], $0x8  }
0x294: {  	s6 =	sshrl.u32 @p2 s2, $0x4;
	[sflag:s5] =	ssyncset.done @!p5 $0x0  }
0x295: {  	s24 =	sadd.s32 $0x80, s24;
	s6 =	smulhi.u32 @p2 $0x97B425F, s6;
	[sflag:s5] =	ssyncadd.s32 @!p5 $0xFFFFFFF8  }
0x296: {  	s28 =	sadd.s32 $0x1, s28;
	v1 =	vld.msk @p2 [tilespmem:s24+$0x0], $0xff  }
0x297: {  	p3 =	seq.s32 s28, $0x0;
	s6 =	smul.u32 @p2 $0x1B0, s6  }
.Ltmp16:
0x298: {  	_ = 	snop;
	(pc) =	sbr.rel @!p3 .LBB2_16-.Ltmp16, $4  }
0x299: {  	s2 =	ssub.s32 @p2 s2, s6  }
0x29a: {  	s9 =	sadd.s32 @!p4 s9, s29;
	s6 =	sshll.u32 @p2 s2, $0x4  }
0x29b: {  	s10 =	sadd.s32 @p2 $0x1, s25;
	s9 =	smov.u32 @p4 s29;
	[tilespmem:s6+$0x28] =	vst.msk @p2 $0xff, v1  }
0x29c: {  	s25 =	smov.u32 @p2 s10;
	s21 =	smov.u32 @p2 s2;
	s29 =	smov.u32 @p2 s9;
	v1 =	vld.msk @!p2 [tilespmem:s24+$0x0], $0xff  }
.LBB2_17:
.Ltmp17:
0x29d: {  	_ = 	snop;
	(pc) =	sbr.rel .LBB2_19-.Ltmp17, $3  }
0x29e: {  	s1 =	sld [smem:$0x7FD];
	_ =	sdelay $0x1  }
0x29f: {  	s0 =	sshrl.u32 s29, $0x2;
	s28 =	smov.u32 s26  }
0x2a0: {  	s6 =	smov.u32 s7;
	s7 =	rddreg [dreg:$0x7];
	p4 =	seq.s32 s1, $0x1;
	[tilespmem:s30+$0x28] =	vst.add.f32.msk @!p2 $0xff, v1  }
.LBB2_21:
0x2a1: {  	_ =	sfence.sel $0x180000  }
0x2a2: {  	s0 =	simm.s32 $0x9;
	[bflag:$0x0] =	sbarrier.arrive $0xFFFF  }
0x2a3: {  	s24 =	simm.s32 $0xA;
	[sflag:s0] =	ssyncpa.u1 $0x1  }
0x2a4: {  	s25 =	simm.s32 $0xB;
	[sflag:s24] =	ssyncpa.u1 $0x1  }
0x2a5: {  	s26 =	simm.s32 $0x2;
	[sflag:s25] =	ssyncpa.u1 $0x1  }
0x2a6: {  	[sflag:s26] =	ssyncpa.u1 $0x1  }
0x2a7: {  	v0 =	vld [tilespmem:$0x3648];
	_ =	sdelay $0x4  }
0x2a8: {  	(v2sf) =	vpush v0, $0x0  }
0x2a9: {  	(v2sf) =	vpush v0, $0x1;
	_ =	sdelay $0x1  }
0x2aa: {  	(v2sf) =	vpush v0, $0x2;
	_ =	sdelay $0xb  }
0x2ab: {  	s0 =	spop (v2sf)  }
0x2ac: {  	s1 =	spop (v2sf)  }
0x2ad: {  	s2 =	smov.u32 s0;
	p0 =	sne.s32 s0, s1  }
0x2ae: {  	s4 =	spop (v2sf);
	s2 =	simm.s32 @!p0 $0xFFFFFFFF  }
0x2af: {  	v2 =	vimm.s32 $0x1;
	v3 =	vlaneseq.u32;
	p0 =	seq.s32 s4, $0xFFFFFFFF;
	v1 =	vmov s2  }
0x2b0: {  	s16 =	stileid.u32;
	v0 =	vperm.xlane v0, v2;
	p1 =	sne.s32 @!p0 s0, s1;
	v1 =	vperm.xlane v1, v3  }
0x2b1: {  	vm0 =	vcmask $0x3F04;
	s6 =	simm.s32 $0x3648;
	s0 =	simm.s32 @!p0 $0x1;
	p1 =	por !p1, p0  }
0x2b2: {  	s2 =	sshll.u32 s16, $0x1;
	s1 =	sshll.u32 @!p0 s4, $0x6;
	s0 =	simm.s32 @p1 $0x0;
	v0 =	vsel vm0, v1, v0  }
0x2b3: {  	s5 =	sor.u32 $0x200, s2;
	s1 =	sshra.s32 @!p0 s1, $0x2;
	s0 =	sor.u32 @!p0 s0, s2;
	[tilespmem:$0x3648] =	vst v0  }
0x2b4: {  	[spmem:s5] =	stream.linear.scatter [tilespmem:s6], [sflag:$0x1], $0x2, $0x38;
	[tilespmem:$0x1F0F8] =	vst v63  }
0x2b5: {  	s1 =	sadd.s32 @!p0 $0x28, s1;
	s0 =	sshll.u32 @!p0 s0, $0x4  }
0x2b6: {  	[spmem:s0] =	stream.linear.scatter @!p0 [tilespmem:s1], [sflag:$0x1], $0x10, $0x38;
	[tilespmem:$0x1F0F8] =	vst v63  }
0x2b7: {  	s0 =	simm.s32 @!p0 $0x12  }
0x2b8: {  	s28 =	simm.s32 $0x1;
	s0 =	simm.s32 @p0 $0x2  }
0x2b9: {  	_ =	swait.ge [sflag:s28], s0  }
0x2ba: {  	s0 =	ssub.s32 $0x0, s0;
	[sflag:s28] =	ssyncset.done $0x0  }
0x2bb: {  	p0 =	sne.s32 s16, $0x0;
	[sflag:s28] =	ssyncadd.s32 s0  }
.Ltmp18:
0x2bc: {  	_ =	sfence.stream.spmem;
	(pc) =	sbr.rel @p0 .LBB2_38-.Ltmp18, $4  }
0x2bd: {  	s29 =	simm.s32 $0x3;
	[bflag:$0x0] =	sbarrier.arrive $0xFFFF  }
0x2be: {  	s30 =	simm.s32 $0x4;
	[sflag:s29] =	ssyncpa.u1 $0x1  }
0x2bf: {  	s31 =	simm.s32 $0x3C;
	[sflag:s30] =	ssyncpa.u1 $0x1  }
0x2c0: {  	s17 =	rddreg [dreg:$0x6];
	[sflag:s31] =	ssyncpa.u1 $0x1  }
0x2c1: {  	_ =	sfence.stream.spmem;
	s0 =	simm.s32 $0x5  }
0x2c2: {  	s1 =	simm.s32 $0x200;
	s2 =	simm.s32 $0x3658;
	[sflag:s0] =	ssyncpa.u1 $0x0  }
0x2c3: {  	[tilespmem:s2], [sflag:$0x5] =	stream.linear.gather [spmem:s1], $0x20, $0x38;
	[tilespmem:$0x1F0F8] =	vst v63  }
0x2c4: {  	s26 =	simm.s32 $0x0;
	s28 =	simm.s32 $0x3678  }
0x2c5: {  	[tilespmem:s28], [sflag:$0x5] =	stream.linear.gather [spmem:s26], $0x200, $0x38;
	[tilespmem:$0x1F0F8] =	vst v63  }
0x2c6: {  	_ =	swait.ge [sflag:s0], $0x220  }
0x2c7: {  	[sflag:s0] =	ssyncset.done $0x0  }
0x2c8: {  	s29 =	simm.s32 $0x0;
	[sflag:s0] =	ssyncadd.s32 $0xFFFFFDE0  }
0x2c9: {  	v0 =	vld.msk [tilespmem:s29+$0x3658], $0x1;
	_ =	sdelay $0x1  }
0x2ca: {  	s30 =	simm.s32 $0x1  }
0x2cb: {  	v1 =	vld.msk [tilespmem:s30+$0x3658], $0x1;
	_ =	sdelay $0x1  }
0x2cc: {  	(v2sf) =	vpush v0, $0x0;
	_ =	sdelay $0x2  }
0x2cd: {  	(v2sf) =	vpush v1, $0x0;
	_ =	sdelay $0x2  }
0x2ce: {  	s31 =	simm.s32 $0x2  }
0x2cf: {  	v0 =	vld.msk [tilespmem:s31+$0x3658], $0x1;
	_ =	sdelay $0x2  }
0x2d0: {  	s4 =	simm.s32 $0xFFFFFFFF;
	s1 =	simm.s32 $0xFFFFFFFF;
	s0 =	simm.s32 $0xC  }
.LBB2_23:
0x2d1: {  	s2 =	smov.u32 s4;
	s5 =	smov.u32 s1  }
0x2d2: {  	s1 =	sshra.s32 s0, $0x2;
	p1 =	sne.s32 s0, $0x7C;
	s0 =	sadd.s32 $0x4, s0;
	(v2sf) =	vpush v0, $0x0  }
0x2d3: {  	v0 =	vld.msk [tilespmem:s1+$0x3658], $0x1  }
.Ltmp19:
0x2d4: {  	(pc) =	sbr.rel @p1 .LBB2_23-.Ltmp19, $4  }
0x2d5: {  	s4 =	spop (v2sf)  }
0x2d6: {  	p2 =	sne.s32 s5, $0xFFFFFFFF;
	s1 =	smov.u32 s4  }
0x2d7: {  	p3 =	seq.s32 s4, $0xFFFFFFFF;
	s1 =	smov.u32 @p2 s5  }
0x2d8: {  	s4 =	smov.u32 @p3 s2;
	s1 =	smov.u32 @p3 s5  }
0x2d9: {  	(v2sf) =	vpush v0, $0x0;
	_ =	sdelay $0x8  }
0x2da: {  	s0 =	spop (v2sf)  }
0x2db: {  	p1 =	sne.s32 s1, $0xFFFFFFFF;
	s2 =	smov.u32 s0  }
0x2dc: {  	s9 =	simm.s32 $0x6;
	p2 =	seq.s32 s0, $0xFFFFFFFF;
	s2 =	smov.u32 @p1 s1  }
0x2dd: {  	s10 =	simm.s32 $0x3638;
	s2 =	smov.u32 @p2 s1;
	s1 =	spop (v2sf)  }
0x2de: {  	s0 =	smov.u32 @p2 s4;
	p1 =	sne.s32 s2, $0xFFFFFFFF;
	s5 =	smov.u32 s1  }
.Ltmp20:
0x2df: {  	p2 =	seq.s32 s1, $0xFFFFFFFF;
	s5 =	smov.u32 @p1 s2;
	(pc) =	sbr.rel .LBB2_25-.Ltmp20, $4  }
0x2e0: {  	s11 =	simm.s32 $0x0;
	s5 =	smov.u32 @p2 s2;
	s7 =	spop (v2sf)  }
0x2e1: {  	[sflag:s9] =	ssyncpa.u1 $0x0;
	p1 =	sne.s32 s5, $0xFFFFFFFF;
	s8 =	smov.u32 s7  }
0x2e2: {  	s1 =	smov.u32 @p2 s0;
	p2 =	seq.s32 s7, $0xFFFFFFFF;
	s8 =	smov.u32 @p1 s5  }
0x2e3: {  	s4 =	simm.s32 $0x0;
	s7 =	smov.u32 @p2 s1;
	s8 =	smov.u32 @p2 s5  }
.LBB2_30:
0x2e4: {  	p1 =	sgt.u32 s12, $0x3FFFFF  }
0x2e5: {  	p2 =	seq.s32 @!p1 s12, s8  }
0x2e6: {  	p1 =	por p1, p2  }
0x2e7: {  	p2 =	sne.s32 @!p1 s12, s7  }
0x2e8: {  	p1 =	por p1, !p2  }
0x2e9: {  	s0 =	sshll.u32 @p1 s11, $0x6  }
0x2ea: {  	s0 =	sand.u32 @!p1 $0x3FFFF8, s12  }
0x2eb: {  	s1 =	sand.u32 @!p1 $0x7, s12;
	s0 =	sadd.s32 @!p1 s3, s0  }
0x2ec: {  	[tilespmem:s10], [sflag:$0x6] =	stream.linear.gather @!p1 [hbm4b:s0+s1], $0x8, $0x38;
	[tilespmem:$0x1F0F8] =	vst v63  }
0x2ed: {  	_ =	swait.ge @!p1 [sflag:s9], $0x8  }
0x2ee: {  	[sflag:s9] =	ssyncset.done @!p1 $0x0  }
0x2ef: {  	[sflag:s9] =	ssyncadd.s32 @!p1 $0xFFFFFFF8  }
0x2f0: {  	v1 =	vld @!p1 [tilespmem:$0x3638];
	_ =	sdelay $0x2  }
0x2f1: {  	s0 =	sshll.u32 @!p1 s11, $0x6  }
0x2f2: {  	s1 =	sshrl.u32 @!p1 s0, $0x2  }
0x2f3: {  	[tilespmem:s1+$0x3678] =	vst.add.f32.msk @!p1 $0xffff, v1  }
0x2f4: {  	s0 =	sshrl.u32 s0, $0x2;
	[tilespmem:s4+$0x3658] =	vst.msk $0x1, v0  }
0x2f5: {  	v0 =	vld [tilespmem:s0+$0x3678];
	_ =	sdelay $0x2  }
0x2f6: {  	s31 =	sshll.u32 s4, $0x6  }
0x2f7: {  	s0 =	sshra.s32 s31, $0x2  }
0x2f8: {  	s4 =	sadd.s32 $0x1, s4;
	[tilespmem:s0+$0x3678] =	vst v0  }
.LBB2_32:
0x2f9: {  	s11 =	sadd.s32 $0x1, s11  }
0x2fa: {  	p1 =	sne.s32 s11, $0x20  }
.Ltmp21:
0x2fb: {  	_ = 	snop;
	(pc) =	sbr.rel @!p1 .LBB2_33-.Ltmp21, $1  }
0x2fc: {  	_ =	sdelay $0x3  }
.LBB2_25:
0x2fd: {  	v0 =	vld.msk [tilespmem:s11+$0x3658], $0x1;
	_ =	sdelay $0x4  }
0x2fe: {  	(v2sf) =	vpush v0, $0x0;
	_ =	sdelay $0xe  }
0x2ff: {  	s12 =	spop (v2sf)  }
0x300: {  	p1 =	seq.s32 s12, $0xFFFFFFFF  }
.Ltmp22:
0x301: {  	_ = 	snop;
	(pc) =	sbr.rel @p1 .LBB2_32-.Ltmp22, $1  }
0x302: {  	_ =	sdelay $0x3  }
0x303: {  	p1 =	slt.s32 s4, $0x1  }
.Ltmp23:
0x304: {  	_ = 	snop;
	(pc) =	sbr.rel @p1 .LBB2_30-.Ltmp23, $1  }
0x305: {  	_ =	sdelay $0x3  }
0x306: {  	s13 =	simm.s32 $0x3658;
	p1 =	por $0x0, $0x0  }
0x307: {  	v1 =	vld.msk @!p1 [tilespmem:s13+$0x0], $0x1;
	_ =	sdelay $0x4  }
0x308: {  	(v2sf) =	vpush @!p1 v1, $0x0;
	_ =	sdelay $0xd  }
0x309: {  	p3 =	sne.s32 s4, $0x1  }
.Ltmp24:
0x30a: {  	s0 =	spop @!p1 (v2sf);
	(pc) =	sbr.rel @!p3 .LBB2_29-.Ltmp24, $4  }
0x30b: {  	p2 =	seq.s32 @!p1 s12, s0  }
0x30c: {  	s14 =	simm.s32 $0x0;
	p2 =	por !p2, p1  }
0x30d: {  	s0 =	simm.s32 $0xFFFFFFFF;
	s14 =	simm.s32 @p2 $0xFFFFFFFF  }
0x30e: {  	s15 =	simm.s32 $0x1;
	s14 =	smov.u32 @p1 s0  }
.LBB2_28:
0x30f: {  	s0 =	smov.u32 s14;
	p1 =	sne.s32 s14, $0xFFFFFFFF  }
0x310: {  	s13 =	sadd.s32 $0x1, s13;
	s14 =	smov.u32 s15;
	s15 =	sadd.s32 $0x1, s15  }
0x311: {  	p2 =	sne.s32 s4, s15;
	v1 =	vld.msk @!p1 [tilespmem:s13+$0x0], $0x1;
	_ =	sdelay $0x4  }
0x312: {  	(v2sf) =	vpush @!p1 v1, $0x0;
	_ =	sdelay $0xe  }
.Ltmp25:
0x313: {  	s1 =	spop @!p1 (v2sf);
	(pc) =	sbr.rel @p2 .LBB2_28-.Ltmp25, $4  }
0x314: {  	p3 =	seq.s32 @!p1 s12, s1  }
0x315: {  	p3 =	por !p3, p1  }
0x316: {  	s14 =	simm.s32 @p3 $0xFFFFFFFF  }
0x317: {  	s14 =	smov.u32 @p1 s0  }
.LBB2_29:
0x318: {  	p1 =	sne.s32 s14, $0xFFFFFFFF  }
.Ltmp26:
0x319: {  	_ = 	snop;
	(pc) =	sbr.rel @!p1 .LBB2_30-.Ltmp26, $1  }
0x31a: {  	_ =	sdelay $0x3  }
0x31b: {  	s0 =	sshll.u32 s11, $0x4  }
0x31c: {  	s0 =	sand.u32 $0x3FFFFFF0, s0  }
0x31d: {  	v0 =	vld [tilespmem:s0+$0x3678]  }
.Ltmp27:
0x31e: {  	_ = 	snop;
	(pc) =	sbr.rel .LBB2_32-.Ltmp27, $4  }
0x31f: {  	_ = 	snop  }
0x320: {  	s31 =	sshll.u32 s14, $0x6  }
0x321: {  	s0 =	sshra.s32 s31, $0x2  }
0x322: {  	[tilespmem:s0+$0x3678] =	vst.add.f32.msk $0xffff, v0  }
.LBB2_33:
0x323: {  	s0 =	simm.s32 $0x6;
	p1 =	seq.s32 s4, $0x0  }
0x324: {  	[sflag:s0] =	ssyncpa.u1 $0x1;
	v0 =	vimm.s32 @p1 $0xFFFFFFFF  }
0x325: {  	s9 =	sadd.s32 $0xFFFFFFFF, s4;
	[tilespmem:$0x3878] =	vst @p1 v0  }
0x326: {  	v0 =	vld.msk @!p1 [tilespmem:s9+$0x3658], $0x1;
	_ =	sdelay $0x1  }
0x327: {  	v1 =	vld.msk @!p1 [tilespmem:$0x3658], $0x1;
	_ =	sdelay $0x2  }
0x328: {  	p2 =	seq.s32 @!p1 s9, $0x0;
	v0 =	vbroadcast @!p1 v0, $0x0  }
0x329: {  	vm0 =	vmmov @!p1 $0x1;
	p2 =	por !p2, p1  }
0x32a: {  	v1 =	vnsel @!p1 vm0, $0xFFFFFFFF, v1;
	vm0 =	vcmask @!p1 $0x308;
	v0 =	vpsel !p2, $0xFFFFFFFF, v0  }
0x32b: {  	p2 =	sne.s32 @!p1 s8, s7;
	v0 =	vsel @!p1 vm0, v1, v0  }
0x32c: {  	s0 =	simm.s32 @!p1 $0x3678;
	s1 =	simm.s32 @!p1 $0x0;
	p3 =	por !p2, p1;
	[tilespmem:$0x3878] =	vst @!p1 v0  }
0x32d: {  	[spmem:s1] =	stream.linear.scatter @!p1 [tilespmem:s0], [sflag:$0x1], $0x10, $0x38;
	[tilespmem:$0x1F0F8] =	vst v63  }
0x32e: {  	s0 =	sshll.u32 @!p3 s9, $0x6  }
0x32f: {  	s0 =	sshra.s32 @!p3 s0, $0x2  }
0x330: {  	s1 =	simm.s32 @!p3 $0x10;
	s0 =	sadd.s32 @!p3 $0x3678, s0  }
0x331: {  	[spmem:s1] =	stream.linear.scatter @!p3 [tilespmem:s0], [sflag:$0x1], $0x10, $0x38;
	[tilespmem:$0x1F0F8] =	vst v63  }
0x332: {  	s0 =	simm.s32 @!p3 $0x1  }
0x333: {  	_ =	swait.ge @!p3 [sflag:s0], $0x20  }
0x334: {  	p1 =	por p2, p1;
	[sflag:s0] =	ssyncset.done @!p3 $0x0  }
0x335: {  	[sflag:s0] =	ssyncadd.s32 @!p3 $0xFFFFFFE0;
	s0 =	simm.s32 @!p1 $0x1  }
0x336: {  	_ =	swait.ge @!p1 [sflag:s0], $0x10  }
0x337: {  	s29 =	simm.s32 $0x3878;
	[sflag:s0] =	ssyncset.done @!p1 $0x0  }
0x338: {  	s30 =	simm.s32 $0x200;
	s31 =	simm.s32 $0x1;
	[sflag:s0] =	ssyncadd.s32 @!p1 $0xFFFFFFF0  }
0x339: {  	[spmem:s30] =	stream.linear.scatter [tilespmem:s29], [sflag:$0x1], $0x10, $0x38;
	[tilespmem:$0x1F0F8] =	vst v63  }
0x33a: {  	_ =	swait.ge [sflag:s31], $0x10  }
0x33b: {  	[sflag:s31] =	ssyncset.done $0x0  }
0x33c: {  	p1 =	seq.s32 s17, $0x0;
	s8 =	rddreg [dreg:$0x2];
	[sflag:s31] =	ssyncadd.s32 $0xFFFFFFF0  }
0x33d: {  	s1 =	sshll.u32 @p1 s8, $0xE;
	s7 =	rddreg [dreg:$0x3]  }
0x33e: {  	s0 =	sadd.s32 @p1 $0x15C3C, s1;
	s1 =	sshll.u32 @p1 s7, $0x11  }
0x33f: {  	_ =	sfence.stream.spmem;
	s0 =	sor.u32 @p1 s1, s0  }
0x340: {  	[sflag:s0] =	ssyncadd.remote.s32 @p1 $0x1;
	s0 =	simm.s32 @p1 $0x4  }
0x341: {  	s2 =	simm.s32 @!p1 $0x3C;
	s1 =	sand.u32 $0xFFFFFFFE, s8;
	_ =	swait.ge @p1 [sflag:s0], $0x6  }
0x342: {  	s5 =	simm.s32 @!p1 $0x0;
	s1 =	sadd.s32 @!p1 $0x4, s1;
	[sflag:s0] =	ssyncset.done @p1 $0x0  }
0x343: {  	s6 =	simm.s32 @!p1 $0x20;
	[sflag:s0] =	ssyncadd.s32 @p1 $0xFFFFFFFA;
	s0 =	sshll.u32 @!p1 s1, $0x1A  }
0x344: {  	s1 =	sshll.u32 @!p1 s1, $0xD;
	s0 =	sor.u32 @!p1 s0, s7;
	_ =	swait.eq @!p1 [sflag:s2], $0x1  }
0x345: {  	s1 =	sor.u32 @!p1 $0x1C04, s1;
	s2 =	simm.s32 @!p1 $0x1C03;
	s0 =	sor.u32 @!p1 $0x80004000, s0  }
0x346: {  	[spmem:s6], [sflag:s1] =	dma.general @!p1 [spmem:s5], [sflag:s2], length:$0x4, [dreg:$0x0], stride_count:$0x0, ici_dest:s0, dma_misc:DstOpCode:WRITE  }
0x347: {  	p2 =	slt.s32 s9, $0x2;
	s5 =	simm.s32 @!p1 $0x40;
	s6 =	simm.s32 @!p1 $0x42  }
0x348: {  	[spmem:s6], [sflag:s1] =	dma.general @!p1 [spmem:s5], [sflag:s2], length:$0x2, [dreg:$0x0], stride_count:$0x0, ici_dest:s0, dma_misc:DstOpCode:WRITE  }
.Ltmp28:
0x349: {  	s0 =	simm.s32 @!p1 $0x3;
	(pc) =	sbr.rel @p2 .LBB2_37-.Ltmp28, $4  }
0x34a: {  	s1 =	sshll.u32 @!p1 s8, $0xE;
	_ =	swait.ge @!p1 [sflag:s0], $0x6  }
0x34b: {  	s2 =	sshll.u32 @!p1 s7, $0x11;
	s1 =	sadd.s32 @!p1 $0x11C3C, s1;
	[sflag:s0] =	ssyncset.done @!p1 $0x0  }
0x34c: {  	[sflag:s0] =	ssyncadd.s32 @!p1 $0xFFFFFFFA;
	s0 =	sor.u32 @!p1 s2, s1  }
0x34d: {  	[sflag:s0] =	ssyncadd.remote.s32 @!p1 $0xFFFFFFFF;
	s0 =	simm.s32 $0x0  }
0x34e: {  	s0 =	simm.s32 $0x3659  }
0x34f: {  	v0 =	vld.msk [tilespmem:s0+$0x0], $0x1;
	_ =	sdelay $0x4  }
0x350: {  	(v2sf) =	vpush v0, $0x0;
	_ =	sdelay $0xd  }
0x351: {  	s2 =	sadd.s32 $0xFFFFFFFE, s4  }
0x352: {  	s2 =	sadd.s32 $0xFFFFFFFF, s2;
	s0 =	spop (v2sf)  }
0x353: {  	p2 =	sne.s32 s2, $0x0;
	p1 =	sgt.u32 s0, $0x3FFFFF  }
.Ltmp29:
0x354: {  	s4 =	sand.u32 @!p1 $0x3FFFF8, s0;
	(pc) =	sbr.rel @!p2 .LBB2_36-.Ltmp29, $4  }
0x355: {  	s1 =	simm.s32 $0x3688;
	s0 =	sand.u32 @!p1 $0x7, s0;
	s4 =	sadd.s32 @!p1 s3, s4  }
0x356: {  	[hbm4b:s4+s0] =	stream.linear.scatter @!p1 [tilespmem:s1], [sflag:$0x5], $0x8, $0x38;
	[tilespmem:$0x1F0F8] =	vst v63  }
0x357: {  	s0 =	simm.s32 $0x0  }
0x358: {  	s7 =	simm.s32 $0x365A;
	s4 =	simm.s32 $0x0;
	s0 =	simm.s32 @!p1 $0x20  }
.LBB2_35:
0x359: {  	v0 =	vld.msk [tilespmem:s7+$0x0], $0x1;
	s2 =	sadd.s32 $0xFFFFFFFF, s2;
	s4 =	sadd.s32 s4, s0  }
0x35a: {  	p1 =	sne.s32 s2, $0x0;
	_ =	sdelay $0x3  }
0x35b: {  	(v2sf) =	vpush v0, $0x0;
	_ =	sdelay $0xe  }
.Ltmp30:
0x35c: {  	s5 =	spop (v2sf);
	(pc) =	sbr.rel @p1 .LBB2_35-.Ltmp30, $4  }
0x35d: {  	s0 =	simm.s32 $0x0;
	p2 =	sgt.u32 s5, $0x3FFFFF  }
0x35e: {  	s1 =	sadd.s32 $0x10, s1;
	s0 =	simm.s32 @!p2 $0x20;
	s6 =	sand.u32 @!p2 $0x3FFFF8, s5  }
0x35f: {  	s7 =	sadd.s32 $0x1, s7;
	s5 =	sand.u32 @!p2 $0x7, s5;
	s6 =	sadd.s32 @!p2 s3, s6  }
0x360: {  	[hbm4b:s6+s5] =	stream.linear.scatter @!p2 [tilespmem:s1], [sflag:$0x5], $0x8, $0x38;
	[tilespmem:$0x1F0F8] =	vst v63  }
.LBB2_36:
0x361: {  	s0 =	sadd.s32 s4, s0  }
0x362: {  	s0 =	sshrl.u32 s0, $0x2  }
.LBB2_37:
0x363: {  	s1 =	simm.s32 $0x5  }
0x364: {  	_ =	swait.ge [sflag:s1], s0  }
0x365: {  	s31 =	ssub.s32 $0x0, s0;
	[sflag:s1] =	ssyncset.done $0x0  }
0x366: {  	[sflag:s1] =	ssyncadd.s32 s31  }
0x367: {  	[sflag:s1] =	ssyncpa.u1 $0x1  }
.LBB2_38:
0x368: {  	s0 =	sor.u32 s17, s16  }
0x369: {  	p1 =	sne.s32 s0, $0x0  }
.Ltmp31:
0x36a: {  	_ = 	snop;
	(pc) =	sbr.rel @p1 .LBB2_53-.Ltmp31, $3  }
0x36b: {  	_ =	sdelay $0x1  }
0x36c: {  	[bflag:$0x0] =	sbarrier.arrive $0xFFFF  }
0x36d: {  	_ =	sfence  }
0x36e: {  	s0 =	simm.s32 $0x7  }
0x36f: {  	s1 =	simm.s32 $0x200;
	s2 =	simm.s32 $0x3658;
	[sflag:s0] =	ssyncpa.u1 $0x0  }
0x370: {  	[tilespmem:s2], [sflag:$0x7] =	stream.linear.gather [spmem:s1], $0x20, $0x38;
	[tilespmem:$0x1F0F8] =	vst v63  }
0x371: {  	s30 =	simm.s32 $0x3678;
	s1 =	simm.s32 $0x0  }
0x372: {  	[tilespmem:s30], [sflag:$0x7] =	stream.linear.gather [spmem:s1], $0x200, $0x38;
	[tilespmem:$0x1F0F8] =	vst v63  }
.Ltmp32:
0x373: {  	_ = 	snop;
	(pc) =	sbr.rel .LBB2_40-.Ltmp32, $4  }
0x374: {  	_ =	swait.ge [sflag:s0], $0x220  }
0x375: {  	[sflag:s0] =	ssyncset.done $0x0  }
0x376: {  	s31 =	simm.s32 $0x8;
	[sflag:s0] =	ssyncadd.s32 $0xFFFFFDE0  }
0x377: {  	s2 =	simm.s32 $0x0;
	[sflag:s31] =	ssyncpa.u1 $0x0  }
.LBB2_45:
0x378: {  	p1 =	slt.u32 s4, $0x400000  }
0x379: {  	s0 =	sand.u32 @p1 $0x3FFFF8, s4  }
0x37a: {  	s4 =	sand.u32 @p1 $0x7, s4;
	s5 =	simm.s32 @p1 $0x3638;
	s0 =	sadd.s32 @p1 s3, s0  }
0x37b: {  	[tilespmem:s5], [sflag:$0x8] =	stream.linear.gather @p1 [hbm4b:s0+s4], $0x8, $0x38;
	[tilespmem:$0x1F0F8] =	vst v63  }
0x37c: {  	s0 =	simm.s32 @p1 $0x8  }
0x37d: {  	_ =	swait.ge @p1 [sflag:s0], $0x8  }
0x37e: {  	[sflag:s0] =	ssyncset.done @p1 $0x0  }
0x37f: {  	[sflag:s0] =	ssyncadd.s32 @p1 $0xFFFFFFF8  }
0x380: {  	v1 =	vld @p1 [tilespmem:$0x3638];
	_ =	sdelay $0x2  }
0x381: {  	s0 =	sshll.u32 @p1 s2, $0x6  }
0x382: {  	s5 =	sshll.u32 @!p1 s2, $0x6;
	s4 =	sshrl.u32 @p1 s0, $0x2  }
0x383: {  	s5 =	smov.u32 @p1 s0;
	[tilespmem:s4+$0x3678] =	vst.add.f32.msk @p1 $0xffff, v1  }
0x384: {  	s0 =	sshrl.u32 s5, $0x2;
	[tilespmem:s1+$0x3658] =	vst.msk $0x1, v0  }
0x385: {  	v0 =	vld [tilespmem:s0+$0x3678];
	_ =	sdelay $0x2  }
0x386: {  	s31 =	sshll.u32 s1, $0x6  }
0x387: {  	s0 =	sshra.s32 s31, $0x2  }
0x388: {  	s1 =	sadd.s32 $0x1, s1;
	[tilespmem:s0+$0x3678] =	vst v0  }
.LBB2_47:
0x389: {  	s2 =	sadd.s32 $0x1, s2  }
0x38a: {  	p1 =	sne.s32 s2, $0x20  }
.Ltmp33:
0x38b: {  	_ = 	snop;
	(pc) =	sbr.rel @!p1 .LBB2_48-.Ltmp33, $1  }
0x38c: {  	_ =	sdelay $0x3  }
.LBB2_40:
0x38d: {  	v0 =	vld.msk [tilespmem:s2+$0x3658], $0x1;
	_ =	sdelay $0x4  }
0x38e: {  	(v2sf) =	vpush v0, $0x0;
	_ =	sdelay $0xe  }
0x38f: {  	s4 =	spop (v2sf)  }
0x390: {  	p1 =	seq.s32 s4, $0xFFFFFFFF  }
.Ltmp34:
0x391: {  	_ = 	snop;
	(pc) =	sbr.rel @p1 .LBB2_47-.Ltmp34, $1  }
0x392: {  	_ =	sdelay $0x3  }
0x393: {  	p1 =	slt.s32 s1, $0x1  }
.Ltmp35:
0x394: {  	_ = 	snop;
	(pc) =	sbr.rel @p1 .LBB2_45-.Ltmp35, $1  }
0x395: {  	_ =	sdelay $0x3  }
0x396: {  	s5 =	simm.s32 $0x3658;
	p1 =	por $0x0, $0x0  }
0x397: {  	v1 =	vld.msk @!p1 [tilespmem:s5+$0x0], $0x1;
	_ =	sdelay $0x4  }
0x398: {  	(v2sf) =	vpush @!p1 v1, $0x0;
	_ =	sdelay $0xd  }
0x399: {  	p3 =	sne.s32 s1, $0x1  }
.Ltmp36:
0x39a: {  	s0 =	spop @!p1 (v2sf);
	(pc) =	sbr.rel @!p3 .LBB2_44-.Ltmp36, $4  }
0x39b: {  	p2 =	seq.s32 @!p1 s4, s0  }
0x39c: {  	s6 =	simm.s32 $0x0;
	p2 =	por !p2, p1  }
0x39d: {  	s0 =	simm.s32 $0xFFFFFFFF;
	s6 =	simm.s32 @p2 $0xFFFFFFFF  }
0x39e: {  	s7 =	simm.s32 $0x1;
	s6 =	smov.u32 @p1 s0  }
.LBB2_43:
0x39f: {  	s0 =	smov.u32 s6;
	p1 =	sne.s32 s6, $0xFFFFFFFF  }
0x3a0: {  	s5 =	sadd.s32 $0x1, s5;
	s6 =	smov.u32 s7;
	s7 =	sadd.s32 $0x1, s7  }
0x3a1: {  	p2 =	sne.s32 s1, s7;
	v1 =	vld.msk @!p1 [tilespmem:s5+$0x0], $0x1;
	_ =	sdelay $0x4  }
0x3a2: {  	(v2sf) =	vpush @!p1 v1, $0x0;
	_ =	sdelay $0xe  }
.Ltmp37:
0x3a3: {  	s8 =	spop @!p1 (v2sf);
	(pc) =	sbr.rel @p2 .LBB2_43-.Ltmp37, $4  }
0x3a4: {  	p3 =	seq.s32 @!p1 s4, s8  }
0x3a5: {  	p3 =	por !p3, p1  }
0x3a6: {  	s6 =	simm.s32 @p3 $0xFFFFFFFF  }
0x3a7: {  	s6 =	smov.u32 @p1 s0  }
.LBB2_44:
0x3a8: {  	p1 =	sne.s32 s6, $0xFFFFFFFF  }
.Ltmp38:
0x3a9: {  	_ = 	snop;
	(pc) =	sbr.rel @!p1 .LBB2_45-.Ltmp38, $1  }
0x3aa: {  	_ =	sdelay $0x3  }
0x3ab: {  	s0 =	sshll.u32 s2, $0x4  }
0x3ac: {  	s0 =	sand.u32 $0x3FFFFFF0, s0  }
0x3ad: {  	v0 =	vld [tilespmem:s0+$0x3678]  }
.Ltmp39:
0x3ae: {  	_ = 	snop;
	(pc) =	sbr.rel .LBB2_47-.Ltmp39, $4  }
0x3af: {  	_ = 	snop  }
0x3b0: {  	s31 =	sshll.u32 s6, $0x6  }
0x3b1: {  	s0 =	sshra.s32 s31, $0x2  }
0x3b2: {  	[tilespmem:s0+$0x3678] =	vst.add.f32.msk $0xffff, v0  }
.LBB2_48:
0x3b3: {  	p1 =	slt.s32 s1, $0x1  }
.Ltmp40:
0x3b4: {  	_ = 	snop;
	(pc) =	sbr.rel @p1 .LBB2_52-.Ltmp40, $3  }
0x3b5: {  	_ =	sdelay $0x1  }
0x3b6: {  	s0 =	simm.s32 $0x8  }
0x3b7: {  	s2 =	simm.s32 $0x0;
	[sflag:s0] =	ssyncpa.u1 $0x1  }
0x3b8: {  	s0 =	simm.s32 $0x3658  }
0x3b9: {  	v0 =	vld.msk [tilespmem:s0+$0x0], $0x1;
	_ =	sdelay $0x4  }
0x3ba: {  	(v2sf) =	vpush v0, $0x0;
	_ =	sdelay $0xe  }
0x3bb: {  	s1 =	sadd.s32 $0xFFFFFFFF, s1;
	s0 =	spop (v2sf)  }
0x3bc: {  	p2 =	sne.s32 s1, $0x0;
	p1 =	sgt.u32 s0, $0x3FFFFF  }
.Ltmp41:
0x3bd: {  	s5 =	sand.u32 @!p1 $0x3FFFF8, s0;
	(pc) =	sbr.rel @!p2 .LBB2_51-.Ltmp41, $4  }
0x3be: {  	s4 =	simm.s32 $0x3678;
	s0 =	sand.u32 @!p1 $0x7, s0;
	s5 =	sadd.s32 @!p1 s3, s5  }
0x3bf: {  	[hbm4b:s5+s0] =	stream.linear.scatter @!p1 [tilespmem:s4], [sflag:$0x7], $0x8, $0x38;
	[tilespmem:$0x1F0F8] =	vst v63  }
0x3c0: {  	s0 =	simm.s32 $0x0  }
0x3c1: {  	s5 =	simm.s32 $0x3659;
	s0 =	simm.s32 @!p1 $0x20  }
.LBB2_50:
0x3c2: {  	v0 =	vld.msk [tilespmem:s5+$0x0], $0x1;
	s1 =	sadd.s32 $0xFFFFFFFF, s1;
	s2 =	sadd.s32 s2, s0  }
0x3c3: {  	p1 =	sne.s32 s1, $0x0;
	_ =	sdelay $0x3  }
0x3c4: {  	(v2sf) =	vpush v0, $0x0;
	_ =	sdelay $0xe  }
.Ltmp42:
0x3c5: {  	s6 =	spop (v2sf);
	(pc) =	sbr.rel @p1 .LBB2_50-.Ltmp42, $4  }
0x3c6: {  	s0 =	simm.s32 $0x0;
	p2 =	sgt.u32 s6, $0x3FFFFF  }
0x3c7: {  	s4 =	sadd.s32 $0x10, s4;
	s0 =	simm.s32 @!p2 $0x20;
	s7 =	sand.u32 @!p2 $0x3FFFF8, s6  }
0x3c8: {  	s5 =	sadd.s32 $0x1, s5;
	s6 =	sand.u32 @!p2 $0x7, s6;
	s7 =	sadd.s32 @!p2 s3, s7  }
0x3c9: {  	[hbm4b:s7+s6] =	stream.linear.scatter @!p2 [tilespmem:s4], [sflag:$0x7], $0x8, $0x38;
	[tilespmem:$0x1F0F8] =	vst v63  }
.LBB2_51:
0x3ca: {  	s0 =	sadd.s32 s2, s0  }
0x3cb: {  	s2 =	sshrl.u32 s0, $0x2  }
.LBB2_52:
0x3cc: {  	s0 =	simm.s32 $0x7  }
0x3cd: {  	_ =	swait.ge [sflag:s0], s2  }
0x3ce: {  	s1 =	ssub.s32 $0x0, s2;
	[sflag:s0] =	ssyncset.done $0x0  }
0x3cf: {  	[sflag:s0] =	ssyncadd.s32 s1  }
0x3d0: {  	[sflag:s0] =	ssyncpa.u1 $0x1  }
.LBB2_53:
0x3d1: {  	_ =	sfence;
	s0 =	simm.s32 $0x1  }
0x3d2: {  	[sflag:s0] =	ssyncpa.u1 $0x1  }
0x3d3: {  	_ =	strace $0x9000004D  }
0x3d4: {  	[bflag:$0x2] =	sbarrier.arrive $0xFFFF  }
0x3d5: {  	s0 =	rddreg [dreg:$0x4]  }
0x3d6: {  	s0 =	sadd.s32 @!p0 $0x100000, s0  }
0x3d7: {  	[sflag:s0] =	ssyncadd.tile.s32 @!p0 $0x1;
	_ =	shalt  }
.Lfunc_end2:
_tile_overlayer_lowered:
.L_overlay_start_2:
0x3d8: {  	(tag) =	ssettag $0x2  }
0x3d9: {  	s0 =	rddreg [dreg:$0x0];
	s2 =	stileid.u32  }
0x3da: {  	s1 =	rddreg [dreg:$0x1];
	p0 =	sne.s32 s2, $0x0  }
0x3db: {  	s3 =	rddreg [dreg:$0x2];
	[bflag:$0x3] =	sbarrier.arrive $0xFFFF;
	s2 =	simm.s32 @!p0 $0x1C01  }
0x3dc: {  	[timem:s3], [sflag:s2] =	dma.local @!p0 [hbm:s0], s1  }
0x3dd: {  	s0 =	simm.s32 @!p0 $0x1  }
0x3de: {  	_ =	swait.ge @!p0 [sflag:s0], s1  }
0x3df: {  	s1 =	ssub.s32 @!p0 $0x0, s1;
	[sflag:s0] =	ssyncset.done @!p0 $0x0  }
0x3e0: {  	[sflag:s0] =	ssyncadd.s32 @!p0 s1  }
0x3e1: {  	[bflag:$0x3] =	sbarrier.arrive $0xFFFF  }
0x3e2: {  	_ =	shalt  }

// kernel: scatter_offload_async_start
scs
__scs_entry_jumppad:
0x0: {  	(pc) =	sbr.rel $0x88, $3  }
0x1: {  	(tag) =	ssettag $0x0;
	lr =	simm.s32 $0x1  }
0x2: {  	[smem:$0x3F99] =	sst lr;
	_ =	strace $0xD0000000  }
0x3: {  	_ = 	snop  }
0x4: {  	_ = 	snop  }
0x5: {  	_ = 	snop  }
0x6: {  	_ = 	snop  }
0x7: {  	_ = 	snop  }
__scs_overlays_trampoline_lowered:
0x8: {  	[smem:$0x3FA8] =	sst s0  }
0x9: {  	[smem:$0x3FA9] =	sst s1  }
0xa: {  	[smem:$0x3FAA] =	sst s2  }
0xb: {  	[smem:$0x3FAB] =	sst s3  }
0xc: {  	[smem:$0x3FAC] =	sst s4  }
0xd: {  	[smem:$0x3FAD] =	sst s5  }
0xe: {  	[smem:$0x3FAE] =	sst s6  }
0xf: {  	[smem:$0x3FAF] =	sst s7  }
0x10: {  	[smem:$0x3FB0] =	sst s8  }
0x11: {  	[smem:$0x3FB1] =	sst s9;
	s0 =	simm.s32 @!p0 $0x0  }
0x12: {  	s1 =	sld [smem:$0x3F97];
	s0 =	simm.s32 @p0 $0x1  }
0x13: {  	[smem:$0x3FB2] =	sst s0;
	s0 =	simm.s32 @!p1 $0x0  }
0x14: {  	s2 =	sld [smem:$0x3F96];
	s0 =	simm.s32 @p1 $0x1  }
0x15: {  	[smem:$0x3FB3] =	sst s0;
	s0 =	simm.s32 @!p2 $0x0  }
0x16: {  	s3 =	sld [smem:$0x3FDB];
	s0 =	simm.s32 @p2 $0x1  }
0x17: {  	s4 =	simm.s32 $0x1BF5;
	[smem:$0x3FB5] =	sst s0  }
0x18: {  	s0 =	sld [smem:$0x3F98];
	_ =	swait.ge [sflag:s4], $0x0  }
0x19: {  	s7 =	sld [smem:$0x3F99]  }
0x1a: {  	s8 =	sadd.s32 $0xFFFFE003, lr  }
0x1b: {  	s9 =	sadd.s32 $0xFFFFFEF7, lr;
	s5 =	simm.s32 $0xFFFFFFFF;
	p2 =	slt.u32 s8, $0xFFFFF086  }
0x1c: {  	p1 =	slt.u32 s9, $0xF7A;
	s5 =	simm.s32 @!p2 $0x0  }
0x1d: {  	s5 =	simm.s32 @p1 $0x1;
	p0 =	seq.s32 s7, s2  }
0x1e: {  	s7 =	smul.u32 @!p0 $0xF7A, s2;
	p2 =	seq.s32 @!p0 s5, $0x0  }
0x1f: {  	s9 =	smul.u32 $0xF7A, s1;
	s8 =	simm.s32 @!p0 $0x1BF5;
	p2 =	por !p2, p0  }
0x20: {  	[sflag:s8] =	ssyncset.s32 @!p0 $0xFFFFF086;
	s6 =	sadd.s32 @!p0 s3, s7;
	s7 =	simm.s32 @!p0 $0x108  }
0x21: {  	s3 =	sadd.s32 s3, s9;
	s6 =	sadd.s32 @!p0 $0x88, s6;
	s7 =	simm.s32 @p2 $0x1082  }
0x22: {  	[simem:s7], [sflag:s8] =	dma.local @!p0 [hbm:s6], $0xF7A  }
0x23: {  	s9 =	sor.u32 $0xD0000000, s2;
	s6 =	simm.s32 $0x108;
	_ =	swait.ge @!p0 [sflag:s8], $0x0  }
0x24: {  	s3 =	sadd.s32 $0x88, s3;
	s6 =	simm.s32 @!p1 $0x1082;
	[sflag:s4] =	ssyncset.s32 $0xFFFFF086  }
0x25: {  	[simem:s6], [sflag:s4] =	dma.local [hbm:s3], $0xF7A  }
0x26: {  	[smem:$0x3F99] =	sst s1;
	(tag) =	ssettag s2;
	_ =	strace s9  }
0x27: {  	s1 =	sld [smem:$0x3FA9]  }
0x28: {  	s2 =	sld [smem:$0x3FAA]  }
0x29: {  	s4 =	sld [smem:$0x3FAC]  }
0x2a: {  	p0 =	seq.s32 s5, $0x0;
	s5 =	sld [smem:$0x3FAD]  }
0x2b: {  	s6 =	sld [smem:$0x3FAE]  }
0x2c: {  	s7 =	sld [smem:$0x3FAF]  }
0x2d: {  	s3 =	simm.s32 $0x108;
	s8 =	sld [smem:$0x3FB0]  }
0x2e: {  	s3 =	simm.s32 @!p0 $0x1082;
	s9 =	sld [smem:$0x3FB1]  }
0x2f: {  	lr =	sadd.s32 s0, s3;
	s0 =	sld [smem:$0x3FA8]  }
0x30: {  	s3 =	sld [smem:$0x3FAB]  }
0x31: {  	[smem:$0x3FB4] =	sst s10  }
0x32: {  	s10 =	sld [smem:$0x3FB2];
	_ =	sdelay $0x3  }
0x33: {  	p0 =	seq.s32 s10, $0x1;
	s10 =	sld [smem:$0x3FB4];
	_ =	sdelay $0x3  }
0x34: {  	[smem:$0x3FB4] =	sst s10  }
0x35: {  	s10 =	sld [smem:$0x3FB3];
	_ =	sdelay $0x3  }
0x36: {  	p1 =	seq.s32 s10, $0x1;
	s10 =	sld [smem:$0x3FB4];
	_ =	sdelay $0x3  }
0x37: {  	[smem:$0x3FB4] =	sst s10  }
0x38: {  	s10 =	sld [smem:$0x3FB5]  }
0x39: {  	_ = 	snop;
	(pc) =	sbr.ind lr, $3  }
0x3a: {  	_ = 	snop  }
0x3b: {  	_ = 	snop  }
0x3c: {  	p2 =	seq.s32 s10, $0x1;
	s10 =	sld [smem:$0x3FB4]  }
0x3d: {  	_ =	shalt  }
0x3e: {  	_ =	shalt  }
0x3f: {  	_ =	shalt  }
0x40: {  	_ =	shalt  }
0x41: {  	_ =	shalt  }
0x42: {  	_ =	shalt  }
0x43: {  	_ =	shalt  }
0x44: {  	_ =	shalt  }
0x45: {  	_ =	shalt  }
0x46: {  	_ =	shalt  }
0x47: {  	_ =	shalt  }
0x48: {  	_ =	shalt  }
0x49: {  	_ =	shalt  }
0x4a: {  	_ =	shalt  }
0x4b: {  	_ =	shalt  }
0x4c: {  	_ =	shalt  }
0x4d: {  	_ =	shalt  }
0x4e: {  	_ =	shalt  }
0x4f: {  	_ =	shalt  }
0x50: {  	_ =	shalt  }
0x51: {  	_ =	shalt  }
0x52: {  	_ =	shalt  }
0x53: {  	_ =	shalt  }
0x54: {  	_ =	shalt  }
0x55: {  	_ =	shalt  }
0x56: {  	_ =	shalt  }
0x57: {  	_ =	shalt  }
0x58: {  	_ =	shalt  }
0x59: {  	_ =	shalt  }
0x5a: {  	_ =	shalt  }
0x5b: {  	_ =	shalt  }
0x5c: {  	_ =	shalt  }
0x5d: {  	_ =	shalt  }
0x5e: {  	_ =	shalt  }
0x5f: {  	_ =	shalt  }
0x60: {  	_ =	shalt  }
0x61: {  	_ =	shalt  }
0x62: {  	_ =	shalt  }
0x63: {  	_ =	shalt  }
0x64: {  	_ =	shalt  }
0x65: {  	_ =	shalt  }
0x66: {  	_ =	shalt  }
0x67: {  	_ =	shalt  }
0x68: {  	_ =	shalt  }
0x69: {  	_ =	shalt  }
0x6a: {  	_ =	shalt  }
0x6b: {  	_ =	shalt  }
0x6c: {  	_ =	shalt  }
0x6d: {  	_ =	shalt  }
0x6e: {  	_ =	shalt  }
0x6f: {  	_ =	shalt  }
0x70: {  	_ =	shalt  }
0x71: {  	_ =	shalt  }
0x72: {  	_ =	shalt  }
0x73: {  	_ =	shalt  }
0x74: {  	_ =	shalt  }
0x75: {  	_ =	shalt  }
0x76: {  	_ =	shalt  }
0x77: {  	_ =	shalt  }
0x78: {  	_ =	shalt  }
0x79: {  	_ =	shalt  }
0x7a: {  	_ =	shalt  }
0x7b: {  	_ =	shalt  }
0x7c: {  	_ =	shalt  }
0x7d: {  	_ =	shalt  }
0x7e: {  	_ =	shalt  }
0x7f: {  	_ =	shalt  }
0x80: {  	_ =	shalt  }
0x81: {  	_ =	shalt  }
0x82: {  	_ =	shalt  }
0x83: {  	_ =	shalt  }
0x84: {  	_ =	shalt  }
0x85: {  	_ =	shalt  }
0x86: {  	_ =	shalt  }
0x87: {  	_ =	shalt  }
.Lfunc_end0:
.L_simem_size_0:
called_computation_lowered:
.L_overlay_start_0:
0x88: {  	s0 =	sld [smem:$0x3FD9]  }
0x89: {  	s1 =	sld [smem:$0x3FFE];
	_ =	sdelay $0x3  }
0x8a: {  	s0 =	sadd.s32 s1, s0  }
0x8b: {  	[smem:$0x3FC0] =	sst s0  }
0x8c: {  	_ = 	snop  }
0x8d: {  	s0 =	sld [smem:$0x3FD0];
	_ =	sdelay $0x2  }
0x8e: {  	s14 =	simm.s32 $0xC;
	s2 =	simm.s32 $0x10  }
0x8f: {  	[smem:s2], [sflag:s14] =	dma.local [hbm:s0], $0x1  }
0x90: {  	_ =	swait.eq [sflag:s14], $0x1  }
0x91: {  	[sflag:s14] =	ssyncset.done $0x0  }
0x92: {  	[sflag:s14] =	ssyncadd.s32 $0xFFFFFFFF  }
0x93: {  	s0 =	sadd.s32 $0x1, s0;
	s3 =	sld [smem:$0x12]  }
0x94: {  	[smem:s2], [sflag:s14] =	dma.local [hbm:s0], $0x1  }
0x95: {  	_ =	swait.eq [sflag:s14], $0x1  }
0x96: {  	[sflag:s14] =	ssyncset.done $0x0  }
0x97: {  	s15 =	sld [smem:$0x10];
	[sflag:s14] =	ssyncadd.s32 $0xFFFFFFFF  }
0x98: {  	s16 =	sld [smem:$0x11];
	(tm) =	ssettm $0x1  }
0x99: {  	s17 =	sld [smem:$0x3FFB];
	_ =	sdelay $0x3  }
0x9a: {  	_ =	strace s17  }
0x9b: {  	s2 =	sld [smem:$0x3FFC];
	_ =	sdelay $0x3  }
0x9c: {  	_ =	strace s2  }
0x9d: {  	s2 =	sld [smem:$0x3FFD];
	_ =	sdelay $0x3  }
0x9e: {  	_ =	strace s2  }
0x9f: {  	_ =	strace $0x8FFFFFFF  }
0xa0: {  	s18 =	sld [smem:$0x3FDB];
	_ =	sdelay $0x1  }
0xa1: {  	s4 =	simm.s32 $_scs_section_size  }
0xa2: {  	s5 =	simm.s32 $_size__tile_overlayer_lowered;
	s6 =	simm.s32 $_tile_overlayer_lowered  }
0xa3: {  	s21 =	simm.s32 $0x1BFF;
	s20 =	sshll.u32 s6, $0x1;
	s2 =	sadd.s32 s4, s18  }
0xa4: {  	s7 =	simm.s32 $0x0;
	s19 =	sshll.u32 s5, $0x1;
	s5 =	sadd.s32 s20, s2  }
0xa5: {  	[timem:s7], [sflag:s21] =	dma.local [hbm:s5], s19  }
0xa6: {  	_ =	swait.ge [sflag:s21], s19  }
0xa7: {  	s4 =	ssub.s32 $0x0, s19;
	[sflag:s21] =	ssyncset.done $0x0  }
0xa8: {  	[sflag:s21] =	ssyncadd.s32 s4;
	_ =	sdelay $0x1  }
0xa9: {  	s22 =	simm.s32 $0x1B8B  }
0xaa: {  	_ =	swait.ge [sflag:s22], $0x1  }
0xab: {  	[sflag:s22] =	ssyncset.done $0x0  }
0xac: {  	s23 =	simm.s32 $0x1B8E;
	[sflag:s22] =	ssyncadd.s32 $0xFFFFFFFF  }
0xad: {  	s24 =	simm.s32 $execute0_lowered;
	[smem:$0x3FD2] =	sst s23  }
0xae: {  	s4 =	sshll.u32 s24, $0x1;
	_ =	strace $0x80000046;
	[dreg:$0x1] =	wrdreg $0xFFFFFFFF  }
0xaf: {  	s25 =	simm.s32 $_size_execute0_lowered;
	s2 =	sadd.s32 s2, s4;
	[dreg:$0x0] =	wrdreg $0x0  }
0xb0: {  	s4 =	sshll.u32 s25, $0x1;
	[dreg:$0x2] =	wrdreg s2  }
0xb1: {  	[dreg:$0x3] =	wrdreg s4  }
0xb2: {  	[dreg:$0x4] =	wrdreg $0xC0  }
0xb3: {  	_ =	task [dreg:s7], $0x5FFFF  }
0xb4: {  	[dreg:$0x1] =	wrdreg $0xFFFFFFFF  }
0xb5: {  	[dreg:$0x0] =	wrdreg $0x60  }
0xb6: {  	[dreg:$0x2] =	wrdreg s3  }
0xb7: {  	[dreg:$0x3] =	wrdreg s16  }
0xb8: {  	[dreg:$0x4] =	wrdreg s15  }
0xb9: {  	[dreg:$0x5] =	wrdreg $0x9  }
0xba: {  	_ =	task.clear_ibuf [dreg:s7], $0x6FFFF;
	_ =	strace $0x90000046  }
0xbb: {  	s26 =	simm.s32 $0x9;
	_ =	strace $0x80000048  }
0xbc: {  	_ =	swait.ge [sflag:s26], $0x1  }
0xbd: {  	[sflag:s26] =	ssyncadd.s32 $0xFFFFFFFF  }
0xbe: {  	_ =	strace $0x90000048  }
0xbf: {  	_ =	sfence  }
0xc0: {  	s28 =	sld [smem:$0x0];
	_ =	sdelay $0x1  }
0xc1: {  	s29 =	srdreg.scid  }
0xc2: {  	s30 =	sshll.u32 s29, $0xD;
	s31 =	sshrl.u32 s29, $0x2  }
0xc3: {  	s1 =	sand.u32 $0x1, s29;
	s2 =	sand.u32 $0x4000, s30;
	s0 =	sadd.s32 s31, s28  }
0xc4: {  	s1 =	sor.u32 s2, s1;
	s0 =	sshll.u32 s0, $0x11  }
0xc5: {  	s0 =	sor.u32 s0, s1  }
0xc6: {  	s0 =	sadd.s32 $0x8F2B, s0  }
0xc7: {  	[sflag:s0] =	ssyncadd.remote.s32 $0x1  }
0xc8: {  	_ =	sfence.sel $0xFFFF  }
0xc9: {  	[dreg:$0x0] =	wrdreg $0xFFFFFFFF;
	(pc) =	sbr.abs _section_cstart, $3  }
0xca: {  	[dreg:$0x1] =	wrdreg $0xFFFFFFFF  }
0xcb: {  	_ =	task.clear_ibuf [dreg:s7], $0x2FFFF;
	_ =	strace $0x9FFFFFFF  }
0xcc: {  	(tm) =	ssettm $0x7FFFFFFF  }
0xcd: {  	_ =	shalt  }
tec
execute0_lowered:
.L_overlay_start_1:
0x0: {  	(tag) =	ssettag $0x1  }
0x1: {  	s1 =	rddreg [dreg:$0x0]  }
0x2: {  	s2 =	rddreg [dreg:$0x1]  }
0x3: {  	s3 =	rddreg [dreg:$0x2];
	_ =	strace $0x80000047;
	s4 =	simm.s32 $0x1  }
0x4: {  	v1 =	vimm.s32 $0xFFFFFFFF;
	[sflag:s4] =	ssyncpa.u1 $0x0  }
0x5: {  	[tilespmem:$0x10] =	vst v1  }
0x6: {  	v0 =	vimm.s32 $0x7FFFFFFF;
	[tilespmem:$0x20] =	vst v1  }
0x7: {  	[tilespmem:$0x30] =	vst v0  }
0x8: {  	[tilespmem:$0x40] =	vst v0  }
0x9: {  	[tilespmem:$0x50] =	vst v0  }
0xa: {  	s0 =	simm.s32 $0x2;
	s5 =	stileid.u32;
	s6 =	simm.s32 $0x7;
	[tilespmem:$0x60] =	vst v1  }
0xb: {  	s8 =	simm.s32 $0x8;
	s31 =	simm.s32 $0x9;
	s14 =	simm.s32 $0x0;
	[tilespmem:$0x70] =	vst v1  }
0xc: {  	s15 =	simm.s32 $0x60F0;
	s16 =	simm.s32 $0xF0;
	p0 =	por $0x0, $0x0;
	[tilespmem:$0x80] =	vst v1  }
0xd: {  	s17 =	simm.s32 $0xFFFFC100;
	s18 =	simm.s32 $0xFFFFFFFE;
	s19 =	simm.s32 $0xF;
	v1 =	vimm.s32 $0x0;
	[tilespmem:$0xB0] =	vst v0  }
.Ltmp0:
0xe: {  	s20 =	simm.s32 $0x30;
	s23 =	simm.s32 $0x0;
	[tilespmem:$0x90] =	vst v1;
	(pc) =	sbr.rel .LBB2_1-.Ltmp0, $4  }
0xf: {  	s21 =	simm.s32 $0x0;
	s7 =	sshll.u32 s5, $0xE;
	[tilespmem:$0xA0] =	vst v1;
	[sflag:s0] =	ssyncpa.u1 $0x0  }
0x10: {  	s9 =	sshll.u32 s5, $0x1;
	s12 =	sshllo.u32 s5, $0x1;
	[sflag:s6] =	ssyncpa.u1 $0x0  }
0x11: {  	vm0 =	vmmov $0xffff;
	v2 =	vlaneseq.u32;
	s10 =	sadd.s32 $0x4000, s7;
	s11 =	sor.u32 $0x81, s9;
	[sflag:s8] =	ssyncpa.u1 $0x0  }
0x12: {  	vm1 =	vmxor vm1, vm1;
	vm2 =	vmmov $0x1;
	vm3 =	vcmask $0x3F3C;
	s13 =	sor.u32 $0x80, s9;
	s22 =	smov.u32 s7;
	[sflag:s31] =	ssyncpa.u1 $0x0  }
.LBB2_10:
0x13: {  	p1 =	slt.u32 s21, $0x3  }
0x14: {  	s0 =	simm.s32 @!p1 $0x2  }
0x15: {  	_ =	swait.ge @!p1 [sflag:s0], $0x2000  }
0x16: {  	[sflag:s0] =	ssyncset.done @!p1 $0x0  }
0x17: {  	[sflag:s0] =	ssyncadd.s32 @!p1 $0xFFFFE000;
	s0 =	simm.s32 @!p1 $0x9  }
0x18: {  	_ =	swait.ge @!p1 [sflag:s0], $0x10  }
0x19: {  	s21 =	sadd.s32 $0x1, s21;
	[sflag:s0] =	ssyncset.done @!p1 $0x0  }
0x1a: {  	[sflag:s0] =	ssyncadd.s32 @!p1 $0xFFFFFFF0;
	p1 =	sne.s32 s21, $0x5  }
.Ltmp1:
0x1b: {  	_ = 	snop;
	(pc) =	sbr.rel @!p1 .LBB2_11-.Ltmp1, $4  }
0x1c: {  	s5 =	sadd.s32 $0x2000, s22;
	s24 =	smov.u32 s7  }
0x1d: {  	s15 =	sadd.s32 $0x2000, s15;
	s16 =	sadd.s32 $0x2000, s16;
	p2 =	slt.s32 s5, s10  }
0x1e: {  	s23 =	smov.u32 s22;
	p0 =	por !p0, !p0;
	s24 =	smov.u32 @p2 s5  }
0x1f: {  	s17 =	sadd.s32 $0x2000, s17;
	s18 =	sadd.s32 $0x1, s18;
	s22 =	smov.u32 s24  }
.LBB2_1:
0x20: {  	p1 =	sgt.u32 s21, $0x1  }
0x21: {  	s0 =	sshll.u32 @!p1 s21, $0xD  }
0x22: {  	s5 =	sshrl.u32 @!p1 s22, $0x3;
	s0 =	sand.u32 @!p1 $0x3FFFE000, s0  }
0x23: {  	s24 =	sand.u32 @!p1 $0x7, s22;
	s5 =	sadd.s32 @!p1 s2, s5;
	s0 =	sor.u32 @!p1 $0x100, s0  }
0x24: {  	[tilespmem:s0], [sflag:$0x7] =	stream.linear.gather @!p1 [hbm4b:s5+s24], $0x2000, $0x38;
	[tilespmem:$0x12120] =	vst v63  }
0x25: {  	s0 =	sadd.s32 $0xFFFFFFFF, s21  }
0x26: {  	p1 =	sgt.u32 s0, $0x1  }
.Ltmp2:
0x27: {  	_ = 	snop;
	(pc) =	sbr.rel @p1 .LBB2_5-.Ltmp2, $1  }
0x28: {  	_ =	sdelay $0x3  }
0x29: {  	_ =	swait.ge [sflag:s6], $0x2000;
	s24 =	sshll.u32 s0, $0xD  }
0x2a: {  	[sflag:s6] =	ssyncset.done $0x0;
	s0 =	sor.u32 $0x100, s24  }
0x2b: {  	[sflag:s6] =	ssyncadd.s32 $0xFFFFE000;
	(ifvalue) =	ssetifvalue $0xFFFFFFFF;
	v3 =	vld.msk [tilespmem:s0+$0x0 ss:$0x1], $0xffff;
	_ =	sdelay $0x2  }
0x2c: {  	p1 =	sne.s32 s21, $0x1  }
0x2d: {  	v4 =	vimm.s32 @!p1 $0x0  }
0x2e: {  	v4 =	vperm.xlane @!p1 v3, v4  }
0x2f: {  	s31 =	sshll.u32 s21, $0x4;
	vm4 =	vlt.u32 v3, $0x200000  }
0x30: {  	s0 =	sand.u32 $0x10, s31;
	v3 =	vnsel vm4, $0xFFFFFFFE, v3;
	vm4 =	vlt.u32 @!p1 v4, $0x200000  }
0x31: {  	[tilespmem:s0+$0x60] =	vst v3;
	v3 =	vnsel @!p1 vm4, $0xFFFFFFFE, v4  }
0x32: {  	[tilespmem:$0x80] =	vst @!p1 v3  }
0x33: {  	v3 =	vld.msk [tilespmem:s16+$0x0 ss:$0x1], $0xffff;
	_ =	sdelay $0x4  }
0x34: {  	(xrf1) =	vunique.msk.u32 $0xffff, v3;
	_ =	sdelay $0xd  }
0x35: {  	v4 =	vimm.s32 $0xFFFFFFFF;
	v5, _, _ =	vpop (xrf1)  }
0x36: {  	vm5 =	vne.s32 v3, v4;
	vm4 =	veq.s32 v5, v2  }
0x37: {  	vm6 =	vlt.u32 v3, $0x200000;
	vm4 =	vmand vm5, vm4  }
0x38: {  	vm4 =	vmand vm6, vm4  }
0x39: {  	v4 =	vnsel vm4, $0xFFFFFFFF, v3;
	_ =	sdelay $0x3  }
0x3a: {  	(ifvalue) =	ssetifvalue $0xFFFFFFFF  }
0x3b: {  	v3 =	vperm.xlane v3, v1;
	[tilespmem:s15], [sflag:$0x8] =	stream.indirect_vreg.gather [hbm4b:s1+s14], $0x1, v4, vm0, $0x4038;
	v4 =	vnsel vm6, $0xFFFFFFFE, v4;
	[tilespmem:$0x12120] =	vst v63  }
0x3c: {  	s5 =	sadd.s32 $0xFFFFFFF0, s16;
	s25 =	smov.u32 s15;
	s0 =	simm.s32 $0x0;
	[tilespmem:s16+$0x0] =	vst v4  }
.LBB2_3:
0x3d: {  	v4 =	vld.msk [tilespmem:s5+$0x0 ss:$0x1], $0xffff;
	s0 =	sadd.s32 $0x10, s0;
	v5 =	vmov v3;
	s26 =	smov.u32 s5  }
0x3e: {  	p1 =	slt.u32 s0, $0x1FF0;
	_ =	sdelay $0x4  }
0x3f: {  	v3 =	vperm.xlane v4, v1;
	(xrf1) =	vunique.msk.u32 $0xffff, v4;
	_ =	sdelay $0xd  }
0x40: {  	v6, _, _ =	vpop (xrf1)  }
0x41: {  	vm5 =	vne.s32 v4, v5;
	vm4 =	veq.s32 v6, v2  }
0x42: {  	vm6 =	vlt.u32 v4, $0x200000;
	vm4 =	vmand vm5, vm4  }
0x43: {  	vm4 =	vmand vm6, vm4  }
0x44: {  	v4 =	vnsel vm4, $0xFFFFFFFF, v4  }
.Ltmp3:
0x45: {  	v5 =	vnsel vm6, $0xFFFFFFFE, v4;
	(pc) =	sbr.rel @p1 .LBB2_3-.Ltmp3, $3  }
0x46: {  	_ =	sdelay $0x1  }
0x47: {  	s5 =	sadd.s32 $0xFFFFFFF0, s5;
	s25 =	sadd.s32 $0xFFFFFFF0, s25;
	(ifvalue) =	ssetifvalue $0xFFFFFFFF  }
0x48: {  	[tilespmem:s25], [sflag:$0x8] =	stream.indirect_vreg.gather [hbm4b:s1+s14], $0x1, v4, vm0, $0x4038;
	[tilespmem:s26+$0x0] =	vst v5  }
0x49: {  	s0 =	sshrl.u32 s23, $0x3  }
0x4a: {  	s5 =	sadd.s32 $0xA100, s24;
	s0 =	sadd.s32 s3, s0  }
0x4b: {  	[tilespmem:s5], [sflag:$0x8] =	stream.linear.gather [hbm:s0], $0x2000, $0x38;
	[tilespmem:$0x12120] =	vst v63  }
.LBB2_5:
0x4c: {  	p1 =	sgt.u32 s21, $0x4  }
.Ltmp4:
0x4d: {  	_ = 	snop;
	(pc) =	sbr.rel @p1 .LBB2_7-.Ltmp4, $1  }
0x4e: {  	_ =	sdelay $0x3  }
0x4f: {  	s0 =	sshll.u32 s4, s21  }
0x50: {  	s0 =	sand.u32 $0x13, s0  }
0x51: {  	p1 =	sne.s32 s0, $0x0  }
.Ltmp5:
0x52: {  	_ = 	snop;
	(pc) =	sbr.rel @p1 .LBB2_10-.Ltmp5, $1  }
0x53: {  	_ =	sdelay $0x3  }
.LBB2_7:
0x54: {  	s0 =	sadd.s32 $0xFFFFFFFE, s21  }
0x55: {  	s5 =	smulhi.u32 $0xAAAAAAAB, s0;
	_ =	sdelay $0x1  }
0x56: {  	s5 =	sshrl.u32 s5, $0x1  }
0x57: {  	s5 =	smul.u32 $0x3, s5;
	_ =	sdelay $0x1  }
0x58: {  	_ =	swait.ge [sflag:s8], $0x4000;
	s0 =	ssub.s32 s0, s5  }
0x59: {  	p1 =	sne.s32 s21, $0x3;
	[sflag:s8] =	ssyncset.done $0x0;
	s0 =	sshll.u32 s0, $0xD  }
0x5a: {  	[sflag:s8] =	ssyncadd.s32 $0xFFFFC000;
	s5 =	sadd.s32 @!p1 $0x20FF, s0  }
0x5b: {  	[spmem:s11] =	stream.linear.scatter @!p1 [tilespmem:s5], [sflag:$0x1], $0x1, $0x38;
	[tilespmem:$0x12120] =	vst v63  }
0x5c: {  	s5 =	simm.s32 @!p1 $0x1  }
0x5d: {  	_ =	swait.ge @!p1 [sflag:s5], $0x1  }
0x5e: {  	s23 =	sshll.u32 s21, $0x4;
	[sflag:s5] =	ssyncset.done @!p1 $0x0  }
0x5f: {  	s23 =	sand.u32 $0x10, s23;
	[sflag:s5] =	ssyncadd.s32 @!p1 $0xFFFFFFFF  }
0x60: {  	s5 =	sxor.u32 $0x10, s23;
	v4 =	vld [tilespmem:s23+$0x10]  }
0x61: {  	v5 =	vld [tilespmem:s5+$0x60]  }
0x62: {  	v3 =	vld [tilespmem:$0x80];
	_ =	sdelay $0x2  }
0x63: {  	(v2sf) =	vpush v4, $0x0  }
0x64: {  	(v2sf) =	vpush v5, $0x0  }
0x65: {  	(v2sf) =	vpush v3, $0x0;
	_ =	sdelay $0xc  }
0x66: {  	s24 =	spop (v2sf)  }
0x67: {  	s26 =	spop (v2sf)  }
0x68: {  	s25 =	spop (v2sf)  }
0x69: {  	p3 =	seq.s32 s24, s26;
	p2 =	seq.s32 s25, s24  }
0x6a: {  	p2 =	por p3, p2  }
0x6b: {  	v4 =	vpsel p2, $0xFFFFFFFF, v4  }
0x6c: {  	s24 =	sand.u32 $0x1, s21;
	[tilespmem:s23+$0x10] =	vst.msk $0x1, v4  }
0x6d: {  	s26 =	sshll.u32 s24, $0xD;
	v4 =	vld [tilespmem:$0x30]  }
0x6e: {  	v5 =	vld [tilespmem:s26+$0xA100]  }
0x6f: {  	v6 =	vld [tilespmem:s23+$0x40];
	_ =	sdelay $0x3  }
0x70: {  	vm4 =	vmmov vm1;
	vm6 =	vmmov vm2;
	vm5 =	vlt.s32 v4, v5  }
0x71: {  	vm4 =	vmmov @p3 vm2;
	s24 =	sshll.u32 s24, $0x4;
	v5 =	vsel vm5, v4, v5;
	vm5 =	vlt.s32 v4, v6  }
0x72: {  	vm6 =	vmmov @p2 vm1;
	s24 =	sor.u32 $0x12100, s24;
	v4 =	vsel vm5, v4, v6;
	[tilespmem:s26+$0xA100] =	vst.msk vm4, v5  }
0x73: {  	[tilespmem:s24+$0x0] =	vst.msk vm6, v4  }
0x74: {  	v4 =	vld [tilespmem:s26+$0x80F0];
	_ =	sdelay $0x4  }
0x75: {  	v4 =	vshift.insert v4, v1, s19  }
0x76: {  	s28 =	sor.u32 $0x40, s5  }
0x77: {  	v5 =	vimm.s32 $0x7FFFFFFF;
	[tilespmem:s28+$0x0] =	vst.msk $0x1, v4  }
0x78: {  	[tilespmem:s26+$0x80FF] =	vst.msk $0x1, v5  }
0x79: {  	v4 =	vld [tilespmem:s0+$0x20F0];
	_ =	sdelay $0x2  }
0x7a: {  	s0 =	smulhi.u32 $0xAAAAAAAB, s18  }
0x7b: {  	s28 =	simm.s32 $0x1  }
0x7c: {  	s28 =	simm.s32 @!p0 $0x0;
	s0 =	sshrl.u32 s0, $0x1;
	v4 =	vshift.insert v4, v1, s19  }
0x7d: {  	s28 =	sshll.u32 s28, $0xD;
	s0 =	smul.u32 $0xFFFE8000, s0  }
0x7e: {  	s30 =	sadd.s32 $0xA100, s28;
	[tilespmem:s5+$0x10] =	vst.msk $0x1, v4  }
0x7f: {  	s0 =	sshra.s32 s0, $0x2;
	v6 =	vld [tilespmem:s30+$0x0]  }
0x80: {  	s0 =	sadd.s32 s0, s17  }
0x81: {  	v7 =	vld [tilespmem:s0+$0x0];
	_ =	sdelay $0x2  }
0x82: {  	vm4 =	vlt.s32 v6, v5  }
0x83: {  	v5 =	vsel vm4, v6, v5  }
0x84: {  	vm4 =	vne.s32 v7, $0xFFFFFFFF;
	v5 =	vxor.u32 $0x80000000, v5  }
0x85: {  	(xrf0) =	vmin.seg.scan.u32 vm4, v5  }
0x86: {  	s5 =	sadd.s32 $0x6100, s28  }
0x87: {  	v8 =	vld [tilespmem:s5+$0x0]  }
0x88: {  	v6 =	vld [tilespmem:$0xA0];
	_ =	sdelay $0x2  }
0x89: {  	v5 =	vperm.xlane v4, v1;
	v9, _, _ =	vpop (xrf0)  }
0x8a: {  	vm6 =	veq.s32 v7, v3;
	v9 =	vxor.u32 $0x80000000, v9  }
0x8b: {  	vm8 =	veq.s32 v7, v5;
	vm5 =	veq.s32 v6, $0x1;
	vm7 =	vlt.s32 v9, v8  }
0x8c: {  	vm8 =	vmor vm8, vm6;
	v6 =	vsel vm7, v9, v8;
	vm7 =	vgt.u32 v7, $0xFFFFFFFD  }
0x8d: {  	v10 =	vld [tilespmem:$0x90];
	vm9 =	vmand vm4, vm3;
	vm4 =	vmor vm5, vm6;
	vm5 =	vmor vm8, vm7  }
0x8e: {  	v8 =	vsel vm5, $0xFFFFFFFF, v7;
	_ =	sdelay $0x1  }
0x8f: {  	s29 =	simm.s32 $0x0  }
0x90: {  	s28 =	sadd.s32 $0xE100, s28;
	s31 =	sadd.s32 $0x10, s0;
	s30 =	sadd.s32 $0x10, s30;
	v11 =	vsel vm9, $0x7FFFFFFF, v9;
	v6 =	vsel vm6, v9, v6  }
0x91: {  	s0 =	sadd.s32 $0x10, s28;
	s5 =	sadd.s32 $0x10, s5;
	[tilespmem:s28+$0x0] =	vst v6;
	v6 =	vsel vm6, v9, v10;
	v7 =	vshift.insert v11, v0, s19;
	(ifvalue) =	ssetifvalue $0xFFFFFFFF  }
.LBB2_8:
0x92: {  	[hbm4b:s1+s14] =	stream.indirect_vreg.scatter [tilespmem:s28], [sflag:$0x2], $0x1, v8, vm0, $0x4038;
	[tilespmem:$0x12120] =	vst v63  }
0x93: {  	s29 =	sadd.s32 $0x10, s29;
	s28 =	smov.u32 s0;
	v8 =	vld [tilespmem:s30+$0x0]  }
0x94: {  	p2 =	slt.u32 s29, $0x1FF0  }
0x95: {  	v9 =	vld [tilespmem:s31+$0x0];
	_ =	sdelay $0x2  }
0x96: {  	vm5 =	vlt.s32 v8, v7  }
0x97: {  	v7 =	vsel vm5, v8, v7  }
0x98: {  	vm5 =	vne.s32 v9, $0xFFFFFFFF;
	v7 =	vxor.u32 $0x80000000, v7  }
0x99: {  	(xrf0) =	vmin.seg.scan.u32 vm5, v7;
	_ =	sdelay $0x2  }
0x9a: {  	v7 =	vld [tilespmem:s5+$0x0];
	_ =	sdelay $0x1  }
0x9b: {  	vm6 =	veq.s32 v9, v3;
	vm7 =	veq.s32 v9, v5  }
0x9c: {  	vm8 =	vgt.u32 v9, $0xFFFFFFFD;
	vm4 =	vmor vm4, vm6;
	vm7 =	vmor vm7, vm6;
	v8, _, _ =	vpop (xrf0)  }
0x9d: {  	vm5 =	vmand vm5, vm3;
	vm7 =	vmor vm7, vm8;
	v10 =	vxor.u32 $0x80000000, v8  }
.Ltmp6:
0x9e: {  	v8 =	vsel vm7, $0xFFFFFFFF, v9;
	vm7 =	vlt.s32 v10, v7;
	v9 =	vsel vm5, $0x7FFFFFFF, v10;
	(pc) =	sbr.rel @p2 .LBB2_8-.Ltmp6, $4  }
0x9f: {  	v6 =	vsel vm6, v10, v6;
	v11 =	vsel vm7, v10, v7;
	v7 =	vshift.insert v9, v0, s19  }
0xa0: {  	v9 =	vsel vm6, v10, v11  }
0xa1: {  	s30 =	sadd.s32 $0x10, s30;
	s31 =	sadd.s32 $0x10, s31;
	[tilespmem:s0+$0x0] =	vst v9  }
0xa2: {  	s5 =	sadd.s32 $0x10, s5;
	s0 =	sadd.s32 $0x10, s0;
	(ifvalue) =	ssetifvalue $0xFFFFFFFF  }
0xa3: {  	_ =	sdelay $0x3  }
0xa4: {  	[hbm4b:s1+s14] =	stream.indirect_vreg.scatter [tilespmem:s28], [sflag:$0x2], $0x1, v8, vm0, $0x4038;
	[tilespmem:$0x12120] =	vst v63  }
0xa5: {  	v3 =	vld [tilespmem:s26+$0x100F0];
	_ =	sdelay $0x4  }
0xa6: {  	v3 =	vshift.insert v3, v1, s19;
	_ =	sdelay $0x1  }
0xa7: {  	[tilespmem:s20+$0x0] =	vst.msk $0x1, v3  }
0xa8: {  	v3 =	vsel vm4, $0x1, v1;
	[tilespmem:$0x90] =	vst v6  }
0xa9: {  	s0 =	sadd.s32 @!p1 $0x100FF, s26;
	[tilespmem:$0xA0] =	vst v3  }
0xaa: {  	[spmem:s12] =	stream.linear.scatter @!p1 [tilespmem:s0], [sflag:$0x1], $0x1, $0x38;
	[tilespmem:$0x12120] =	vst v63  }
0xab: {  	s0 =	simm.s32 @!p1 $0x1  }
0xac: {  	v3 =	vmctz.xlane @!p1 vm4;
	_ =	swait.ge @!p1 [sflag:s0], $0x1  }
0xad: {  	(v2sf) =	vpush @!p1 v4, $0x0  }
0xae: {  	(v2sf) =	vpush @!p1 v3, $0x0;
	_ =	sdelay $0xd  }
0xaf: {  	s5 =	spop @!p1 (v2sf)  }
0xb0: {  	s26 =	spop @!p1 (v2sf)  }
0xb1: {  	p2 =	sne.s32 @!p1 s25, s5;
	p3 =	slt.s32 @!p1 s26, $0xF  }
0xb2: {  	[sflag:s0] =	ssyncset.done @!p1 $0x0;
	p2 =	por p2, p1;
	p3 =	por !p3, p1  }
0xb3: {  	[sflag:s0] =	ssyncadd.s32 @!p1 $0xFFFFFFFF;
	v3 =	vimm.s32 @!p2 $0xFFFFFFFF;
	s26 =	simm.s32 @p3 $0xF  }
0xb4: {  	[tilespmem:$0x80] =	vst @!p2 v3;
	s5 =	sadd.s32 @!p1 $0x90, s26  }
0xb5: {  	[spmem:s9] =	stream.linear.scatter @!p1 [tilespmem:s5], [sflag:$0x1], $0x1, $0x38;
	[tilespmem:$0x12120] =	vst v63  }
0xb6: {  	_ =	swait.ge @!p1 [sflag:s0], $0x1  }
0xb7: {  	[sflag:s0] =	ssyncset.done @!p1 $0x0  }
0xb8: {  	s5 =	simm.s32 @!p1 $0x80;
	[sflag:s0] =	ssyncadd.s32 @!p1 $0xFFFFFFFF  }
0xb9: {  	[spmem:s13] =	stream.linear.scatter @!p1 [tilespmem:s5], [sflag:$0x1], $0x1, $0x38;
	[tilespmem:$0x12120] =	vst v63  }
0xba: {  	_ =	swait.ge @!p1 [sflag:s0], $0x1  }
0xbb: {  	[sflag:s0] =	ssyncset.done @!p1 $0x0  }
0xbc: {  	[sflag:s0] =	ssyncadd.s32 @!p1 $0xFFFFFFFF;
	(ifvalue) =	ssetifvalue $0xFFFFFFFF;
	v3 =	vld [tilespmem:s23+$0x10];
	_ =	sdelay $0x3  }
.Ltmp7:
0xbd: {  	_ = 	snop;
	(pc) =	sbr.rel .LBB2_10-.Ltmp7, $3  }
0xbe: {  	_ =	sdelay $0x1  }
0xbf: {  	(ifvalue) =	ssetifvalue $0xFFFFFFFF  }
0xc0: {  	[hbm4b:s1+s14] =	stream.indirect_vreg.scatter [tilespmem:s24], [sflag:$0x9], $0x1, v3, vm0, $0x4038;
	[tilespmem:$0x12120] =	vst v63  }
.LBB2_11:
0xc1: {  	_ =	sfence.sel $0x180000  }
0xc2: {  	s0 =	simm.s32 $0x7;
	[bflag:$0x0] =	sbarrier.arrive $0xFFFF  }
0xc3: {  	s26 =	simm.s32 $0x8;
	[sflag:s0] =	ssyncpa.u1 $0x1  }
0xc4: {  	s28 =	simm.s32 $0x9;
	[sflag:s26] =	ssyncpa.u1 $0x1  }
0xc5: {  	[sflag:s28] =	ssyncpa.u1 $0x1  }
0xc6: {  	_ =	sfence.stream.spmem  }
0xc7: {  	s29 =	simm.s32 $0x3;
	[bflag:$0x0] =	sbarrier.arrive $0xFFFF  }
0xc8: {  	s30 =	simm.s32 $0x4;
	[sflag:s29] =	ssyncpa.u1 $0x1  }
0xc9: {  	s31 =	simm.s32 $0x3C;
	s2 =	stileid.u32;
	[sflag:s30] =	ssyncpa.u1 $0x1  }
0xca: {  	p0 =	sne.s32 s2, $0x0;
	[sflag:s31] =	ssyncpa.u1 $0x1  }
0xcb: {  	s0 =	simm.s32 @p0 $0x1;
	_ =	sfence @p0  }
0xcc: {  	[sflag:s0] =	ssyncpa.u1 @p0 $0x1;
	s0 =	simm.s32 @p0 $0x2  }
0xcd: {  	[sflag:s0] =	ssyncpa.u1 @p0 $0x1  }
0xce: {  	_ =	strace @p0 $0x90000047  }
0xcf: {  	[bflag:$0x2] =	sbarrier.arrive @p0 $0xFFFF  }
0xd0: {  	_ =	shalt @p0  }
.LBB2_12:
0xd1: {  	_ =	sfence.stream.spmem;
	s0 =	simm.s32 $0x5  }
0xd2: {  	s2 =	simm.s32 $0x80;
	s3 =	simm.s32 $0xC0;
	[sflag:s0] =	ssyncpa.u1 $0x0  }
0xd3: {  	[tilespmem:s3], [sflag:$0x5] =	stream.linear.gather [spmem:s2], $0x20, $0x38;
	[tilespmem:$0x12120] =	vst v63  }
0xd4: {  	s30 =	simm.s32 $0xE0;
	s2 =	simm.s32 $0x0  }
0xd5: {  	[tilespmem:s30], [sflag:$0x5] =	stream.linear.gather [spmem:s2], $0x20, $0x38;
	[tilespmem:$0x12120] =	vst v63  }
.Ltmp8:
0xd6: {  	_ = 	snop;
	(pc) =	sbr.rel .LBB2_13-.Ltmp8, $4  }
0xd7: {  	_ =	swait.ge [sflag:s0], $0x40  }
0xd8: {  	[sflag:s0] =	ssyncset.done $0x0  }
0xd9: {  	s31 =	simm.s32 $0x6;
	[sflag:s0] =	ssyncadd.s32 $0xFFFFFFC0  }
0xda: {  	s3 =	simm.s32 $0x0;
	[sflag:s31] =	ssyncpa.u1 $0x0  }
.LBB2_18:
0xdb: {  	p0 =	sgt.u32 s4, $0x1FFFFF  }
0xdc: {  	s0 =	sshrl.u32 @!p0 s4, $0x3  }
0xdd: {  	s4 =	sand.u32 @!p0 $0x7, s4;
	s5 =	simm.s32 @!p0 $0xB0;
	s0 =	sadd.s32 @!p0 s1, s0  }
0xde: {  	[tilespmem:s5], [sflag:$0x6] =	stream.linear.gather @!p0 [hbm4b:s0+s4], $0x1, $0x38;
	[tilespmem:$0x12120] =	vst v63  }
0xdf: {  	s0 =	simm.s32 @!p0 $0x6  }
0xe0: {  	_ =	swait.ge @!p0 [sflag:s0], $0x1  }
0xe1: {  	[sflag:s0] =	ssyncset.done @!p0 $0x0  }
0xe2: {  	[sflag:s0] =	ssyncadd.s32 @!p0 $0xFFFFFFFF  }
0xe3: {  	v1 =	vld.msk @!p0 [tilespmem:$0xB0], $0x1  }
0xe4: {  	v2 =	vld.msk @!p0 [tilespmem:s3+$0xE0], $0x1;
	_ =	sdelay $0x4  }
0xe5: {  	vm0 =	vlt.s32 @!p0 v2, v1  }
0xe6: {  	v1 =	vsel @!p0 vm0, v2, v1  }
0xe7: {  	[tilespmem:s3+$0xE0] =	vst.msk @!p0 $0x1, v1  }
0xe8: {  	[tilespmem:s2+$0xC0] =	vst.msk $0x1, v0  }
0xe9: {  	v0 =	vld.msk [tilespmem:s3+$0xE0], $0x1;
	_ =	sdelay $0x4  }
0xea: {  	[tilespmem:s2+$0xE0] =	vst.msk $0x1, v0;
	s2 =	sadd.s32 $0x1, s2  }
.LBB2_20:
0xeb: {  	s3 =	sadd.s32 $0x1, s3  }
0xec: {  	p0 =	sne.s32 s3, $0x20  }
.Ltmp9:
0xed: {  	_ = 	snop;
	(pc) =	sbr.rel @!p0 .LBB2_21-.Ltmp9, $1  }
0xee: {  	_ =	sdelay $0x3  }
.LBB2_13:
0xef: {  	v0 =	vld.msk [tilespmem:s3+$0xC0], $0x1;
	_ =	sdelay $0x4  }
0xf0: {  	(v2sf) =	vpush v0, $0x0;
	_ =	sdelay $0xe  }
0xf1: {  	s4 =	spop (v2sf)  }
0xf2: {  	p0 =	seq.s32 s4, $0xFFFFFFFF  }
.Ltmp10:
0xf3: {  	_ = 	snop;
	(pc) =	sbr.rel @p0 .LBB2_20-.Ltmp10, $1  }
0xf4: {  	_ =	sdelay $0x3  }
0xf5: {  	p0 =	slt.s32 s2, $0x1  }
.Ltmp11:
0xf6: {  	_ = 	snop;
	(pc) =	sbr.rel @p0 .LBB2_18-.Ltmp11, $1  }
0xf7: {  	_ =	sdelay $0x3  }
0xf8: {  	s0 =	simm.s32 $0xC0;
	p0 =	por $0x0, $0x0  }
0xf9: {  	v1 =	vld.msk @!p0 [tilespmem:s0+$0x0], $0x1;
	_ =	sdelay $0x4  }
0xfa: {  	(v2sf) =	vpush @!p0 v1, $0x0;
	_ =	sdelay $0xd  }
0xfb: {  	p2 =	sne.s32 s2, $0x1  }
.Ltmp12:
0xfc: {  	s5 =	spop @!p0 (v2sf);
	(pc) =	sbr.rel @!p2 .LBB2_17-.Ltmp12, $4  }
0xfd: {  	p1 =	seq.s32 @!p0 s4, s5  }
0xfe: {  	s5 =	simm.s32 $0x0;
	p1 =	por !p1, p0  }
0xff: {  	s7 =	simm.s32 $0xFFFFFFFF;
	s5 =	simm.s32 @p1 $0xFFFFFFFF  }
0x100: {  	s6 =	simm.s32 $0x1;
	s5 =	smov.u32 @p0 s7  }
.LBB2_16:
0x101: {  	s7 =	smov.u32 s5;
	p0 =	sne.s32 s5, $0xFFFFFFFF  }
0x102: {  	s0 =	sadd.s32 $0x1, s0;
	s5 =	smov.u32 s6;
	s6 =	sadd.s32 $0x1, s6  }
0x103: {  	p1 =	sne.s32 s2, s6;
	v1 =	vld.msk @!p0 [tilespmem:s0+$0x0], $0x1;
	_ =	sdelay $0x4  }
0x104: {  	(v2sf) =	vpush @!p0 v1, $0x0;
	_ =	sdelay $0xe  }
.Ltmp13:
0x105: {  	s8 =	spop @!p0 (v2sf);
	(pc) =	sbr.rel @p1 .LBB2_16-.Ltmp13, $4  }
0x106: {  	p2 =	seq.s32 @!p0 s4, s8  }
0x107: {  	p2 =	por !p2, p0  }
0x108: {  	s5 =	simm.s32 @p2 $0xFFFFFFFF  }
0x109: {  	s5 =	smov.u32 @p0 s7  }
.LBB2_17:
0x10a: {  	p0 =	sne.s32 s5, $0xFFFFFFFF  }
.Ltmp14:
0x10b: {  	_ = 	snop;
	(pc) =	sbr.rel @!p0 .LBB2_18-.Ltmp14, $1  }
0x10c: {  	_ =	sdelay $0x3  }
0x10d: {  	v0 =	vld.msk [tilespmem:s3+$0xE0], $0x1  }
0x10e: {  	v1 =	vld.msk [tilespmem:s5+$0xE0], $0x1;
	_ =	sdelay $0x2  }
.Ltmp15:
0x10f: {  	_ = 	snop;
	(pc) =	sbr.rel .LBB2_20-.Ltmp15, $4  }
0x110: {  	_ = 	snop  }
0x111: {  	vm0 =	vlt.s32 v1, v0  }
0x112: {  	v0 =	vsel vm0, v1, v0  }
0x113: {  	[tilespmem:s5+$0xE0] =	vst.msk $0x1, v0  }
.LBB2_21:
0x114: {  	p0 =	slt.s32 s2, $0x1  }
.Ltmp16:
0x115: {  	_ = 	snop;
	(pc) =	sbr.rel @p0 .LBB2_25-.Ltmp16, $3  }
0x116: {  	_ =	sdelay $0x1  }
0x117: {  	s0 =	simm.s32 $0x6  }
0x118: {  	s3 =	simm.s32 $0x0;
	[sflag:s0] =	ssyncpa.u1 $0x1  }
0x119: {  	s0 =	simm.s32 $0xC0  }
0x11a: {  	v0 =	vld.msk [tilespmem:s0+$0x0], $0x1;
	_ =	sdelay $0x4  }
0x11b: {  	(v2sf) =	vpush v0, $0x0;
	_ =	sdelay $0xe  }
0x11c: {  	s2 =	sadd.s32 $0xFFFFFFFF, s2;
	s4 =	spop (v2sf)  }
0x11d: {  	p1 =	sne.s32 s2, $0x0;
	p0 =	sgt.u32 s4, $0x1FFFFF  }
.Ltmp17:
0x11e: {  	s5 =	sshrl.u32 @!p0 s4, $0x3;
	(pc) =	sbr.rel @!p1 .LBB2_24-.Ltmp17, $4  }
0x11f: {  	s0 =	simm.s32 $0xE0;
	s4 =	sand.u32 @!p0 $0x7, s4;
	s5 =	sadd.s32 @!p0 s1, s5  }
0x120: {  	[hbm4b:s5+s4] =	stream.linear.scatter @!p0 [tilespmem:s0], [sflag:$0x5], $0x1, $0x38;
	[tilespmem:$0x12120] =	vst v63  }
0x121: {  	s5 =	simm.s32 $0x0  }
0x122: {  	s4 =	simm.s32 $0xC1;
	s5 =	simm.s32 @!p0 $0x4  }
.LBB2_23:
0x123: {  	v0 =	vld.msk [tilespmem:s4+$0x0], $0x1;
	s2 =	sadd.s32 $0xFFFFFFFF, s2;
	s3 =	sadd.s32 s3, s5  }
0x124: {  	p0 =	sne.s32 s2, $0x0;
	_ =	sdelay $0x3  }
0x125: {  	(v2sf) =	vpush v0, $0x0;
	_ =	sdelay $0xe  }
.Ltmp18:
0x126: {  	s6 =	spop (v2sf);
	(pc) =	sbr.rel @p0 .LBB2_23-.Ltmp18, $4  }
0x127: {  	s5 =	simm.s32 $0x0;
	p1 =	sgt.u32 s6, $0x1FFFFF  }
0x128: {  	s0 =	sadd.s32 $0x1, s0;
	s5 =	simm.s32 @!p1 $0x4;
	s7 =	sshrl.u32 @!p1 s6, $0x3  }
0x129: {  	s4 =	sadd.s32 $0x1, s4;
	s6 =	sand.u32 @!p1 $0x7, s6;
	s7 =	sadd.s32 @!p1 s1, s7  }
0x12a: {  	[hbm4b:s7+s6] =	stream.linear.scatter @!p1 [tilespmem:s0], [sflag:$0x5], $0x1, $0x38;
	[tilespmem:$0x12120] =	vst v63  }
.LBB2_24:
0x12b: {  	s0 =	sadd.s32 s3, s5  }
0x12c: {  	s3 =	sshrl.u32 s0, $0x2  }
.LBB2_25:
0x12d: {  	s0 =	simm.s32 $0x5  }
0x12e: {  	_ =	swait.ge [sflag:s0], s3  }
0x12f: {  	s1 =	ssub.s32 $0x0, s3;
	[sflag:s0] =	ssyncset.done $0x0  }
0x130: {  	[sflag:s0] =	ssyncadd.s32 s1  }
0x131: {  	[sflag:s0] =	ssyncpa.u1 $0x1  }
0x132: {  	s29 =	simm.s32 $0x1;
	_ =	sfence  }
0x133: {  	s30 =	simm.s32 $0x2;
	[sflag:s29] =	ssyncpa.u1 $0x1  }
0x134: {  	[sflag:s30] =	ssyncpa.u1 $0x1  }
0x135: {  	_ =	strace $0x90000047  }
0x136: {  	[bflag:$0x2] =	sbarrier.arrive $0xFFFF  }
0x137: {  	s31 =	rddreg [dreg:$0x3]  }
0x138: {  	s0 =	sadd.s32 $0x100000, s31  }
0x139: {  	[sflag:s0] =	ssyncadd.tile.s32 $0x1;
	_ =	shalt  }
.Lfunc_end2:
_tile_overlayer_lowered:
.L_overlay_start_2:
0x13a: {  	(tag) =	ssettag $0x2  }
0x13b: {  	s0 =	rddreg [dreg:$0x0];
	s2 =	stileid.u32  }
0x13c: {  	s1 =	rddreg [dreg:$0x1];
	p0 =	sne.s32 s2, $0x0  }
0x13d: {  	s3 =	rddreg [dreg:$0x2];
	[bflag:$0x3] =	sbarrier.arrive $0xFFFF;
	s2 =	simm.s32 @!p0 $0x1C01  }
0x13e: {  	[timem:s3], [sflag:s2] =	dma.local @!p0 [hbm:s0], s1  }
0x13f: {  	s0 =	simm.s32 @!p0 $0x1  }
0x140: {  	_ =	swait.ge @!p0 [sflag:s0], s1  }
0x141: {  	s1 =	ssub.s32 @!p0 $0x0, s1;
	[sflag:s0] =	ssyncset.done @!p0 $0x0  }
0x142: {  	[sflag:s0] =	ssyncadd.s32 @!p0 s1  }
0x143: {  	[bflag:$0x3] =	sbarrier.arrive $0xFFFF  }
0x144: {  	_ =	shalt  }

</sc_bundles>
